<compile_context>
chip_gen: v7x
topology: tpu7x:2x2x1
jax: 0.10.2.dev20260603
libtpu: 0.0.44.dev20260713+nightly
codegen_flags: <defaults>
</compile_context>

<pallas_src>
import dataclasses

import jax
import jax.numpy as jnp
from jax import lax
from jax.experimental import pallas as pl
from jax.experimental.pallas import tpu as pltpu
from jax.experimental.pallas import tpu_sc as plsc

N_NODES = 100000
N_EDGES = 6400000

NC = 2
NS = 16
NW = NC * NS

BLK = 512
SEG = 128
NSEG = BLK // SEG
NSTEP = BLK // 16
NTOT = N_EDGES // BLK
NBLK_Q, NBLK_R = divmod(NTOT, NW)

NPAD = 100352
ROWS_PER_TILE = NPAD // NS
FIN_PER_W = NPAD // NW
FIN_STEP = FIN_PER_W // 16
LAST_W_ROWS = N_NODES - (NW - 1) * FIN_PER_W
PAIRS = NPAD // 2
TBL_PER_TILE = PAIRS // NS

_mesh = plsc.VectorSubcoreMesh(core_axis_name="c", subcore_axis_name="s")

_cparams = pltpu.CompilerParams()
for _f, _v in (("needs_layout_passes", False), ("use_tc_tiling_on_sc", False)):
    if _f in pltpu.CompilerParams.__dataclass_fields__:
        _cparams = dataclasses.replace(_cparams, **{_f: _v})


NSLOT = 3
NTRI = NBLK_Q // NSLOT


def _edge_kernel(h_hbm, hp_hbm, ei_hbm, zrows_hbm, minit_hbm,
                 acc0_hbm, acc1_hbm,
                 idx_s0, idx_d0, idx_h0, idx_s1, idx_d1, idx_h1,
                 idx_s2, idx_d2, idx_h2,
                 rows_s0, rows_d0, rows_s1, rows_d1, rows_s2, rows_d2,
                 msg0, msg1, msg2, acc_sh, tbl_sh,
                 semG0, semG1, semG2, semS0, semS1, semS2,
                 semD0, semD1, semD2):
    c = lax.axis_index("c")
    s = lax.axis_index("s")
    wid = c * NS + s

    slots = [
        (idx_s0, idx_d0, idx_h0, rows_s0, rows_d0, msg0, semG0, semS0, semD0),
        (idx_s1, idx_d1, idx_h1, rows_s1, rows_d1, msg1, semG1, semS1, semD1),
        (idx_s2, idx_d2, idx_h2, rows_s2, rows_d2, msg2, semG2, semS2, semD2),
    ]

    pltpu.sync_copy(zrows_hbm, acc_sh.at[pl.ds(s * ROWS_PER_TILE, ROWS_PER_TILE)])
    pltpu.sync_copy(hp_hbm.at[pl.ds(s * TBL_PER_TILE, TBL_PER_TILE)],
                    tbl_sh.at[pl.ds(s * TBL_PER_TILE, TBL_PER_TILE)])
    for sl in slots:
        pltpu.sync_copy(minit_hbm, sl[5])
    plsc.subcore_barrier()

    iota = lax.iota(jnp.int32, 16)

    def load_idx(blk, idx_s, idx_d, idx_h):
        off = pl.multiple_of(blk * BLK, BLK)
        pltpu.sync_copy(ei_hbm.at[0, pl.ds(off, BLK)], idx_s)
        pltpu.sync_copy(ei_hbm.at[1, pl.ds(off, BLK)], idx_d)

        @pl.loop(0, NSTEP)
        def _half(k):
            r = pl.multiple_of(k * 16, 16)
            idx_h[pl.ds(r, 16)] = jnp.right_shift(idx_d[pl.ds(r, 16)], 1)

    def fire_gathers(idx_s, idx_h, rows_s, rows_d, sem, semd):
        @pl.loop(0, NSEG)
        def _g(j):
            off = pl.multiple_of(j * SEG, SEG)
            pltpu.async_copy(h_hbm.at[idx_s.at[pl.ds(off, SEG)]],
                             rows_s.at[pl.ds(off, SEG)], sem)
            pltpu.async_copy(tbl_sh.at[idx_h.at[pl.ds(off, SEG)]],
                             rows_d.at[pl.ds(off, SEG)], semd)

    def drain(buf, sem):
        pltpu.make_async_copy(h_hbm.at[pl.ds(0, BLK)], buf, sem).wait()

    def compute(idx_d, rows_s, rows_d, msg):
        @pl.loop(0, NSTEP)
        def _compute(k):
            r = k * 16 + iota
            dv = idx_d[pl.ds(pl.multiple_of(k * 16, 16), 16)]
            pofs = (dv & jnp.int32(1)) * jnp.int32(4)
            s0 = plsc.load_gather(rows_s, [r, jnp.zeros((16,), jnp.int32)])
            s1 = plsc.load_gather(rows_s, [r, jnp.full((16,), 1, jnp.int32)])
            s2 = plsc.load_gather(rows_s, [r, jnp.full((16,), 2, jnp.int32)])
            s3 = plsc.load_gather(rows_s, [r, jnp.full((16,), 3, jnp.int32)])
            d0 = plsc.load_gather(rows_d, [r, pofs])
            d1 = plsc.load_gather(rows_d, [r, pofs + jnp.int32(1)])
            d2 = plsc.load_gather(rows_d, [r, pofs + jnp.int32(2)])
            d3 = plsc.load_gather(rows_d, [r, pofs + jnp.int32(3)])
            px = s0 - d0
            py = s1 - d1
            vx = s2 - d2
            vy = s3 - d3
            nsq = px * px + py * py
            inv = jnp.float32(1.0) / nsq
            zero = nsq == jnp.float32(0.0)
            cx = jnp.where(zero, jnp.float32(0.0), px * jnp.float32(-5.0) * inv)
            cy = jnp.where(zero, jnp.float32(0.0), py * jnp.float32(-5.0) * inv)
            mx = px * jnp.float32(0.05) + vx
            my = py * jnp.float32(0.05) + vy
            plsc.store_scatter(msg, [r, jnp.zeros((16,), jnp.int32)], mx)
            plsc.store_scatter(msg, [r, jnp.full((16,), 1, jnp.int32)], my)
            plsc.store_scatter(msg, [r, jnp.full((16,), 2, jnp.int32)], cx)
            plsc.store_scatter(msg, [r, jnp.full((16,), 3, jnp.int32)], cy)

    def fire_scatter(msg, idx_d, sem):
        @pl.loop(0, NSEG)
        def _s(j):
            off = pl.multiple_of(j * SEG, SEG)
            pltpu.async_copy(msg.at[pl.ds(off, SEG)],
                             acc_sh.at[idx_d.at[pl.ds(off, SEG)]],
                             sem, add=True)

    nblk = jnp.where(wid < NBLK_R, NBLK_Q + 1, NBLK_Q)
    base = wid * NBLK_Q + jnp.minimum(wid, NBLK_R)

    def process(sl):
        idx_s, idx_d, idx_h, rows_s, rows_d, msg, semG, semS, semD = sl
        drain(rows_s, semG)
        drain(rows_d, semD)
        compute(idx_d, rows_s, rows_d, msg)
        fire_scatter(msg, idx_d, semS)

    def prefetch(sl, blk, cond):
        idx_s, idx_d, idx_h, rows_s, rows_d, msg, semG, semS, semD = sl

        @pl.when(cond)
        def _p():
            drain(msg, semS)
            load_idx(blk, idx_s, idx_d, idx_h)
            fire_gathers(idx_s, idx_h, rows_s, rows_d, semG, semD)

    for k, sl in enumerate(slots):
        load_idx(base + k, sl[0], sl[1], sl[2])
        fire_gathers(sl[0], sl[2], sl[3], sl[4], sl[6], sl[8])

    @pl.loop(0, NTRI)
    def _tri(i):
        b0 = base + NSLOT * i
        process(slots[0])
        process(slots[1])
        prefetch(slots[0], b0 + NSLOT, NSLOT * i + NSLOT < nblk)
        process(slots[2])
        prefetch(slots[1], b0 + NSLOT + 1, NSLOT * i + NSLOT + 1 < nblk)
        prefetch(slots[2], b0 + NSLOT + 2, NSLOT * i + NSLOT + 2 < nblk)

    @pl.when(nblk % NSLOT == 1)
    def _tail():
        process(slots[0])

    for sl in slots:
        drain(sl[5], sl[7])
    plsc.subcore_barrier()

    @pl.when(c == 0)
    def _out0():
        pltpu.sync_copy(acc_sh.at[pl.ds(s * ROWS_PER_TILE, ROWS_PER_TILE)],
                        acc0_hbm.at[pl.ds(s * ROWS_PER_TILE, ROWS_PER_TILE)])

    @pl.when(c == 1)
    def _out1():
        pltpu.sync_copy(acc_sh.at[pl.ds(s * ROWS_PER_TILE, ROWS_PER_TILE)],
                        acc1_hbm.at[pl.ds(s * ROWS_PER_TILE, ROWS_PER_TILE)])


def _final_kernel(acc0_hbm, acc1_hbm, out_hbm, a0, a1, ob):
    c = lax.axis_index("c")
    s = lax.axis_index("s")
    wid = c * NS + s
    r0 = wid * FIN_PER_W

    pltpu.sync_copy(acc0_hbm.at[pl.ds(r0, FIN_PER_W)], a0)
    pltpu.sync_copy(acc1_hbm.at[pl.ds(r0, FIN_PER_W)], a1)

    iota = lax.iota(jnp.int32, 16)

    @pl.loop(0, FIN_STEP)
    def _step(k):
        r = k * 16 + iota
        cols = [jnp.full((16,), j, jnp.int32) for j in range(5)]
        mx = plsc.load_gather(a0, [r, cols[0]]) + plsc.load_gather(a1, [r, cols[0]])
        my = plsc.load_gather(a0, [r, cols[1]]) + plsc.load_gather(a1, [r, cols[1]])
        cx = plsc.load_gather(a0, [r, cols[2]]) + plsc.load_gather(a1, [r, cols[2]])
        cy = plsc.load_gather(a0, [r, cols[3]]) + plsc.load_gather(a1, [r, cols[3]])
        cnt = plsc.load_gather(a0, [r, cols[4]]) + plsc.load_gather(a1, [r, cols[4]])
        cnt = jnp.maximum(cnt, jnp.float32(1.0))
        ox = cx + mx / cnt
        oy = cy + my / cnt
        plsc.store_scatter(ob, [r, jnp.zeros((16,), jnp.int32)], ox)
        plsc.store_scatter(ob, [r, jnp.full((16,), 1, jnp.int32)], oy)

    @pl.when(wid < NW - 1)
    def _full():
        pltpu.sync_copy(ob, out_hbm.at[pl.ds(r0, FIN_PER_W)])

    @pl.when(wid == NW - 1)
    def _last():
        pltpu.sync_copy(ob.at[pl.ds(0, LAST_W_ROWS)],
                        out_hbm.at[pl.ds(r0, LAST_W_ROWS)])


@jax.jit
def _run(h, hp, edge_index):
    zrows = jnp.zeros((ROWS_PER_TILE, 8), jnp.float32)
    minit = jnp.zeros((BLK, 8), jnp.float32).at[:, 4].set(1.0)

    edge_k = pl.kernel(
        _edge_kernel,
        out_type=[jax.ShapeDtypeStruct((NPAD, 8), jnp.float32),
                  jax.ShapeDtypeStruct((NPAD, 8), jnp.float32)],
        mesh=_mesh,
        scratch_types=(
            [pltpu.VMEM((BLK,), jnp.int32)] * 9
            + [pltpu.VMEM((BLK, 8), jnp.float32)] * 9
            + [pltpu.VMEM_SHARED((NPAD, 8), jnp.float32)]
            + [pltpu.VMEM_SHARED((PAIRS, 8), jnp.float32)]
            + [pltpu.SemaphoreType.DMA] * 9
        ),
        compiler_params=_cparams,
    )
    acc0, acc1 = edge_k(h, hp, edge_index, zrows, minit)

    final_k = pl.kernel(
        _final_kernel,
        out_type=jax.ShapeDtypeStruct((N_NODES, 2), jnp.float32),
        mesh=_mesh,
        scratch_types=[
            pltpu.VMEM((FIN_PER_W, 8), jnp.float32),
            pltpu.VMEM((FIN_PER_W, 8), jnp.float32),
            pltpu.VMEM((FIN_PER_W, 2), jnp.float32),
        ],
        compiler_params=_cparams,
    )
    return final_k(acc0, acc1)


def kernel(pos, vel, edge_index):
    h4 = jnp.concatenate([pos, vel], axis=-1)
    h4 = jnp.pad(h4, ((0, NPAD - N_NODES), (0, 0)))
    h = jnp.pad(h4, ((0, 0), (0, 4)))
    hp = h4.reshape(PAIRS, 8)
    return _run(h, hp, edge_index)

# --- scband reference (transcript-rebuilt; emitter-appended) ---
"""Pipeline reference for scband-reynolds-flocking-model-53644141527376 (READ-ONLY COPY).

The authoritative reference and input builder live on the scoring server;
editing this copy changes nothing except your own understanding.
"""

import jax, jax.numpy as jnp
import numpy as np

N = 100000
E = 6400000

def setup_inputs(seed: int = 0) -> dict:
    key = jax.random.key(seed)
    k1, k2, k3, k4 = jax.random.split(key, 4)
    pos = jax.random.normal(k1, (N, 2), dtype=jnp.float32)
    vel = jax.random.normal(k2, (N, 2), dtype=jnp.float32)
    src = jax.random.randint(k3, (E,), 0, N, dtype=jnp.int32)
    dst = jax.random.randint(k4, (E,), 0, N, dtype=jnp.int32)
    # avoid self-loops (pos_dif == 0 -> 0/0 NaN path); forward is still faithful
    dst = jnp.where(src == dst, (dst + 1) % N, dst)
    edge_index = jnp.stack([src, dst], axis=0)
    return {"pos": pos, "vel": vel, "edge_index": edge_index}

def reference(pos, vel, edge_index):
    h = jnp.concatenate([pos, vel], axis=-1)  # [N, 4]
    src = edge_index[0]
    dst = edge_index[1]
    h_j = jnp.take(h, src, axis=0)  # source node features
    h_i = jnp.take(h, dst, axis=0)  # destination node features
    h_dif = h_j - h_i
    pos_dif = h_dif[:, :2]
    vel_dif = h_dif[:, 2:]
    norm_sq = jnp.linalg.norm(pos_dif, axis=1) ** 2
    coll = -pos_dif / norm_sq[:, None]
    coll = jnp.nan_to_num(coll, nan=0.0, posinf=0.0, neginf=0.0)
    msg = jnp.concatenate([pos_dif / 20 + vel_dif, coll * 5], axis=1)  # [E, 4]
    mean_in = msg[:, :2]
    coll_msg = msg[:, 2:]
    n = h.shape[0]
    add_out = jax.ops.segment_sum(coll_msg, dst, num_segments=n)
    sum_mean = jax.ops.segment_sum(mean_in, dst, num_segments=n)
    counts = jax.ops.segment_sum(jnp.ones((msg.shape[0],), dtype=msg.dtype), dst, num_segments=n)
    mean_out = sum_mean / jnp.maximum(counts, 1.0)[:, None]
    # update: add_aggr + mean_aggr
    return add_out + mean_out

if __name__ == "__main__":
    import jax
    _d = setup_inputs()
    print(jax.jit(kernel)(*tuple(_d.values())))

</pallas_src>

<mosaic_0001>
#map = affine_map<(d0, d1) -> (0, 0)>
module attributes {stable_mosaic.version = 14 : i64} {
  func.func @_edge_kernel(%arg0: i32, %arg1: i32, %arg2: memref<100352x8xf32, #tpu.memory_space<hbm>>, %arg3: memref<50176x8xf32, #tpu.memory_space<hbm>>, %arg4: memref<2x6400000xi32, #tpu.memory_space<hbm>>, %arg5: memref<6272x8xf32, #tpu.memory_space<hbm>>, %arg6: memref<512x8xf32, #tpu.memory_space<hbm>>, %arg7: memref<100352x8xf32, #tpu.memory_space<hbm>>, %arg8: memref<100352x8xf32, #tpu.memory_space<hbm>>, %arg9: memref<512xi32, #tpu.memory_space<vmem>>, %arg10: memref<512xi32, #tpu.memory_space<vmem>>, %arg11: memref<512xi32, #tpu.memory_space<vmem>>, %arg12: memref<512xi32, #tpu.memory_space<vmem>>, %arg13: memref<512xi32, #tpu.memory_space<vmem>>, %arg14: memref<512xi32, #tpu.memory_space<vmem>>, %arg15: memref<512xi32, #tpu.memory_space<vmem>>, %arg16: memref<512xi32, #tpu.memory_space<vmem>>, %arg17: memref<512xi32, #tpu.memory_space<vmem>>, %arg18: memref<512x8xf32, #tpu.memory_space<vmem>>, %arg19: memref<512x8xf32, #tpu.memory_space<vmem>>, %arg20: memref<512x8xf32, #tpu.memory_space<vmem>>, %arg21: memref<512x8xf32, #tpu.memory_space<vmem>>, %arg22: memref<512x8xf32, #tpu.memory_space<vmem>>, %arg23: memref<512x8xf32, #tpu.memory_space<vmem>>, %arg24: memref<512x8xf32, #tpu.memory_space<vmem>>, %arg25: memref<512x8xf32, #tpu.memory_space<vmem>>, %arg26: memref<512x8xf32, #tpu.memory_space<vmem>>, %arg27: memref<100352x8xf32, #tpu.memory_space<vmem_shared>>, %arg28: memref<50176x8xf32, #tpu.memory_space<vmem_shared>>, %arg29: memref<!tpu.dma_semaphore, #tpu.memory_space<semaphore_mem>>, %arg30: memref<!tpu.dma_semaphore, #tpu.memory_space<semaphore_mem>>, %arg31: memref<!tpu.dma_semaphore, #tpu.memory_space<semaphore_mem>>, %arg32: memref<!tpu.dma_semaphore, #tpu.memory_space<semaphore_mem>>, %arg33: memref<!tpu.dma_semaphore, #tpu.memory_space<semaphore_mem>>, %arg34: memref<!tpu.dma_semaphore, #tpu.memory_space<semaphore_mem>>, %arg35: memref<!tpu.dma_semaphore, #tpu.memory_space<semaphore_mem>>, %arg36: memref<!tpu.dma_semaphore, #tpu.memory_space<semaphore_mem>>, %arg37: memref<!tpu.dma_semaphore, #tpu.memory_space<semaphore_mem>>) attributes {dimension_semantics = [#tpu.dimension_semantics<core_parallel>, #tpu.dimension_semantics<subcore_parallel>], iteration_bounds = array<i64: 2, 16>, scalar_prefetch = 0 : i64, scratch_operands = 29 : i64, tpu.core_type = #tpu.core_type<sc_vector_subcore>, window_params = [{transform_indices = #map}, {transform_indices = #map}, {transform_indices = #map}, {transform_indices = #map}, {transform_indices = #map}, {transform_indices = #map}, {transform_indices = #map}]} {
    %mul3A = arith.constant 16 : i32
    %mul3A_0 = arith.muli %arg0, %mul3A : i32
    %add3A = arith.addi %mul3A_0, %arg1 : i32
    %mul3A_1 = arith.constant 6272 : i32
    %mul3A_2 = arith.muli %arg1, %mul3A_1 : i32
    "tpu.region"() ({
      %run_scoped3A_109 = tpu.sem_alloc : memref<!tpu.dma_semaphore, #tpu.memory_space<semaphore_mem>>
      %dma_start3A = arith.constant 0 : i32
      %dma_start3A_110 = tpu.memref_slice %arg27[%mul3A_2, %dma_start3A] : memref<100352x8xf32, #tpu.memory_space<vmem_shared>> -> memref<6272x8xf32, #tpu.memory_space<vmem_shared>>
      tpu.enqueue_dma source(%arg5 : memref<6272x8xf32, #tpu.memory_space<hbm>>) target(%dma_start3A_110 : memref<6272x8xf32, #tpu.memory_space<vmem_shared>>) target_semaphore(%run_scoped3A_109 : memref<!tpu.dma_semaphore, #tpu.memory_space<semaphore_mem>>)
      %dma_wait3A_111 = arith.constant 0 : i32
      %dma_wait3A_112 = tpu.memref_slice %arg27[%mul3A_2, %dma_wait3A_111] : memref<100352x8xf32, #tpu.memory_space<vmem_shared>> -> memref<6272x8xf32, #tpu.memory_space<vmem_shared>>
      tpu.wait_dma2 semaphore(%run_scoped3A_109 : memref<!tpu.dma_semaphore, #tpu.memory_space<semaphore_mem>>) src(%arg5 : memref<6272x8xf32, #tpu.memory_space<hbm>>) dst(%dma_wait3A_112 : memref<6272x8xf32, #tpu.memory_space<vmem_shared>>)
      tpu.yield
    }) : () -> ()
    %mul3A_3 = arith.constant 3136 : i32
    %mul3A_4 = arith.muli %arg1, %mul3A_3 : i32
    %mul3A_5 = arith.constant 3136 : i32
    %mul3A_6 = arith.muli %arg1, %mul3A_5 : i32
    "tpu.region"() ({
      %run_scoped3A_109 = tpu.sem_alloc : memref<!tpu.dma_semaphore, #tpu.memory_space<semaphore_mem>>
      %dma_start3A = arith.constant 0 : i32
      %dma_start3A_110 = tpu.memref_slice %arg28[%mul3A_6, %dma_start3A] : memref<50176x8xf32, #tpu.memory_space<vmem_shared>> -> memref<3136x8xf32, #tpu.memory_space<vmem_shared>>
      %dma_start3A_111 = arith.constant 0 : i32
      %dma_start3A_112 = tpu.memref_slice %arg3[%mul3A_4, %dma_start3A_111] : memref<50176x8xf32, #tpu.memory_space<hbm>> -> memref<3136x8xf32, #tpu.memory_space<hbm>>
      tpu.enqueue_dma source(%dma_start3A_112 : memref<3136x8xf32, #tpu.memory_space<hbm>>) target(%dma_start3A_110 : memref<3136x8xf32, #tpu.memory_space<vmem_shared>>) target_semaphore(%run_scoped3A_109 : memref<!tpu.dma_semaphore, #tpu.memory_space<semaphore_mem>>)
      %dma_wait3A_113 = arith.constant 0 : i32
      %dma_wait3A_114 = tpu.memref_slice %arg28[%mul3A_6, %dma_wait3A_113] : memref<50176x8xf32, #tpu.memory_space<vmem_shared>> -> memref<3136x8xf32, #tpu.memory_space<vmem_shared>>
      %dma_wait3A_115 = arith.constant 0 : i32
      %dma_wait3A_116 = tpu.memref_slice %arg3[%mul3A_4, %dma_wait3A_115] : memref<50176x8xf32, #tpu.memory_space<hbm>> -> memref<3136x8xf32, #tpu.memory_space<hbm>>
      tpu.wait_dma2 semaphore(%run_scoped3A_109 : memref<!tpu.dma_semaphore, #tpu.memory_space<semaphore_mem>>) src(%dma_wait3A_116 : memref<3136x8xf32, #tpu.memory_space<hbm>>) dst(%dma_wait3A_114 : memref<3136x8xf32, #tpu.memory_space<vmem_shared>>)
      tpu.yield
    }) : () -> ()
    "tpu.region"() ({
      %run_scoped3A_109 = tpu.sem_alloc : memref<!tpu.dma_semaphore, #tpu.memory_space<semaphore_mem>>
      tpu.enqueue_dma source(%arg6 : memref<512x8xf32, #tpu.memory_space<hbm>>) target(%arg24 : memref<512x8xf32, #tpu.memory_space<vmem>>) target_semaphore(%run_scoped3A_109 : memref<!tpu.dma_semaphore, #tpu.memory_space<semaphore_mem>>)
      tpu.wait_dma2 semaphore(%run_scoped3A_109 : memref<!tpu.dma_semaphore, #tpu.memory_space<semaphore_mem>>) src(%arg6 : memref<512x8xf32, #tpu.memory_space<hbm>>) dst(%arg24 : memref<512x8xf32, #tpu.memory_space<vmem>>)
      tpu.yield
    }) : () -> ()
    "tpu.region"() ({
      %run_scoped3A_109 = tpu.sem_alloc : memref<!tpu.dma_semaphore, #tpu.memory_space<semaphore_mem>>
      tpu.enqueue_dma source(%arg6 : memref<512x8xf32, #tpu.memory_space<hbm>>) target(%arg25 : memref<512x8xf32, #tpu.memory_space<vmem>>) target_semaphore(%run_scoped3A_109 : memref<!tpu.dma_semaphore, #tpu.memory_space<semaphore_mem>>)
      tpu.wait_dma2 semaphore(%run_scoped3A_109 : memref<!tpu.dma_semaphore, #tpu.memory_space<semaphore_mem>>) src(%arg6 : memref<512x8xf32, #tpu.memory_space<hbm>>) dst(%arg25 : memref<512x8xf32, #tpu.memory_space<vmem>>)
      tpu.yield
    }) : () -> ()
    "tpu.region"() ({
      %run_scoped3A_109 = tpu.sem_alloc : memref<!tpu.dma_semaphore, #tpu.memory_space<semaphore_mem>>
      tpu.enqueue_dma source(%arg6 : memref<512x8xf32, #tpu.memory_space<hbm>>) target(%arg26 : memref<512x8xf32, #tpu.memory_space<vmem>>) target_semaphore(%run_scoped3A_109 : memref<!tpu.dma_semaphore, #tpu.memory_space<semaphore_mem>>)
      tpu.wait_dma2 semaphore(%run_scoped3A_109 : memref<!tpu.dma_semaphore, #tpu.memory_space<semaphore_mem>>) src(%arg6 : memref<512x8xf32, #tpu.memory_space<hbm>>) dst(%arg26 : memref<512x8xf32, #tpu.memory_space<vmem>>)
      tpu.yield
    }) : () -> ()
    %barrier3A = arith.constant 0 : index
    tpu.barrier barrier_id(%barrier3A)
    %iota3A = tpu.iota {dimensions = array<i32: 0>} : vector<16xi32>
    %lt3A = arith.constant 20 : i32
    %lt3A_7 = arith.cmpi slt, %add3A, %lt3A : i32
    %jit3A = arith.constant 391 : i32
    %jit3A_8 = arith.constant 390 : i32
    %select_n3A = arith.select %lt3A_7, %jit3A, %jit3A_8 : i32
    %mul3A_9 = arith.constant 390 : i32
    %mul3A_10 = arith.muli %add3A, %mul3A_9 : i32
    %min3A = arith.constant 20 : i32
    %min3A_11 = arith.minsi %add3A, %min3A : i32
    %add3A_12 = arith.addi %mul3A_10, %min3A_11 : i32
    %add3A_13 = arith.constant 0 : i32
    %add3A_14 = arith.addi %add3A_12, %add3A_13 : i32
    %mul3A_15 = arith.constant 512 : i32
    %mul3A_16 = arith.muli %add3A_14, %mul3A_15 : i32
    %multiple_of3A = tpu.assume_multiple %mul3A_16, 512 : i32
    %run_scoped3A = arith.constant 0 : i32
    "tpu.region"() ({
      %run_scoped3A_109 = tpu.sem_alloc : memref<!tpu.dma_semaphore, #tpu.memory_space<semaphore_mem>>
      %dma_start3A = tpu.memref_slice %arg4[%run_scoped3A, %multiple_of3A] : memref<2x6400000xi32, #tpu.memory_space<hbm>> -> memref<1x512xi32, #tpu.memory_space<hbm>>
      %dma_start3A_110 = tpu.memref_squeeze %dma_start3A : memref<1x512xi32, #tpu.memory_space<hbm>> -> memref<512xi32, #tpu.memory_space<hbm>>
      %dma_start3A_111 = tpu.memref_slice %arg4[%run_scoped3A, %multiple_of3A] : memref<2x6400000xi32, #tpu.memory_space<hbm>> -> memref<1x512xi32, #tpu.memory_space<hbm>>
      %dma_start3A_112 = tpu.memref_squeeze %dma_start3A_111 : memref<1x512xi32, #tpu.memory_space<hbm>> -> memref<512xi32, #tpu.memory_space<hbm>>
      tpu.enqueue_dma source(%dma_start3A_112 : memref<512xi32, #tpu.memory_space<hbm>>) target(%arg9 : memref<512xi32, #tpu.memory_space<vmem>>) target_semaphore(%run_scoped3A_109 : memref<!tpu.dma_semaphore, #tpu.memory_space<semaphore_mem>>)
      %dma_wait3A_113 = tpu.memref_slice %arg4[%run_scoped3A, %multiple_of3A] : memref<2x6400000xi32, #tpu.memory_space<hbm>> -> memref<1x512xi32, #tpu.memory_space<hbm>>
      %dma_wait3A_114 = tpu.memref_squeeze %dma_wait3A_113 : memref<1x512xi32, #tpu.memory_space<hbm>> -> memref<512xi32, #tpu.memory_space<hbm>>
      %dma_wait3A_115 = tpu.memref_slice %arg4[%run_scoped3A, %multiple_of3A] : memref<2x6400000xi32, #tpu.memory_space<hbm>> -> memref<1x512xi32, #tpu.memory_space<hbm>>
      %dma_wait3A_116 = tpu.memref_squeeze %dma_wait3A_115 : memref<1x512xi32, #tpu.memory_space<hbm>> -> memref<512xi32, #tpu.memory_space<hbm>>
      tpu.wait_dma2 semaphore(%run_scoped3A_109 : memref<!tpu.dma_semaphore, #tpu.memory_space<semaphore_mem>>) src(%dma_wait3A_116 : memref<512xi32, #tpu.memory_space<hbm>>) dst(%arg9 : memref<512xi32, #tpu.memory_space<vmem>>)
      tpu.yield
    }) : () -> ()
    %run_scoped3A_17 = arith.constant 1 : i32
    "tpu.region"() ({
      %run_scoped3A_109 = tpu.sem_alloc : memref<!tpu.dma_semaphore, #tpu.memory_space<semaphore_mem>>
      %dma_start3A = tpu.memref_slice %arg4[%run_scoped3A_17, %multiple_of3A] : memref<2x6400000xi32, #tpu.memory_space<hbm>> -> memref<1x512xi32, #tpu.memory_space<hbm>>
      %dma_start3A_110 = tpu.memref_squeeze %dma_start3A : memref<1x512xi32, #tpu.memory_space<hbm>> -> memref<512xi32, #tpu.memory_space<hbm>>
      %dma_start3A_111 = tpu.memref_slice %arg4[%run_scoped3A_17, %multiple_of3A] : memref<2x6400000xi32, #tpu.memory_space<hbm>> -> memref<1x512xi32, #tpu.memory_space<hbm>>
      %dma_start3A_112 = tpu.memref_squeeze %dma_start3A_111 : memref<1x512xi32, #tpu.memory_space<hbm>> -> memref<512xi32, #tpu.memory_space<hbm>>
      tpu.enqueue_dma source(%dma_start3A_112 : memref<512xi32, #tpu.memory_space<hbm>>) target(%arg10 : memref<512xi32, #tpu.memory_space<vmem>>) target_semaphore(%run_scoped3A_109 : memref<!tpu.dma_semaphore, #tpu.memory_space<semaphore_mem>>)
      %dma_wait3A_113 = tpu.memref_slice %arg4[%run_scoped3A_17, %multiple_of3A] : memref<2x6400000xi32, #tpu.memory_space<hbm>> -> memref<1x512xi32, #tpu.memory_space<hbm>>
      %dma_wait3A_114 = tpu.memref_squeeze %dma_wait3A_113 : memref<1x512xi32, #tpu.memory_space<hbm>> -> memref<512xi32, #tpu.memory_space<hbm>>
      %dma_wait3A_115 = tpu.memref_slice %arg4[%run_scoped3A_17, %multiple_of3A] : memref<2x6400000xi32, #tpu.memory_space<hbm>> -> memref<1x512xi32, #tpu.memory_space<hbm>>
      %dma_wait3A_116 = tpu.memref_squeeze %dma_wait3A_115 : memref<1x512xi32, #tpu.memory_space<hbm>> -> memref<512xi32, #tpu.memory_space<hbm>>
      tpu.wait_dma2 semaphore(%run_scoped3A_109 : memref<!tpu.dma_semaphore, #tpu.memory_space<semaphore_mem>>) src(%dma_wait3A_116 : memref<512xi32, #tpu.memory_space<hbm>>) dst(%arg10 : memref<512xi32, #tpu.memory_space<vmem>>)
      tpu.yield
    }) : () -> ()
    %scan3A = arith.constant 0 : i32
    %scan3A_18 = arith.constant 32 : i32
    %scan3A_19 = arith.addi %scan3A, %scan3A_18 : i32
    %scan3A_20 = arith.constant 1 : i32
    scf.for %scan3A_109 = %scan3A to %scan3A_19 step %scan3A_20  : i32 {
      %mul3A_110 = arith.constant 1 : i32
      %mul3A_111 = arith.muli %scan3A_109, %mul3A_110 : i32
      %add3A_112 = arith.constant 0 : i32
      %add3A_113 = arith.addi %add3A_112, %mul3A_111 : i32
      %mul3A_114 = arith.constant 16 : i32
      %mul3A_115 = arith.muli %add3A_113, %mul3A_114 : i32
      %multiple_of3A_116 = tpu.assume_multiple %mul3A_115, 16 : i32
      %get3A = arith.index_cast %multiple_of3A_116 : i32 to index
      %get3A_117 = tpu.vector_load %arg10[%get3A] {strides = array<i32>} : memref<512xi32, #tpu.memory_space<vmem>>, vector<16xi32>,
      %shift_right_arithmetic3A = arith.constant 1 : i32
      %shift_right_arithmetic3A_118 = vector.broadcast %shift_right_arithmetic3A : i32 to vector<16xi32>
      %shift_right_arithmetic3A_119 = arith.shrsi %get3A_117, %shift_right_arithmetic3A_118 : vector<16xi32>
      %swap3A = arith.index_cast %multiple_of3A_116 : i32 to index
      %swap3A_120 = tpu.vector_load %arg11[%swap3A] {strides = array<i32>} : memref<512xi32, #tpu.memory_space<vmem>>, vector<16xi32>,
      tpu.vector_store %arg11[%swap3A], %shift_right_arithmetic3A_119 {strides = array<i32>} : memref<512xi32, #tpu.memory_space<vmem>>, vector<16xi32>,
    }
    %scan3A_21 = arith.constant 32 : i32
    %scan3A_22 = arith.constant 0 : i32
    %scan3A_23 = arith.constant 4 : i32
    %scan3A_24 = arith.addi %scan3A_22, %scan3A_23 : i32
    %scan3A_25 = arith.constant 1 : i32
    scf.for %scan3A_109 = %scan3A_22 to %scan3A_24 step %scan3A_25  : i32 {
      %mul3A_110 = arith.constant 1 : i32
      %mul3A_111 = arith.muli %scan3A_109, %mul3A_110 : i32
      %add3A_112 = arith.constant 0 : i32
      %add3A_113 = arith.addi %add3A_112, %mul3A_111 : i32
      %mul3A_114 = arith.constant 128 : i32
      %mul3A_115 = arith.muli %add3A_113, %mul3A_114 : i32
      %multiple_of3A_116 = tpu.assume_multiple %mul3A_115, 128 : i32
      %dma_start3A = arith.constant 0 : i32
      %dma_start3A_117 = tpu.memref_slice %arg18[%multiple_of3A_116, %dma_start3A] : memref<512x8xf32, #tpu.memory_space<vmem>> -> memref<128x8xf32, #tpu.memory_space<vmem>>
      %dma_start3A_118 = tpu.memref_slice %arg9[%multiple_of3A_116] : memref<512xi32, #tpu.memory_space<vmem>> -> memref<128xi32, #tpu.memory_space<vmem>>
      %dma_start3A_119 = arith.constant 0 : i32
      %dma_start3A_120 = arith.constant 0 : i32
      %dma_start3A_121 = tpu.memref_slice %arg2[%dma_start3A_119, %dma_start3A_120] : memref<100352x8xf32, #tpu.memory_space<hbm>> -> memref<100352x8xf32, #tpu.memory_space<hbm>>
      tpu.enqueue_indirect_dma source(%dma_start3A_121 : memref<100352x8xf32, #tpu.memory_space<hbm>>) target(%dma_start3A_117 : memref<128x8xf32, #tpu.memory_space<vmem>>) offsets(%dma_start3A_118 : memref<128xi32, #tpu.memory_space<vmem>>) semaphore(%arg29 : memref<!tpu.dma_semaphore, #tpu.memory_space<semaphore_mem>>)
      %dma_start3A_122 = arith.constant 0 : i32
      %dma_start3A_123 = tpu.memref_slice %arg19[%multiple_of3A_116, %dma_start3A_122] : memref<512x8xf32, #tpu.memory_space<vmem>> -> memref<128x8xf32, #tpu.memory_space<vmem>>
      %dma_start3A_124 = tpu.memref_slice %arg11[%multiple_of3A_116] : memref<512xi32, #tpu.memory_space<vmem>> -> memref<128xi32, #tpu.memory_space<vmem>>
      %dma_start3A_125 = arith.constant 0 : i32
      %dma_start3A_126 = arith.constant 0 : i32
      %dma_start3A_127 = tpu.memref_slice %arg28[%dma_start3A_125, %dma_start3A_126] : memref<50176x8xf32, #tpu.memory_space<vmem_shared>> -> memref<50176x8xf32, #tpu.memory_space<vmem_shared>>
      tpu.enqueue_indirect_dma source(%dma_start3A_127 : memref<50176x8xf32, #tpu.memory_space<vmem_shared>>) target(%dma_start3A_123 : memref<128x8xf32, #tpu.memory_space<vmem>>) offsets(%dma_start3A_124 : memref<128xi32, #tpu.memory_space<vmem>>) semaphore(%arg35 : memref<!tpu.dma_semaphore, #tpu.memory_space<semaphore_mem>>)
    }
    %scan3A_26 = arith.constant 4 : i32
    %add3A_27 = arith.constant 1 : i32
    %add3A_28 = arith.addi %add3A_12, %add3A_27 : i32
    %mul3A_29 = arith.constant 512 : i32
    %mul3A_30 = arith.muli %add3A_28, %mul3A_29 : i32
    %multiple_of3A_31 = tpu.assume_multiple %mul3A_30, 512 : i32
    %run_scoped3A_32 = arith.constant 0 : i32
    "tpu.region"() ({
      %run_scoped3A_109 = tpu.sem_alloc : memref<!tpu.dma_semaphore, #tpu.memory_space<semaphore_mem>>
      %dma_start3A = tpu.memref_slice %arg4[%run_scoped3A_32, %multiple_of3A_31] : memref<2x6400000xi32, #tpu.memory_space<hbm>> -> memref<1x512xi32, #tpu.memory_space<hbm>>
      %dma_start3A_110 = tpu.memref_squeeze %dma_start3A : memref<1x512xi32, #tpu.memory_space<hbm>> -> memref<512xi32, #tpu.memory_space<hbm>>
      %dma_start3A_111 = tpu.memref_slice %arg4[%run_scoped3A_32, %multiple_of3A_31] : memref<2x6400000xi32, #tpu.memory_space<hbm>> -> memref<1x512xi32, #tpu.memory_space<hbm>>
      %dma_start3A_112 = tpu.memref_squeeze %dma_start3A_111 : memref<1x512xi32, #tpu.memory_space<hbm>> -> memref<512xi32, #tpu.memory_space<hbm>>
      tpu.enqueue_dma source(%dma_start3A_112 : memref<512xi32, #tpu.memory_space<hbm>>) target(%arg12 : memref<512xi32, #tpu.memory_space<vmem>>) target_semaphore(%run_scoped3A_109 : memref<!tpu.dma_semaphore, #tpu.memory_space<semaphore_mem>>)
      %dma_wait3A_113 = tpu.memref_slice %arg4[%run_scoped3A_32, %multiple_of3A_31] : memref<2x6400000xi32, #tpu.memory_space<hbm>> -> memref<1x512xi32, #tpu.memory_space<hbm>>
      %dma_wait3A_114 = tpu.memref_squeeze %dma_wait3A_113 : memref<1x512xi32, #tpu.memory_space<hbm>> -> memref<512xi32, #tpu.memory_space<hbm>>
      %dma_wait3A_115 = tpu.memref_slice %arg4[%run_scoped3A_32, %multiple_of3A_31] : memref<2x6400000xi32, #tpu.memory_space<hbm>> -> memref<1x512xi32, #tpu.memory_space<hbm>>
      %dma_wait3A_116 = tpu.memref_squeeze %dma_wait3A_115 : memref<1x512xi32, #tpu.memory_space<hbm>> -> memref<512xi32, #tpu.memory_space<hbm>>
      tpu.wait_dma2 semaphore(%run_scoped3A_109 : memref<!tpu.dma_semaphore, #tpu.memory_space<semaphore_mem>>) src(%dma_wait3A_116 : memref<512xi32, #tpu.memory_space<hbm>>) dst(%arg12 : memref<512xi32, #tpu.memory_space<vmem>>)
      tpu.yield
    }) : () -> ()
    %run_scoped3A_33 = arith.constant 1 : i32
    "tpu.region"() ({
      %run_scoped3A_109 = tpu.sem_alloc : memref<!tpu.dma_semaphore, #tpu.memory_space<semaphore_mem>>
      %dma_start3A = tpu.memref_slice %arg4[%run_scoped3A_33, %multiple_of3A_31] : memref<2x6400000xi32, #tpu.memory_space<hbm>> -> memref<1x512xi32, #tpu.memory_space<hbm>>
      %dma_start3A_110 = tpu.memref_squeeze %dma_start3A : memref<1x512xi32, #tpu.memory_space<hbm>> -> memref<512xi32, #tpu.memory_space<hbm>>
      %dma_start3A_111 = tpu.memref_slice %arg4[%run_scoped3A_33, %multiple_of3A_31] : memref<2x6400000xi32, #tpu.memory_space<hbm>> -> memref<1x512xi32, #tpu.memory_space<hbm>>
      %dma_start3A_112 = tpu.memref_squeeze %dma_start3A_111 : memref<1x512xi32, #tpu.memory_space<hbm>> -> memref<512xi32, #tpu.memory_space<hbm>>
      tpu.enqueue_dma source(%dma_start3A_112 : memref<512xi32, #tpu.memory_space<hbm>>) target(%arg13 : memref<512xi32, #tpu.memory_space<vmem>>) target_semaphore(%run_scoped3A_109 : memref<!tpu.dma_semaphore, #tpu.memory_space<semaphore_mem>>)
      %dma_wait3A_113 = tpu.memref_slice %arg4[%run_scoped3A_33, %multiple_of3A_31] : memref<2x6400000xi32, #tpu.memory_space<hbm>> -> memref<1x512xi32, #tpu.memory_space<hbm>>
      %dma_wait3A_114 = tpu.memref_squeeze %dma_wait3A_113 : memref<1x512xi32, #tpu.memory_space<hbm>> -> memref<512xi32, #tpu.memory_space<hbm>>
      %dma_wait3A_115 = tpu.memref_slice %arg4[%run_scoped3A_33, %multiple_of3A_31] : memref<2x6400000xi32, #tpu.memory_space<hbm>> -> memref<1x512xi32, #tpu.memory_space<hbm>>
      %dma_wait3A_116 = tpu.memref_squeeze %dma_wait3A_115 : memref<1x512xi32, #tpu.memory_space<hbm>> -> memref<512xi32, #tpu.memory_space<hbm>>
      tpu.wait_dma2 semaphore(%run_scoped3A_109 : memref<!tpu.dma_semaphore, #tpu.memory_space<semaphore_mem>>) src(%dma_wait3A_116 : memref<512xi32, #tpu.memory_space<hbm>>) dst(%arg13 : memref<512xi32, #tpu.memory_space<vmem>>)
      tpu.yield
    }) : () -> ()
    %scan3A_34 = arith.constant 0 : i32
    %scan3A_35 = arith.constant 32 : i32
    %scan3A_36 = arith.addi %scan3A_34, %scan3A_35 : i32
    %scan3A_37 = arith.constant 1 : i32
    scf.for %scan3A_109 = %scan3A_34 to %scan3A_36 step %scan3A_37  : i32 {
      %mul3A_110 = arith.constant 1 : i32
      %mul3A_111 = arith.muli %scan3A_109, %mul3A_110 : i32
      %add3A_112 = arith.constant 0 : i32
      %add3A_113 = arith.addi %add3A_112, %mul3A_111 : i32
      %mul3A_114 = arith.constant 16 : i32
      %mul3A_115 = arith.muli %add3A_113, %mul3A_114 : i32
      %multiple_of3A_116 = tpu.assume_multiple %mul3A_115, 16 : i32
      %get3A = arith.index_cast %multiple_of3A_116 : i32 to index
      %get3A_117 = tpu.vector_load %arg13[%get3A] {strides = array<i32>} : memref<512xi32, #tpu.memory_space<vmem>>, vector<16xi32>,
      %shift_right_arithmetic3A = arith.constant 1 : i32
      %shift_right_arithmetic3A_118 = vector.broadcast %shift_right_arithmetic3A : i32 to vector<16xi32>
      %shift_right_arithmetic3A_119 = arith.shrsi %get3A_117, %shift_right_arithmetic3A_118 : vector<16xi32>
      %swap3A = arith.index_cast %multiple_of3A_116 : i32 to index
      %swap3A_120 = tpu.vector_load %arg14[%swap3A] {strides = array<i32>} : memref<512xi32, #tpu.memory_space<vmem>>, vector<16xi32>,
      tpu.vector_store %arg14[%swap3A], %shift_right_arithmetic3A_119 {strides = array<i32>} : memref<512xi32, #tpu.memory_space<vmem>>, vector<16xi32>,
    }
    %scan3A_38 = arith.constant 32 : i32
    %scan3A_39 = arith.constant 0 : i32
    %scan3A_40 = arith.constant 4 : i32
    %scan3A_41 = arith.addi %scan3A_39, %scan3A_40 : i32
    %scan3A_42 = arith.constant 1 : i32
    scf.for %scan3A_109 = %scan3A_39 to %scan3A_41 step %scan3A_42  : i32 {
      %mul3A_110 = arith.constant 1 : i32
      %mul3A_111 = arith.muli %scan3A_109, %mul3A_110 : i32
      %add3A_112 = arith.constant 0 : i32
      %add3A_113 = arith.addi %add3A_112, %mul3A_111 : i32
      %mul3A_114 = arith.constant 128 : i32
      %mul3A_115 = arith.muli %add3A_113, %mul3A_114 : i32
      %multiple_of3A_116 = tpu.assume_multiple %mul3A_115, 128 : i32
      %dma_start3A = arith.constant 0 : i32
      %dma_start3A_117 = tpu.memref_slice %arg20[%multiple_of3A_116, %dma_start3A] : memref<512x8xf32, #tpu.memory_space<vmem>> -> memref<128x8xf32, #tpu.memory_space<vmem>>
      %dma_start3A_118 = tpu.memref_slice %arg12[%multiple_of3A_116] : memref<512xi32, #tpu.memory_space<vmem>> -> memref<128xi32, #tpu.memory_space<vmem>>
      %dma_start3A_119 = arith.constant 0 : i32
      %dma_start3A_120 = arith.constant 0 : i32
      %dma_start3A_121 = tpu.memref_slice %arg2[%dma_start3A_119, %dma_start3A_120] : memref<100352x8xf32, #tpu.memory_space<hbm>> -> memref<100352x8xf32, #tpu.memory_space<hbm>>
      tpu.enqueue_indirect_dma source(%dma_start3A_121 : memref<100352x8xf32, #tpu.memory_space<hbm>>) target(%dma_start3A_117 : memref<128x8xf32, #tpu.memory_space<vmem>>) offsets(%dma_start3A_118 : memref<128xi32, #tpu.memory_space<vmem>>) semaphore(%arg30 : memref<!tpu.dma_semaphore, #tpu.memory_space<semaphore_mem>>)
      %dma_start3A_122 = arith.constant 0 : i32
      %dma_start3A_123 = tpu.memref_slice %arg21[%multiple_of3A_116, %dma_start3A_122] : memref<512x8xf32, #tpu.memory_space<vmem>> -> memref<128x8xf32, #tpu.memory_space<vmem>>
      %dma_start3A_124 = tpu.memref_slice %arg14[%multiple_of3A_116] : memref<512xi32, #tpu.memory_space<vmem>> -> memref<128xi32, #tpu.memory_space<vmem>>
      %dma_start3A_125 = arith.constant 0 : i32
      %dma_start3A_126 = arith.constant 0 : i32
      %dma_start3A_127 = tpu.memref_slice %arg28[%dma_start3A_125, %dma_start3A_126] : memref<50176x8xf32, #tpu.memory_space<vmem_shared>> -> memref<50176x8xf32, #tpu.memory_space<vmem_shared>>
      tpu.enqueue_indirect_dma source(%dma_start3A_127 : memref<50176x8xf32, #tpu.memory_space<vmem_shared>>) target(%dma_start3A_123 : memref<128x8xf32, #tpu.memory_space<vmem>>) offsets(%dma_start3A_124 : memref<128xi32, #tpu.memory_space<vmem>>) semaphore(%arg36 : memref<!tpu.dma_semaphore, #tpu.memory_space<semaphore_mem>>)
    }
    %scan3A_43 = arith.constant 4 : i32
    %add3A_44 = arith.constant 2 : i32
    %add3A_45 = arith.addi %add3A_12, %add3A_44 : i32
    %mul3A_46 = arith.constant 512 : i32
    %mul3A_47 = arith.muli %add3A_45, %mul3A_46 : i32
    %multiple_of3A_48 = tpu.assume_multiple %mul3A_47, 512 : i32
    %run_scoped3A_49 = arith.constant 0 : i32
    "tpu.region"() ({
      %run_scoped3A_109 = tpu.sem_alloc : memref<!tpu.dma_semaphore, #tpu.memory_space<semaphore_mem>>
      %dma_start3A = tpu.memref_slice %arg4[%run_scoped3A_49, %multiple_of3A_48] : memref<2x6400000xi32, #tpu.memory_space<hbm>> -> memref<1x512xi32, #tpu.memory_space<hbm>>
      %dma_start3A_110 = tpu.memref_squeeze %dma_start3A : memref<1x512xi32, #tpu.memory_space<hbm>> -> memref<512xi32, #tpu.memory_space<hbm>>
      %dma_start3A_111 = tpu.memref_slice %arg4[%run_scoped3A_49, %multiple_of3A_48] : memref<2x6400000xi32, #tpu.memory_space<hbm>> -> memref<1x512xi32, #tpu.memory_space<hbm>>
      %dma_start3A_112 = tpu.memref_squeeze %dma_start3A_111 : memref<1x512xi32, #tpu.memory_space<hbm>> -> memref<512xi32, #tpu.memory_space<hbm>>
      tpu.enqueue_dma source(%dma_start3A_112 : memref<512xi32, #tpu.memory_space<hbm>>) target(%arg15 : memref<512xi32, #tpu.memory_space<vmem>>) target_semaphore(%run_scoped3A_109 : memref<!tpu.dma_semaphore, #tpu.memory_space<semaphore_mem>>)
      %dma_wait3A_113 = tpu.memref_slice %arg4[%run_scoped3A_49, %multiple_of3A_48] : memref<2x6400000xi32, #tpu.memory_space<hbm>> -> memref<1x512xi32, #tpu.memory_space<hbm>>
      %dma_wait3A_114 = tpu.memref_squeeze %dma_wait3A_113 : memref<1x512xi32, #tpu.memory_space<hbm>> -> memref<512xi32, #tpu.memory_space<hbm>>
      %dma_wait3A_115 = tpu.memref_slice %arg4[%run_scoped3A_49, %multiple_of3A_48] : memref<2x6400000xi32, #tpu.memory_space<hbm>> -> memref<1x512xi32, #tpu.memory_space<hbm>>
      %dma_wait3A_116 = tpu.memref_squeeze %dma_wait3A_115 : memref<1x512xi32, #tpu.memory_space<hbm>> -> memref<512xi32, #tpu.memory_space<hbm>>
      tpu.wait_dma2 semaphore(%run_scoped3A_109 : memref<!tpu.dma_semaphore, #tpu.memory_space<semaphore_mem>>) src(%dma_wait3A_116 : memref<512xi32, #tpu.memory_space<hbm>>) dst(%arg15 : memref<512xi32, #tpu.memory_space<vmem>>)
      tpu.yield
    }) : () -> ()
    %run_scoped3A_50 = arith.constant 1 : i32
    "tpu.region"() ({
      %run_scoped3A_109 = tpu.sem_alloc : memref<!tpu.dma_semaphore, #tpu.memory_space<semaphore_mem>>
      %dma_start3A = tpu.memref_slice %arg4[%run_scoped3A_50, %multiple_of3A_48] : memref<2x6400000xi32, #tpu.memory_space<hbm>> -> memref<1x512xi32, #tpu.memory_space<hbm>>
      %dma_start3A_110 = tpu.memref_squeeze %dma_start3A : memref<1x512xi32, #tpu.memory_space<hbm>> -> memref<512xi32, #tpu.memory_space<hbm>>
      %dma_start3A_111 = tpu.memref_slice %arg4[%run_scoped3A_50, %multiple_of3A_48] : memref<2x6400000xi32, #tpu.memory_space<hbm>> -> memref<1x512xi32, #tpu.memory_space<hbm>>
      %dma_start3A_112 = tpu.memref_squeeze %dma_start3A_111 : memref<1x512xi32, #tpu.memory_space<hbm>> -> memref<512xi32, #tpu.memory_space<hbm>>
      tpu.enqueue_dma source(%dma_start3A_112 : memref<512xi32, #tpu.memory_space<hbm>>) target(%arg16 : memref<512xi32, #tpu.memory_space<vmem>>) target_semaphore(%run_scoped3A_109 : memref<!tpu.dma_semaphore, #tpu.memory_space<semaphore_mem>>)
      %dma_wait3A_113 = tpu.memref_slice %arg4[%run_scoped3A_50, %multiple_of3A_48] : memref<2x6400000xi32, #tpu.memory_space<hbm>> -> memref<1x512xi32, #tpu.memory_space<hbm>>
      %dma_wait3A_114 = tpu.memref_squeeze %dma_wait3A_113 : memref<1x512xi32, #tpu.memory_space<hbm>> -> memref<512xi32, #tpu.memory_space<hbm>>
      %dma_wait3A_115 = tpu.memref_slice %arg4[%run_scoped3A_50, %multiple_of3A_48] : memref<2x6400000xi32, #tpu.memory_space<hbm>> -> memref<1x512xi32, #tpu.memory_space<hbm>>
      %dma_wait3A_116 = tpu.memref_squeeze %dma_wait3A_115 : memref<1x512xi32, #tpu.memory_space<hbm>> -> memref<512xi32, #tpu.memory_space<hbm>>
      tpu.wait_dma2 semaphore(%run_scoped3A_109 : memref<!tpu.dma_semaphore, #tpu.memory_space<semaphore_mem>>) src(%dma_wait3A_116 : memref<512xi32, #tpu.memory_space<hbm>>) dst(%arg16 : memref<512xi32, #tpu.memory_space<vmem>>)
      tpu.yield
    }) : () -> ()
    %scan3A_51 = arith.constant 0 : i32
    %scan3A_52 = arith.constant 32 : i32
    %scan3A_53 = arith.addi %scan3A_51, %scan3A_52 : i32
    %scan3A_54 = arith.constant 1 : i32
    scf.for %scan3A_109 = %scan3A_51 to %scan3A_53 step %scan3A_54  : i32 {
      %mul3A_110 = arith.constant 1 : i32
      %mul3A_111 = arith.muli %scan3A_109, %mul3A_110 : i32
      %add3A_112 = arith.constant 0 : i32
      %add3A_113 = arith.addi %add3A_112, %mul3A_111 : i32
      %mul3A_114 = arith.constant 16 : i32
      %mul3A_115 = arith.muli %add3A_113, %mul3A_114 : i32
      %multiple_of3A_116 = tpu.assume_multiple %mul3A_115, 16 : i32
      %get3A = arith.index_cast %multiple_of3A_116 : i32 to index
      %get3A_117 = tpu.vector_load %arg16[%get3A] {strides = array<i32>} : memref<512xi32, #tpu.memory_space<vmem>>, vector<16xi32>,
      %shift_right_arithmetic3A = arith.constant 1 : i32
      %shift_right_arithmetic3A_118 = vector.broadcast %shift_right_arithmetic3A : i32 to vector<16xi32>
      %shift_right_arithmetic3A_119 = arith.shrsi %get3A_117, %shift_right_arithmetic3A_118 : vector<16xi32>
      %swap3A = arith.index_cast %multiple_of3A_116 : i32 to index
      %swap3A_120 = tpu.vector_load %arg17[%swap3A] {strides = array<i32>} : memref<512xi32, #tpu.memory_space<vmem>>, vector<16xi32>,
      tpu.vector_store %arg17[%swap3A], %shift_right_arithmetic3A_119 {strides = array<i32>} : memref<512xi32, #tpu.memory_space<vmem>>, vector<16xi32>,
    }
    %scan3A_55 = arith.constant 32 : i32
    %scan3A_56 = arith.constant 0 : i32
    %scan3A_57 = arith.constant 4 : i32
    %scan3A_58 = arith.addi %scan3A_56, %scan3A_57 : i32
    %scan3A_59 = arith.constant 1 : i32
    scf.for %scan3A_109 = %scan3A_56 to %scan3A_58 step %scan3A_59  : i32 {
      %mul3A_110 = arith.constant 1 : i32
      %mul3A_111 = arith.muli %scan3A_109, %mul3A_110 : i32
      %add3A_112 = arith.constant 0 : i32
      %add3A_113 = arith.addi %add3A_112, %mul3A_111 : i32
      %mul3A_114 = arith.constant 128 : i32
      %mul3A_115 = arith.muli %add3A_113, %mul3A_114 : i32
      %multiple_of3A_116 = tpu.assume_multiple %mul3A_115, 128 : i32
      %dma_start3A = arith.constant 0 : i32
      %dma_start3A_117 = tpu.memref_slice %arg22[%multiple_of3A_116, %dma_start3A] : memref<512x8xf32, #tpu.memory_space<vmem>> -> memref<128x8xf32, #tpu.memory_space<vmem>>
      %dma_start3A_118 = tpu.memref_slice %arg15[%multiple_of3A_116] : memref<512xi32, #tpu.memory_space<vmem>> -> memref<128xi32, #tpu.memory_space<vmem>>
      %dma_start3A_119 = arith.constant 0 : i32
      %dma_start3A_120 = arith.constant 0 : i32
      %dma_start3A_121 = tpu.memref_slice %arg2[%dma_start3A_119, %dma_start3A_120] : memref<100352x8xf32, #tpu.memory_space<hbm>> -> memref<100352x8xf32, #tpu.memory_space<hbm>>
      tpu.enqueue_indirect_dma source(%dma_start3A_121 : memref<100352x8xf32, #tpu.memory_space<hbm>>) target(%dma_start3A_117 : memref<128x8xf32, #tpu.memory_space<vmem>>) offsets(%dma_start3A_118 : memref<128xi32, #tpu.memory_space<vmem>>) semaphore(%arg31 : memref<!tpu.dma_semaphore, #tpu.memory_space<semaphore_mem>>)
      %dma_start3A_122 = arith.constant 0 : i32
      %dma_start3A_123 = tpu.memref_slice %arg23[%multiple_of3A_116, %dma_start3A_122] : memref<512x8xf32, #tpu.memory_space<vmem>> -> memref<128x8xf32, #tpu.memory_space<vmem>>
      %dma_start3A_124 = tpu.memref_slice %arg17[%multiple_of3A_116] : memref<512xi32, #tpu.memory_space<vmem>> -> memref<128xi32, #tpu.memory_space<vmem>>
      %dma_start3A_125 = arith.constant 0 : i32
      %dma_start3A_126 = arith.constant 0 : i32
      %dma_start3A_127 = tpu.memref_slice %arg28[%dma_start3A_125, %dma_start3A_126] : memref<50176x8xf32, #tpu.memory_space<vmem_shared>> -> memref<50176x8xf32, #tpu.memory_space<vmem_shared>>
      tpu.enqueue_indirect_dma source(%dma_start3A_127 : memref<50176x8xf32, #tpu.memory_space<vmem_shared>>) target(%dma_start3A_123 : memref<128x8xf32, #tpu.memory_space<vmem>>) offsets(%dma_start3A_124 : memref<128xi32, #tpu.memory_space<vmem>>) semaphore(%arg37 : memref<!tpu.dma_semaphore, #tpu.memory_space<semaphore_mem>>)
    }
    %scan3A_60 = arith.constant 4 : i32
    %scan3A_61 = arith.constant 0 : i32
    %scan3A_62 = arith.constant 130 : i32
    %scan3A_63 = arith.addi %scan3A_61, %scan3A_62 : i32
    %scan3A_64 = arith.constant 1 : i32
    scf.for %scan3A_109 = %scan3A_61 to %scan3A_63 step %scan3A_64  : i32 {
      %mul3A_110 = arith.constant 1 : i32
      %mul3A_111 = arith.muli %scan3A_109, %mul3A_110 : i32
      %add3A_112 = arith.constant 0 : i32
      %add3A_113 = arith.addi %add3A_112, %mul3A_111 : i32
      %mul3A_114 = arith.constant 3 : i32
      %mul3A_115 = arith.muli %mul3A_114, %add3A_113 : i32
      %add3A_116 = arith.addi %add3A_12, %mul3A_115 : i32
      %dma_wait3A_117 = arith.constant 0 : i32
      %dma_wait3A_118 = arith.constant 0 : i32
      %dma_wait3A_119 = tpu.memref_slice %arg2[%dma_wait3A_117, %dma_wait3A_118] : memref<100352x8xf32, #tpu.memory_space<hbm>> -> memref<512x8xf32, #tpu.memory_space<hbm>>
      %dma_wait3A_120 = arith.constant 0 : i32
      %dma_wait3A_121 = arith.constant 0 : i32
      %dma_wait3A_122 = tpu.memref_slice %arg2[%dma_wait3A_120, %dma_wait3A_121] : memref<100352x8xf32, #tpu.memory_space<hbm>> -> memref<512x8xf32, #tpu.memory_space<hbm>>
      tpu.wait_dma2 semaphore(%arg29 : memref<!tpu.dma_semaphore, #tpu.memory_space<semaphore_mem>>) src(%dma_wait3A_122 : memref<512x8xf32, #tpu.memory_space<hbm>>) dst(%arg18 : memref<512x8xf32, #tpu.memory_space<vmem>>)
      %dma_wait3A_123 = arith.constant 0 : i32
      %dma_wait3A_124 = arith.constant 0 : i32
      %dma_wait3A_125 = tpu.memref_slice %arg2[%dma_wait3A_123, %dma_wait3A_124] : memref<100352x8xf32, #tpu.memory_space<hbm>> -> memref<512x8xf32, #tpu.memory_space<hbm>>
      %dma_wait3A_126 = arith.constant 0 : i32
      %dma_wait3A_127 = arith.constant 0 : i32
      %dma_wait3A_128 = tpu.memref_slice %arg2[%dma_wait3A_126, %dma_wait3A_127] : memref<100352x8xf32, #tpu.memory_space<hbm>> -> memref<512x8xf32, #tpu.memory_space<hbm>>
      tpu.wait_dma2 semaphore(%arg35 : memref<!tpu.dma_semaphore, #tpu.memory_space<semaphore_mem>>) src(%dma_wait3A_128 : memref<512x8xf32, #tpu.memory_space<hbm>>) dst(%arg19 : memref<512x8xf32, #tpu.memory_space<vmem>>)
      %scan3A_129 = arith.constant 0 : i32
      %scan3A_130 = arith.constant 32 : i32
      %scan3A_131 = arith.addi %scan3A_129, %scan3A_130 : i32
      %scan3A_132 = arith.constant 1 : i32
      scf.for %scan3A_221 = %scan3A_129 to %scan3A_131 step %scan3A_132  : i32 {
        %mul3A_222 = arith.constant 1 : i32
        %mul3A_223 = arith.muli %scan3A_221, %mul3A_222 : i32
        %add3A_224 = arith.constant 0 : i32
        %add3A_225 = arith.addi %add3A_224, %mul3A_223 : i32
        %mul3A_226 = arith.constant 16 : i32
        %mul3A_227 = arith.muli %add3A_225, %mul3A_226 : i32
        %add3A_228 = vector.broadcast %mul3A_227 : i32 to vector<16xi32>
        %add3A_229 = arith.addi %add3A_228, %iota3A : vector<16xi32>
        %mul3A_230 = arith.constant 16 : i32
        %mul3A_231 = arith.muli %add3A_225, %mul3A_230 : i32
        %multiple_of3A_232 = tpu.assume_multiple %mul3A_231, 16 : i32
        %get3A = arith.index_cast %multiple_of3A_232 : i32 to index
        %get3A_233 = tpu.vector_load %arg10[%get3A] {strides = array<i32>} : memref<512xi32, #tpu.memory_space<vmem>>, vector<16xi32>,
        %and3A_234 = arith.constant 1 : i32
        %and3A_235 = vector.broadcast %and3A_234 : i32 to vector<16xi32>
        %and3A_236 = arith.andi %get3A_233, %and3A_235 : vector<16xi32>
        %mul3A_237 = arith.constant 4 : i32
        %mul3A_238 = vector.broadcast %mul3A_237 : i32 to vector<16xi32>
        %mul3A_239 = arith.muli %and3A_236, %mul3A_238 : vector<16xi32>
        %broadcast_in_dim3A = arith.constant 0 : i32
        %broadcast_in_dim3A_240 = vector.broadcast %broadcast_in_dim3A : i32 to vector<16xi32>
        %gather3A = tpu.vector_load_idx %arg18[%add3A_229, %broadcast_in_dim3A_240] : memref<512x8xf32, #tpu.memory_space<vmem>>[vector<16xi32>, vector<16xi32>], vector<16xf32>,
        %broadcast_in_dim3A_241 = arith.constant 1 : i32
        %broadcast_in_dim3A_242 = vector.broadcast %broadcast_in_dim3A_241 : i32 to vector<16xi32>
        %gather3A_243 = tpu.vector_load_idx %arg18[%add3A_229, %broadcast_in_dim3A_242] : memref<512x8xf32, #tpu.memory_space<vmem>>[vector<16xi32>, vector<16xi32>], vector<16xf32>,
        %broadcast_in_dim3A_244 = arith.constant 2 : i32
        %broadcast_in_dim3A_245 = vector.broadcast %broadcast_in_dim3A_244 : i32 to vector<16xi32>
        %gather3A_246 = tpu.vector_load_idx %arg18[%add3A_229, %broadcast_in_dim3A_245] : memref<512x8xf32, #tpu.memory_space<vmem>>[vector<16xi32>, vector<16xi32>], vector<16xf32>,
        %broadcast_in_dim3A_247 = arith.constant 3 : i32
        %broadcast_in_dim3A_248 = vector.broadcast %broadcast_in_dim3A_247 : i32 to vector<16xi32>
        %gather3A_249 = tpu.vector_load_idx %arg18[%add3A_229, %broadcast_in_dim3A_248] : memref<512x8xf32, #tpu.memory_space<vmem>>[vector<16xi32>, vector<16xi32>], vector<16xf32>,
        %gather3A_250 = tpu.vector_load_idx %arg19[%add3A_229, %mul3A_239] : memref<512x8xf32, #tpu.memory_space<vmem>>[vector<16xi32>, vector<16xi32>], vector<16xf32>,
        %add3A_251 = arith.constant 1 : i32
        %add3A_252 = vector.broadcast %add3A_251 : i32 to vector<16xi32>
        %add3A_253 = arith.addi %mul3A_239, %add3A_252 : vector<16xi32>
        %gather3A_254 = tpu.vector_load_idx %arg19[%add3A_229, %add3A_253] : memref<512x8xf32, #tpu.memory_space<vmem>>[vector<16xi32>, vector<16xi32>], vector<16xf32>,
        %add3A_255 = arith.constant 2 : i32
        %add3A_256 = vector.broadcast %add3A_255 : i32 to vector<16xi32>
        %add3A_257 = arith.addi %mul3A_239, %add3A_256 : vector<16xi32>
        %gather3A_258 = tpu.vector_load_idx %arg19[%add3A_229, %add3A_257] : memref<512x8xf32, #tpu.memory_space<vmem>>[vector<16xi32>, vector<16xi32>], vector<16xf32>,
        %add3A_259 = arith.constant 3 : i32
        %add3A_260 = vector.broadcast %add3A_259 : i32 to vector<16xi32>
        %add3A_261 = arith.addi %mul3A_239, %add3A_260 : vector<16xi32>
        %gather3A_262 = tpu.vector_load_idx %arg19[%add3A_229, %add3A_261] : memref<512x8xf32, #tpu.memory_space<vmem>>[vector<16xi32>, vector<16xi32>], vector<16xf32>,
        %sub3A = arith.subf %gather3A, %gather3A_250 : vector<16xf32>
        %sub3A_263 = arith.subf %gather3A_243, %gather3A_254 : vector<16xf32>
        %sub3A_264 = arith.subf %gather3A_246, %gather3A_258 : vector<16xf32>
        %sub3A_265 = arith.subf %gather3A_249, %gather3A_262 : vector<16xf32>
        %mul3A_266 = arith.mulf %sub3A, %sub3A : vector<16xf32>
        %mul3A_267 = arith.mulf %sub3A_263, %sub3A_263 : vector<16xf32>
        %add3A_268 = arith.addf %mul3A_266, %mul3A_267 : vector<16xf32>
        %div3A = arith.constant 1.000000e+00 : f32
        %div3A_269 = vector.broadcast %div3A : f32 to vector<16xf32>
        %div3A_270 = arith.divf %div3A_269, %add3A_268 : vector<16xf32>
        %eq3A_271 = arith.constant 0.000000e+00 : f32
        %eq3A_272 = vector.broadcast %eq3A_271 : f32 to vector<16xf32>
        %eq3A_273 = arith.cmpf oeq, %add3A_268, %eq3A_272 : vector<16xf32>
        %mul3A_274 = arith.constant -5.000000e+00 : f32
        %mul3A_275 = vector.broadcast %mul3A_274 : f32 to vector<16xf32>
        %mul3A_276 = arith.mulf %sub3A, %mul3A_275 : vector<16xf32>
        %mul3A_277 = arith.mulf %mul3A_276, %div3A_270 : vector<16xf32>
        %jit3A_278 = arith.constant 0.000000e+00 : f32
        %broadcast_in_dim3A_279 = vector.broadcast %jit3A_278 : f32 to vector<16xf32>
        %select_n3A_280 = arith.select %eq3A_273, %broadcast_in_dim3A_279, %mul3A_277 : vector<16xi1>, vector<16xf32>
        %mul3A_281 = arith.constant -5.000000e+00 : f32
        %mul3A_282 = vector.broadcast %mul3A_281 : f32 to vector<16xf32>
        %mul3A_283 = arith.mulf %sub3A_263, %mul3A_282 : vector<16xf32>
        %mul3A_284 = arith.mulf %mul3A_283, %div3A_270 : vector<16xf32>
        %jit3A_285 = arith.constant 0.000000e+00 : f32
        %broadcast_in_dim3A_286 = vector.broadcast %jit3A_285 : f32 to vector<16xf32>
        %select_n3A_287 = arith.select %eq3A_273, %broadcast_in_dim3A_286, %mul3A_284 : vector<16xi1>, vector<16xf32>
        %mul3A_288 = arith.constant 5.000000e-02 : f32
        %mul3A_289 = vector.broadcast %mul3A_288 : f32 to vector<16xf32>
        %mul3A_290 = arith.mulf %sub3A, %mul3A_289 : vector<16xf32>
        %add3A_291 = arith.addf %mul3A_290, %sub3A_264 : vector<16xf32>
        %mul3A_292 = arith.constant 5.000000e-02 : f32
        %mul3A_293 = vector.broadcast %mul3A_292 : f32 to vector<16xf32>
        %mul3A_294 = arith.mulf %sub3A_263, %mul3A_293 : vector<16xf32>
        %add3A_295 = arith.addf %mul3A_294, %sub3A_265 : vector<16xf32>
        %broadcast_in_dim3A_296 = arith.constant 0 : i32
        %broadcast_in_dim3A_297 = vector.broadcast %broadcast_in_dim3A_296 : i32 to vector<16xi32>
        tpu.vector_store_idx %arg24[%add3A_229, %broadcast_in_dim3A_297], %add3A_291 : memref<512x8xf32, #tpu.memory_space<vmem>>[vector<16xi32>, vector<16xi32>], vector<16xf32>,
        %broadcast_in_dim3A_298 = arith.constant 1 : i32
        %broadcast_in_dim3A_299 = vector.broadcast %broadcast_in_dim3A_298 : i32 to vector<16xi32>
        tpu.vector_store_idx %arg24[%add3A_229, %broadcast_in_dim3A_299], %add3A_295 : memref<512x8xf32, #tpu.memory_space<vmem>>[vector<16xi32>, vector<16xi32>], vector<16xf32>,
        %broadcast_in_dim3A_300 = arith.constant 2 : i32
        %broadcast_in_dim3A_301 = vector.broadcast %broadcast_in_dim3A_300 : i32 to vector<16xi32>
        tpu.vector_store_idx %arg24[%add3A_229, %broadcast_in_dim3A_301], %select_n3A_280 : memref<512x8xf32, #tpu.memory_space<vmem>>[vector<16xi32>, vector<16xi32>], vector<16xf32>,
        %broadcast_in_dim3A_302 = arith.constant 3 : i32
        %broadcast_in_dim3A_303 = vector.broadcast %broadcast_in_dim3A_302 : i32 to vector<16xi32>
        tpu.vector_store_idx %arg24[%add3A_229, %broadcast_in_dim3A_303], %select_n3A_287 : memref<512x8xf32, #tpu.memory_space<vmem>>[vector<16xi32>, vector<16xi32>], vector<16xf32>,
      }
      %scan3A_133 = arith.constant 32 : i32
      %scan3A_134 = arith.constant 0 : i32
      %scan3A_135 = arith.constant 4 : i32
      %scan3A_136 = arith.addi %scan3A_134, %scan3A_135 : i32
      %scan3A_137 = arith.constant 1 : i32
      scf.for %scan3A_221 = %scan3A_134 to %scan3A_136 step %scan3A_137  : i32 {
        %mul3A_222 = arith.constant 1 : i32
        %mul3A_223 = arith.muli %scan3A_221, %mul3A_222 : i32
        %add3A_224 = arith.constant 0 : i32
        %add3A_225 = arith.addi %add3A_224, %mul3A_223 : i32
        %mul3A_226 = arith.constant 128 : i32
        %mul3A_227 = arith.muli %add3A_225, %mul3A_226 : i32
        %multiple_of3A_228 = tpu.assume_multiple %mul3A_227, 128 : i32
        %dma_start3A = arith.constant 0 : i32
        %dma_start3A_229 = tpu.memref_slice %arg24[%multiple_of3A_228, %dma_start3A] : memref<512x8xf32, #tpu.memory_space<vmem>> -> memref<128x8xf32, #tpu.memory_space<vmem>>
        %dma_start3A_230 = tpu.memref_slice %arg10[%multiple_of3A_228] : memref<512xi32, #tpu.memory_space<vmem>> -> memref<128xi32, #tpu.memory_space<vmem>>
        %dma_start3A_231 = arith.constant 0 : i32
        %dma_start3A_232 = arith.constant 0 : i32
        %dma_start3A_233 = tpu.memref_slice %arg27[%dma_start3A_231, %dma_start3A_232] : memref<100352x8xf32, #tpu.memory_space<vmem_shared>> -> memref<100352x8xf32, #tpu.memory_space<vmem_shared>>
        tpu.enqueue_indirect_dma source(%dma_start3A_229 : memref<128x8xf32, #tpu.memory_space<vmem>>) target(%dma_start3A_233 : memref<100352x8xf32, #tpu.memory_space<vmem_shared>>) offsets(%dma_start3A_230 : memref<128xi32, #tpu.memory_space<vmem>>) semaphore(%arg32 : memref<!tpu.dma_semaphore, #tpu.memory_space<semaphore_mem>>) {add = true}
      }
      %scan3A_138 = arith.constant 4 : i32
      %dma_wait3A_139 = arith.constant 0 : i32
      %dma_wait3A_140 = arith.constant 0 : i32
      %dma_wait3A_141 = tpu.memref_slice %arg2[%dma_wait3A_139, %dma_wait3A_140] : memref<100352x8xf32, #tpu.memory_space<hbm>> -> memref<512x8xf32, #tpu.memory_space<hbm>>
      %dma_wait3A_142 = arith.constant 0 : i32
      %dma_wait3A_143 = arith.constant 0 : i32
      %dma_wait3A_144 = tpu.memref_slice %arg2[%dma_wait3A_142, %dma_wait3A_143] : memref<100352x8xf32, #tpu.memory_space<hbm>> -> memref<512x8xf32, #tpu.memory_space<hbm>>
      tpu.wait_dma2 semaphore(%arg30 : memref<!tpu.dma_semaphore, #tpu.memory_space<semaphore_mem>>) src(%dma_wait3A_144 : memref<512x8xf32, #tpu.memory_space<hbm>>) dst(%arg20 : memref<512x8xf32, #tpu.memory_space<vmem>>)
      %dma_wait3A_145 = arith.constant 0 : i32
      %dma_wait3A_146 = arith.constant 0 : i32
      %dma_wait3A_147 = tpu.memref_slice %arg2[%dma_wait3A_145, %dma_wait3A_146] : memref<100352x8xf32, #tpu.memory_space<hbm>> -> memref<512x8xf32, #tpu.memory_space<hbm>>
      %dma_wait3A_148 = arith.constant 0 : i32
      %dma_wait3A_149 = arith.constant 0 : i32
      %dma_wait3A_150 = tpu.memref_slice %arg2[%dma_wait3A_148, %dma_wait3A_149] : memref<100352x8xf32, #tpu.memory_space<hbm>> -> memref<512x8xf32, #tpu.memory_space<hbm>>
      tpu.wait_dma2 semaphore(%arg36 : memref<!tpu.dma_semaphore, #tpu.memory_space<semaphore_mem>>) src(%dma_wait3A_150 : memref<512x8xf32, #tpu.memory_space<hbm>>) dst(%arg21 : memref<512x8xf32, #tpu.memory_space<vmem>>)
      %scan3A_151 = arith.constant 0 : i32
      %scan3A_152 = arith.constant 32 : i32
      %scan3A_153 = arith.addi %scan3A_151, %scan3A_152 : i32
      %scan3A_154 = arith.constant 1 : i32
      scf.for %scan3A_221 = %scan3A_151 to %scan3A_153 step %scan3A_154  : i32 {
        %mul3A_222 = arith.constant 1 : i32
        %mul3A_223 = arith.muli %scan3A_221, %mul3A_222 : i32
        %add3A_224 = arith.constant 0 : i32
        %add3A_225 = arith.addi %add3A_224, %mul3A_223 : i32
        %mul3A_226 = arith.constant 16 : i32
        %mul3A_227 = arith.muli %add3A_225, %mul3A_226 : i32
        %add3A_228 = vector.broadcast %mul3A_227 : i32 to vector<16xi32>
        %add3A_229 = arith.addi %add3A_228, %iota3A : vector<16xi32>
        %mul3A_230 = arith.constant 16 : i32
        %mul3A_231 = arith.muli %add3A_225, %mul3A_230 : i32
        %multiple_of3A_232 = tpu.assume_multiple %mul3A_231, 16 : i32
        %get3A = arith.index_cast %multiple_of3A_232 : i32 to index
        %get3A_233 = tpu.vector_load %arg13[%get3A] {strides = array<i32>} : memref<512xi32, #tpu.memory_space<vmem>>, vector<16xi32>,
        %and3A_234 = arith.constant 1 : i32
        %and3A_235 = vector.broadcast %and3A_234 : i32 to vector<16xi32>
        %and3A_236 = arith.andi %get3A_233, %and3A_235 : vector<16xi32>
        %mul3A_237 = arith.constant 4 : i32
        %mul3A_238 = vector.broadcast %mul3A_237 : i32 to vector<16xi32>
        %mul3A_239 = arith.muli %and3A_236, %mul3A_238 : vector<16xi32>
        %broadcast_in_dim3A = arith.constant 0 : i32
        %broadcast_in_dim3A_240 = vector.broadcast %broadcast_in_dim3A : i32 to vector<16xi32>
        %gather3A = tpu.vector_load_idx %arg20[%add3A_229, %broadcast_in_dim3A_240] : memref<512x8xf32, #tpu.memory_space<vmem>>[vector<16xi32>, vector<16xi32>], vector<16xf32>,
        %broadcast_in_dim3A_241 = arith.constant 1 : i32
        %broadcast_in_dim3A_242 = vector.broadcast %broadcast_in_dim3A_241 : i32 to vector<16xi32>
        %gather3A_243 = tpu.vector_load_idx %arg20[%add3A_229, %broadcast_in_dim3A_242] : memref<512x8xf32, #tpu.memory_space<vmem>>[vector<16xi32>, vector<16xi32>], vector<16xf32>,
        %broadcast_in_dim3A_244 = arith.constant 2 : i32
        %broadcast_in_dim3A_245 = vector.broadcast %broadcast_in_dim3A_244 : i32 to vector<16xi32>
        %gather3A_246 = tpu.vector_load_idx %arg20[%add3A_229, %broadcast_in_dim3A_245] : memref<512x8xf32, #tpu.memory_space<vmem>>[vector<16xi32>, vector<16xi32>], vector<16xf32>,
        %broadcast_in_dim3A_247 = arith.constant 3 : i32
        %broadcast_in_dim3A_248 = vector.broadcast %broadcast_in_dim3A_247 : i32 to vector<16xi32>
        %gather3A_249 = tpu.vector_load_idx %arg20[%add3A_229, %broadcast_in_dim3A_248] : memref<512x8xf32, #tpu.memory_space<vmem>>[vector<16xi32>, vector<16xi32>], vector<16xf32>,
        %gather3A_250 = tpu.vector_load_idx %arg21[%add3A_229, %mul3A_239] : memref<512x8xf32, #tpu.memory_space<vmem>>[vector<16xi32>, vector<16xi32>], vector<16xf32>,
        %add3A_251 = arith.constant 1 : i32
        %add3A_252 = vector.broadcast %add3A_251 : i32 to vector<16xi32>
        %add3A_253 = arith.addi %mul3A_239, %add3A_252 : vector<16xi32>
        %gather3A_254 = tpu.vector_load_idx %arg21[%add3A_229, %add3A_253] : memref<512x8xf32, #tpu.memory_space<vmem>>[vector<16xi32>, vector<16xi32>], vector<16xf32>,
        %add3A_255 = arith.constant 2 : i32
        %add3A_256 = vector.broadcast %add3A_255 : i32 to vector<16xi32>
        %add3A_257 = arith.addi %mul3A_239, %add3A_256 : vector<16xi32>
        %gather3A_258 = tpu.vector_load_idx %arg21[%add3A_229, %add3A_257] : memref<512x8xf32, #tpu.memory_space<vmem>>[vector<16xi32>, vector<16xi32>], vector<16xf32>,
        %add3A_259 = arith.constant 3 : i32
        %add3A_260 = vector.broadcast %add3A_259 : i32 to vector<16xi32>
        %add3A_261 = arith.addi %mul3A_239, %add3A_260 : vector<16xi32>
        %gather3A_262 = tpu.vector_load_idx %arg21[%add3A_229, %add3A_261] : memref<512x8xf32, #tpu.memory_space<vmem>>[vector<16xi32>, vector<16xi32>], vector<16xf32>,
        %sub3A = arith.subf %gather3A, %gather3A_250 : vector<16xf32>
        %sub3A_263 = arith.subf %gather3A_243, %gather3A_254 : vector<16xf32>
        %sub3A_264 = arith.subf %gather3A_246, %gather3A_258 : vector<16xf32>
        %sub3A_265 = arith.subf %gather3A_249, %gather3A_262 : vector<16xf32>
        %mul3A_266 = arith.mulf %sub3A, %sub3A : vector<16xf32>
        %mul3A_267 = arith.mulf %sub3A_263, %sub3A_263 : vector<16xf32>
        %add3A_268 = arith.addf %mul3A_266, %mul3A_267 : vector<16xf32>
        %div3A = arith.constant 1.000000e+00 : f32
        %div3A_269 = vector.broadcast %div3A : f32 to vector<16xf32>
        %div3A_270 = arith.divf %div3A_269, %add3A_268 : vector<16xf32>
        %eq3A_271 = arith.constant 0.000000e+00 : f32
        %eq3A_272 = vector.broadcast %eq3A_271 : f32 to vector<16xf32>
        %eq3A_273 = arith.cmpf oeq, %add3A_268, %eq3A_272 : vector<16xf32>
        %mul3A_274 = arith.constant -5.000000e+00 : f32
        %mul3A_275 = vector.broadcast %mul3A_274 : f32 to vector<16xf32>
        %mul3A_276 = arith.mulf %sub3A, %mul3A_275 : vector<16xf32>
        %mul3A_277 = arith.mulf %mul3A_276, %div3A_270 : vector<16xf32>
        %jit3A_278 = arith.constant 0.000000e+00 : f32
        %broadcast_in_dim3A_279 = vector.broadcast %jit3A_278 : f32 to vector<16xf32>
        %select_n3A_280 = arith.select %eq3A_273, %broadcast_in_dim3A_279, %mul3A_277 : vector<16xi1>, vector<16xf32>
        %mul3A_281 = arith.constant -5.000000e+00 : f32
        %mul3A_282 = vector.broadcast %mul3A_281 : f32 to vector<16xf32>
        %mul3A_283 = arith.mulf %sub3A_263, %mul3A_282 : vector<16xf32>
        %mul3A_284 = arith.mulf %mul3A_283, %div3A_270 : vector<16xf32>
        %jit3A_285 = arith.constant 0.000000e+00 : f32
        %broadcast_in_dim3A_286 = vector.broadcast %jit3A_285 : f32 to vector<16xf32>
        %select_n3A_287 = arith.select %eq3A_273, %broadcast_in_dim3A_286, %mul3A_284 : vector<16xi1>, vector<16xf32>
        %mul3A_288 = arith.constant 5.000000e-02 : f32
        %mul3A_289 = vector.broadcast %mul3A_288 : f32 to vector<16xf32>
        %mul3A_290 = arith.mulf %sub3A, %mul3A_289 : vector<16xf32>
        %add3A_291 = arith.addf %mul3A_290, %sub3A_264 : vector<16xf32>
        %mul3A_292 = arith.constant 5.000000e-02 : f32
        %mul3A_293 = vector.broadcast %mul3A_292 : f32 to vector<16xf32>
        %mul3A_294 = arith.mulf %sub3A_263, %mul3A_293 : vector<16xf32>
        %add3A_295 = arith.addf %mul3A_294, %sub3A_265 : vector<16xf32>
        %broadcast_in_dim3A_296 = arith.constant 0 : i32
        %broadcast_in_dim3A_297 = vector.broadcast %broadcast_in_dim3A_296 : i32 to vector<16xi32>
        tpu.vector_store_idx %arg25[%add3A_229, %broadcast_in_dim3A_297], %add3A_291 : memref<512x8xf32, #tpu.memory_space<vmem>>[vector<16xi32>, vector<16xi32>], vector<16xf32>,
        %broadcast_in_dim3A_298 = arith.constant 1 : i32
        %broadcast_in_dim3A_299 = vector.broadcast %broadcast_in_dim3A_298 : i32 to vector<16xi32>
        tpu.vector_store_idx %arg25[%add3A_229, %broadcast_in_dim3A_299], %add3A_295 : memref<512x8xf32, #tpu.memory_space<vmem>>[vector<16xi32>, vector<16xi32>], vector<16xf32>,
        %broadcast_in_dim3A_300 = arith.constant 2 : i32
        %broadcast_in_dim3A_301 = vector.broadcast %broadcast_in_dim3A_300 : i32 to vector<16xi32>
        tpu.vector_store_idx %arg25[%add3A_229, %broadcast_in_dim3A_301], %select_n3A_280 : memref<512x8xf32, #tpu.memory_space<vmem>>[vector<16xi32>, vector<16xi32>], vector<16xf32>,
        %broadcast_in_dim3A_302 = arith.constant 3 : i32
        %broadcast_in_dim3A_303 = vector.broadcast %broadcast_in_dim3A_302 : i32 to vector<16xi32>
        tpu.vector_store_idx %arg25[%add3A_229, %broadcast_in_dim3A_303], %select_n3A_287 : memref<512x8xf32, #tpu.memory_space<vmem>>[vector<16xi32>, vector<16xi32>], vector<16xf32>,
      }
      %scan3A_155 = arith.constant 32 : i32
      %scan3A_156 = arith.constant 0 : i32
      %scan3A_157 = arith.constant 4 : i32
      %scan3A_158 = arith.addi %scan3A_156, %scan3A_157 : i32
      %scan3A_159 = arith.constant 1 : i32
      scf.for %scan3A_221 = %scan3A_156 to %scan3A_158 step %scan3A_159  : i32 {
        %mul3A_222 = arith.constant 1 : i32
        %mul3A_223 = arith.muli %scan3A_221, %mul3A_222 : i32
        %add3A_224 = arith.constant 0 : i32
        %add3A_225 = arith.addi %add3A_224, %mul3A_223 : i32
        %mul3A_226 = arith.constant 128 : i32
        %mul3A_227 = arith.muli %add3A_225, %mul3A_226 : i32
        %multiple_of3A_228 = tpu.assume_multiple %mul3A_227, 128 : i32
        %dma_start3A = arith.constant 0 : i32
        %dma_start3A_229 = tpu.memref_slice %arg25[%multiple_of3A_228, %dma_start3A] : memref<512x8xf32, #tpu.memory_space<vmem>> -> memref<128x8xf32, #tpu.memory_space<vmem>>
        %dma_start3A_230 = tpu.memref_slice %arg13[%multiple_of3A_228] : memref<512xi32, #tpu.memory_space<vmem>> -> memref<128xi32, #tpu.memory_space<vmem>>
        %dma_start3A_231 = arith.constant 0 : i32
        %dma_start3A_232 = arith.constant 0 : i32
        %dma_start3A_233 = tpu.memref_slice %arg27[%dma_start3A_231, %dma_start3A_232] : memref<100352x8xf32, #tpu.memory_space<vmem_shared>> -> memref<100352x8xf32, #tpu.memory_space<vmem_shared>>
        tpu.enqueue_indirect_dma source(%dma_start3A_229 : memref<128x8xf32, #tpu.memory_space<vmem>>) target(%dma_start3A_233 : memref<100352x8xf32, #tpu.memory_space<vmem_shared>>) offsets(%dma_start3A_230 : memref<128xi32, #tpu.memory_space<vmem>>) semaphore(%arg33 : memref<!tpu.dma_semaphore, #tpu.memory_space<semaphore_mem>>) {add = true}
      }
      %scan3A_160 = arith.constant 4 : i32
      %add3A_161 = arith.constant 3 : i32
      %add3A_162 = arith.addi %add3A_116, %add3A_161 : i32
      %mul3A_163 = arith.constant 3 : i32
      %mul3A_164 = arith.muli %mul3A_163, %add3A_113 : i32
      %add3A_165 = arith.constant 3 : i32
      %add3A_166 = arith.addi %mul3A_164, %add3A_165 : i32
      %lt3A_167 = arith.cmpi slt, %add3A_166, %select_n3A : i32
      %convert_element_type3A_168 = arith.extui %lt3A_167 : i1 to i32
      %cond3A_169 = arith.constant 0 : i32
      %cond3A_170 = arith.cmpi ne, %convert_element_type3A_168, %cond3A_169 : i32
      scf.if %cond3A_170 {
        %dma_wait3A_221 = arith.constant 0 : i32
        %dma_wait3A_222 = arith.constant 0 : i32
        %dma_wait3A_223 = tpu.memref_slice %arg2[%dma_wait3A_221, %dma_wait3A_222] : memref<100352x8xf32, #tpu.memory_space<hbm>> -> memref<512x8xf32, #tpu.memory_space<hbm>>
        %dma_wait3A_224 = arith.constant 0 : i32
        %dma_wait3A_225 = arith.constant 0 : i32
        %dma_wait3A_226 = tpu.memref_slice %arg2[%dma_wait3A_224, %dma_wait3A_225] : memref<100352x8xf32, #tpu.memory_space<hbm>> -> memref<512x8xf32, #tpu.memory_space<hbm>>
        tpu.wait_dma2 semaphore(%arg32 : memref<!tpu.dma_semaphore, #tpu.memory_space<semaphore_mem>>) src(%dma_wait3A_226 : memref<512x8xf32, #tpu.memory_space<hbm>>) dst(%arg24 : memref<512x8xf32, #tpu.memory_space<vmem>>)
        %mul3A_227 = arith.constant 512 : i32
        %mul3A_228 = arith.muli %add3A_162, %mul3A_227 : i32
        %multiple_of3A_229 = tpu.assume_multiple %mul3A_228, 512 : i32
        %run_scoped3A_230 = arith.constant 0 : i32
        "tpu.region"() ({
          %run_scoped3A_242 = tpu.sem_alloc : memref<!tpu.dma_semaphore, #tpu.memory_space<semaphore_mem>>
          %dma_start3A = tpu.memref_slice %arg4[%run_scoped3A_230, %multiple_of3A_229] : memref<2x6400000xi32, #tpu.memory_space<hbm>> -> memref<1x512xi32, #tpu.memory_space<hbm>>
          %dma_start3A_243 = tpu.memref_squeeze %dma_start3A : memref<1x512xi32, #tpu.memory_space<hbm>> -> memref<512xi32, #tpu.memory_space<hbm>>
          %dma_start3A_244 = tpu.memref_slice %arg4[%run_scoped3A_230, %multiple_of3A_229] : memref<2x6400000xi32, #tpu.memory_space<hbm>> -> memref<1x512xi32, #tpu.memory_space<hbm>>
          %dma_start3A_245 = tpu.memref_squeeze %dma_start3A_244 : memref<1x512xi32, #tpu.memory_space<hbm>> -> memref<512xi32, #tpu.memory_space<hbm>>
          tpu.enqueue_dma source(%dma_start3A_245 : memref<512xi32, #tpu.memory_space<hbm>>) target(%arg9 : memref<512xi32, #tpu.memory_space<vmem>>) target_semaphore(%run_scoped3A_242 : memref<!tpu.dma_semaphore, #tpu.memory_space<semaphore_mem>>)
          %dma_wait3A_246 = tpu.memref_slice %arg4[%run_scoped3A_230, %multiple_of3A_229] : memref<2x6400000xi32, #tpu.memory_space<hbm>> -> memref<1x512xi32, #tpu.memory_space<hbm>>
          %dma_wait3A_247 = tpu.memref_squeeze %dma_wait3A_246 : memref<1x512xi32, #tpu.memory_space<hbm>> -> memref<512xi32, #tpu.memory_space<hbm>>
          %dma_wait3A_248 = tpu.memref_slice %arg4[%run_scoped3A_230, %multiple_of3A_229] : memref<2x6400000xi32, #tpu.memory_space<hbm>> -> memref<1x512xi32, #tpu.memory_space<hbm>>
          %dma_wait3A_249 = tpu.memref_squeeze %dma_wait3A_248 : memref<1x512xi32, #tpu.memory_space<hbm>> -> memref<512xi32, #tpu.memory_space<hbm>>
          tpu.wait_dma2 semaphore(%run_scoped3A_242 : memref<!tpu.dma_semaphore, #tpu.memory_space<semaphore_mem>>) src(%dma_wait3A_249 : memref<512xi32, #tpu.memory_space<hbm>>) dst(%arg9 : memref<512xi32, #tpu.memory_space<vmem>>)
          tpu.yield
        }) : () -> ()
        %run_scoped3A_231 = arith.constant 1 : i32
        "tpu.region"() ({
          %run_scoped3A_242 = tpu.sem_alloc : memref<!tpu.dma_semaphore, #tpu.memory_space<semaphore_mem>>
          %dma_start3A = tpu.memref_slice %arg4[%run_scoped3A_231, %multiple_of3A_229] : memref<2x6400000xi32, #tpu.memory_space<hbm>> -> memref<1x512xi32, #tpu.memory_space<hbm>>
          %dma_start3A_243 = tpu.memref_squeeze %dma_start3A : memref<1x512xi32, #tpu.memory_space<hbm>> -> memref<512xi32, #tpu.memory_space<hbm>>
          %dma_start3A_244 = tpu.memref_slice %arg4[%run_scoped3A_231, %multiple_of3A_229] : memref<2x6400000xi32, #tpu.memory_space<hbm>> -> memref<1x512xi32, #tpu.memory_space<hbm>>
          %dma_start3A_245 = tpu.memref_squeeze %dma_start3A_244 : memref<1x512xi32, #tpu.memory_space<hbm>> -> memref<512xi32, #tpu.memory_space<hbm>>
          tpu.enqueue_dma source(%dma_start3A_245 : memref<512xi32, #tpu.memory_space<hbm>>) target(%arg10 : memref<512xi32, #tpu.memory_space<vmem>>) target_semaphore(%run_scoped3A_242 : memref<!tpu.dma_semaphore, #tpu.memory_space<semaphore_mem>>)
          %dma_wait3A_246 = tpu.memref_slice %arg4[%run_scoped3A_231, %multiple_of3A_229] : memref<2x6400000xi32, #tpu.memory_space<hbm>> -> memref<1x512xi32, #tpu.memory_space<hbm>>
          %dma_wait3A_247 = tpu.memref_squeeze %dma_wait3A_246 : memref<1x512xi32, #tpu.memory_space<hbm>> -> memref<512xi32, #tpu.memory_space<hbm>>
          %dma_wait3A_248 = tpu.memref_slice %arg4[%run_scoped3A_231, %multiple_of3A_229] : memref<2x6400000xi32, #tpu.memory_space<hbm>> -> memref<1x512xi32, #tpu.memory_space<hbm>>
          %dma_wait3A_249 = tpu.memref_squeeze %dma_wait3A_248 : memref<1x512xi32, #tpu.memory_space<hbm>> -> memref<512xi32, #tpu.memory_space<hbm>>
          tpu.wait_dma2 semaphore(%run_scoped3A_242 : memref<!tpu.dma_semaphore, #tpu.memory_space<semaphore_mem>>) src(%dma_wait3A_249 : memref<512xi32, #tpu.memory_space<hbm>>) dst(%arg10 : memref<512xi32, #tpu.memory_space<vmem>>)
          tpu.yield
        }) : () -> ()
        %scan3A_232 = arith.constant 0 : i32
        %scan3A_233 = arith.constant 32 : i32
        %scan3A_234 = arith.addi %scan3A_232, %scan3A_233 : i32
        %scan3A_235 = arith.constant 1 : i32
        scf.for %scan3A_242 = %scan3A_232 to %scan3A_234 step %scan3A_235  : i32 {
          %mul3A_243 = arith.constant 1 : i32
          %mul3A_244 = arith.muli %scan3A_242, %mul3A_243 : i32
          %add3A_245 = arith.constant 0 : i32
          %add3A_246 = arith.addi %add3A_245, %mul3A_244 : i32
          %mul3A_247 = arith.constant 16 : i32
          %mul3A_248 = arith.muli %add3A_246, %mul3A_247 : i32
          %multiple_of3A_249 = tpu.assume_multiple %mul3A_248, 16 : i32
          %get3A = arith.index_cast %multiple_of3A_249 : i32 to index
          %get3A_250 = tpu.vector_load %arg10[%get3A] {strides = array<i32>} : memref<512xi32, #tpu.memory_space<vmem>>, vector<16xi32>,
          %shift_right_arithmetic3A = arith.constant 1 : i32
          %shift_right_arithmetic3A_251 = vector.broadcast %shift_right_arithmetic3A : i32 to vector<16xi32>
          %shift_right_arithmetic3A_252 = arith.shrsi %get3A_250, %shift_right_arithmetic3A_251 : vector<16xi32>
          %swap3A = arith.index_cast %multiple_of3A_249 : i32 to index
          %swap3A_253 = tpu.vector_load %arg11[%swap3A] {strides = array<i32>} : memref<512xi32, #tpu.memory_space<vmem>>, vector<16xi32>,
          tpu.vector_store %arg11[%swap3A], %shift_right_arithmetic3A_252 {strides = array<i32>} : memref<512xi32, #tpu.memory_space<vmem>>, vector<16xi32>,
        }
        %scan3A_236 = arith.constant 32 : i32
        %scan3A_237 = arith.constant 0 : i32
        %scan3A_238 = arith.constant 4 : i32
        %scan3A_239 = arith.addi %scan3A_237, %scan3A_238 : i32
        %scan3A_240 = arith.constant 1 : i32
        scf.for %scan3A_242 = %scan3A_237 to %scan3A_239 step %scan3A_240  : i32 {
          %mul3A_243 = arith.constant 1 : i32
          %mul3A_244 = arith.muli %scan3A_242, %mul3A_243 : i32
          %add3A_245 = arith.constant 0 : i32
          %add3A_246 = arith.addi %add3A_245, %mul3A_244 : i32
          %mul3A_247 = arith.constant 128 : i32
          %mul3A_248 = arith.muli %add3A_246, %mul3A_247 : i32
          %multiple_of3A_249 = tpu.assume_multiple %mul3A_248, 128 : i32
          %dma_start3A = arith.constant 0 : i32
          %dma_start3A_250 = tpu.memref_slice %arg18[%multiple_of3A_249, %dma_start3A] : memref<512x8xf32, #tpu.memory_space<vmem>> -> memref<128x8xf32, #tpu.memory_space<vmem>>
          %dma_start3A_251 = tpu.memref_slice %arg9[%multiple_of3A_249] : memref<512xi32, #tpu.memory_space<vmem>> -> memref<128xi32, #tpu.memory_space<vmem>>
          %dma_start3A_252 = arith.constant 0 : i32
          %dma_start3A_253 = arith.constant 0 : i32
          %dma_start3A_254 = tpu.memref_slice %arg2[%dma_start3A_252, %dma_start3A_253] : memref<100352x8xf32, #tpu.memory_space<hbm>> -> memref<100352x8xf32, #tpu.memory_space<hbm>>
          tpu.enqueue_indirect_dma source(%dma_start3A_254 : memref<100352x8xf32, #tpu.memory_space<hbm>>) target(%dma_start3A_250 : memref<128x8xf32, #tpu.memory_space<vmem>>) offsets(%dma_start3A_251 : memref<128xi32, #tpu.memory_space<vmem>>) semaphore(%arg29 : memref<!tpu.dma_semaphore, #tpu.memory_space<semaphore_mem>>)
          %dma_start3A_255 = arith.constant 0 : i32
          %dma_start3A_256 = tpu.memref_slice %arg19[%multiple_of3A_249, %dma_start3A_255] : memref<512x8xf32, #tpu.memory_space<vmem>> -> memref<128x8xf32, #tpu.memory_space<vmem>>
          %dma_start3A_257 = tpu.memref_slice %arg11[%multiple_of3A_249] : memref<512xi32, #tpu.memory_space<vmem>> -> memref<128xi32, #tpu.memory_space<vmem>>
          %dma_start3A_258 = arith.constant 0 : i32
          %dma_start3A_259 = arith.constant 0 : i32
          %dma_start3A_260 = tpu.memref_slice %arg28[%dma_start3A_258, %dma_start3A_259] : memref<50176x8xf32, #tpu.memory_space<vmem_shared>> -> memref<50176x8xf32, #tpu.memory_space<vmem_shared>>
          tpu.enqueue_indirect_dma source(%dma_start3A_260 : memref<50176x8xf32, #tpu.memory_space<vmem_shared>>) target(%dma_start3A_256 : memref<128x8xf32, #tpu.memory_space<vmem>>) offsets(%dma_start3A_257 : memref<128xi32, #tpu.memory_space<vmem>>) semaphore(%arg35 : memref<!tpu.dma_semaphore, #tpu.memory_space<semaphore_mem>>)
        }
        %scan3A_241 = arith.constant 4 : i32
      } else {
      }
      %dma_wait3A_171 = arith.constant 0 : i32
      %dma_wait3A_172 = arith.constant 0 : i32
      %dma_wait3A_173 = tpu.memref_slice %arg2[%dma_wait3A_171, %dma_wait3A_172] : memref<100352x8xf32, #tpu.memory_space<hbm>> -> memref<512x8xf32, #tpu.memory_space<hbm>>
      %dma_wait3A_174 = arith.constant 0 : i32
      %dma_wait3A_175 = arith.constant 0 : i32
      %dma_wait3A_176 = tpu.memref_slice %arg2[%dma_wait3A_174, %dma_wait3A_175] : memref<100352x8xf32, #tpu.memory_space<hbm>> -> memref<512x8xf32, #tpu.memory_space<hbm>>
      tpu.wait_dma2 semaphore(%arg31 : memref<!tpu.dma_semaphore, #tpu.memory_space<semaphore_mem>>) src(%dma_wait3A_176 : memref<512x8xf32, #tpu.memory_space<hbm>>) dst(%arg22 : memref<512x8xf32, #tpu.memory_space<vmem>>)
      %dma_wait3A_177 = arith.constant 0 : i32
      %dma_wait3A_178 = arith.constant 0 : i32
      %dma_wait3A_179 = tpu.memref_slice %arg2[%dma_wait3A_177, %dma_wait3A_178] : memref<100352x8xf32, #tpu.memory_space<hbm>> -> memref<512x8xf32, #tpu.memory_space<hbm>>
      %dma_wait3A_180 = arith.constant 0 : i32
      %dma_wait3A_181 = arith.constant 0 : i32
      %dma_wait3A_182 = tpu.memref_slice %arg2[%dma_wait3A_180, %dma_wait3A_181] : memref<100352x8xf32, #tpu.memory_space<hbm>> -> memref<512x8xf32, #tpu.memory_space<hbm>>
      tpu.wait_dma2 semaphore(%arg37 : memref<!tpu.dma_semaphore, #tpu.memory_space<semaphore_mem>>) src(%dma_wait3A_182 : memref<512x8xf32, #tpu.memory_space<hbm>>) dst(%arg23 : memref<512x8xf32, #tpu.memory_space<vmem>>)
      %scan3A_183 = arith.constant 0 : i32
      %scan3A_184 = arith.constant 32 : i32
      %scan3A_185 = arith.addi %scan3A_183, %scan3A_184 : i32
      %scan3A_186 = arith.constant 1 : i32
      scf.for %scan3A_221 = %scan3A_183 to %scan3A_185 step %scan3A_186  : i32 {
        %mul3A_222 = arith.constant 1 : i32
        %mul3A_223 = arith.muli %scan3A_221, %mul3A_222 : i32
        %add3A_224 = arith.constant 0 : i32
        %add3A_225 = arith.addi %add3A_224, %mul3A_223 : i32
        %mul3A_226 = arith.constant 16 : i32
        %mul3A_227 = arith.muli %add3A_225, %mul3A_226 : i32
        %add3A_228 = vector.broadcast %mul3A_227 : i32 to vector<16xi32>
        %add3A_229 = arith.addi %add3A_228, %iota3A : vector<16xi32>
        %mul3A_230 = arith.constant 16 : i32
        %mul3A_231 = arith.muli %add3A_225, %mul3A_230 : i32
        %multiple_of3A_232 = tpu.assume_multiple %mul3A_231, 16 : i32
        %get3A = arith.index_cast %multiple_of3A_232 : i32 to index
        %get3A_233 = tpu.vector_load %arg16[%get3A] {strides = array<i32>} : memref<512xi32, #tpu.memory_space<vmem>>, vector<16xi32>,
        %and3A_234 = arith.constant 1 : i32
        %and3A_235 = vector.broadcast %and3A_234 : i32 to vector<16xi32>
        %and3A_236 = arith.andi %get3A_233, %and3A_235 : vector<16xi32>
        %mul3A_237 = arith.constant 4 : i32
        %mul3A_238 = vector.broadcast %mul3A_237 : i32 to vector<16xi32>
        %mul3A_239 = arith.muli %and3A_236, %mul3A_238 : vector<16xi32>
        %broadcast_in_dim3A = arith.constant 0 : i32
        %broadcast_in_dim3A_240 = vector.broadcast %broadcast_in_dim3A : i32 to vector<16xi32>
        %gather3A = tpu.vector_load_idx %arg22[%add3A_229, %broadcast_in_dim3A_240] : memref<512x8xf32, #tpu.memory_space<vmem>>[vector<16xi32>, vector<16xi32>], vector<16xf32>,
        %broadcast_in_dim3A_241 = arith.constant 1 : i32
        %broadcast_in_dim3A_242 = vector.broadcast %broadcast_in_dim3A_241 : i32 to vector<16xi32>
        %gather3A_243 = tpu.vector_load_idx %arg22[%add3A_229, %broadcast_in_dim3A_242] : memref<512x8xf32, #tpu.memory_space<vmem>>[vector<16xi32>, vector<16xi32>], vector<16xf32>,
        %broadcast_in_dim3A_244 = arith.constant 2 : i32
        %broadcast_in_dim3A_245 = vector.broadcast %broadcast_in_dim3A_244 : i32 to vector<16xi32>
        %gather3A_246 = tpu.vector_load_idx %arg22[%add3A_229, %broadcast_in_dim3A_245] : memref<512x8xf32, #tpu.memory_space<vmem>>[vector<16xi32>, vector<16xi32>], vector<16xf32>,
        %broadcast_in_dim3A_247 = arith.constant 3 : i32
        %broadcast_in_dim3A_248 = vector.broadcast %broadcast_in_dim3A_247 : i32 to vector<16xi32>
        %gather3A_249 = tpu.vector_load_idx %arg22[%add3A_229, %broadcast_in_dim3A_248] : memref<512x8xf32, #tpu.memory_space<vmem>>[vector<16xi32>, vector<16xi32>], vector<16xf32>,
        %gather3A_250 = tpu.vector_load_idx %arg23[%add3A_229, %mul3A_239] : memref<512x8xf32, #tpu.memory_space<vmem>>[vector<16xi32>, vector<16xi32>], vector<16xf32>,
        %add3A_251 = arith.constant 1 : i32
        %add3A_252 = vector.broadcast %add3A_251 : i32 to vector<16xi32>
        %add3A_253 = arith.addi %mul3A_239, %add3A_252 : vector<16xi32>
        %gather3A_254 = tpu.vector_load_idx %arg23[%add3A_229, %add3A_253] : memref<512x8xf32, #tpu.memory_space<vmem>>[vector<16xi32>, vector<16xi32>], vector<16xf32>,
        %add3A_255 = arith.constant 2 : i32
        %add3A_256 = vector.broadcast %add3A_255 : i32 to vector<16xi32>
        %add3A_257 = arith.addi %mul3A_239, %add3A_256 : vector<16xi32>
        %gather3A_258 = tpu.vector_load_idx %arg23[%add3A_229, %add3A_257] : memref<512x8xf32, #tpu.memory_space<vmem>>[vector<16xi32>, vector<16xi32>], vector<16xf32>,
        %add3A_259 = arith.constant 3 : i32
        %add3A_260 = vector.broadcast %add3A_259 : i32 to vector<16xi32>
        %add3A_261 = arith.addi %mul3A_239, %add3A_260 : vector<16xi32>
        %gather3A_262 = tpu.vector_load_idx %arg23[%add3A_229, %add3A_261] : memref<512x8xf32, #tpu.memory_space<vmem>>[vector<16xi32>, vector<16xi32>], vector<16xf32>,
        %sub3A = arith.subf %gather3A, %gather3A_250 : vector<16xf32>
        %sub3A_263 = arith.subf %gather3A_243, %gather3A_254 : vector<16xf32>
        %sub3A_264 = arith.subf %gather3A_246, %gather3A_258 : vector<16xf32>
        %sub3A_265 = arith.subf %gather3A_249, %gather3A_262 : vector<16xf32>
        %mul3A_266 = arith.mulf %sub3A, %sub3A : vector<16xf32>
        %mul3A_267 = arith.mulf %sub3A_263, %sub3A_263 : vector<16xf32>
        %add3A_268 = arith.addf %mul3A_266, %mul3A_267 : vector<16xf32>
        %div3A = arith.constant 1.000000e+00 : f32
        %div3A_269 = vector.broadcast %div3A : f32 to vector<16xf32>
        %div3A_270 = arith.divf %div3A_269, %add3A_268 : vector<16xf32>
        %eq3A_271 = arith.constant 0.000000e+00 : f32
        %eq3A_272 = vector.broadcast %eq3A_271 : f32 to vector<16xf32>
        %eq3A_273 = arith.cmpf oeq, %add3A_268, %eq3A_272 : vector<16xf32>
        %mul3A_274 = arith.constant -5.000000e+00 : f32
        %mul3A_275 = vector.broadcast %mul3A_274 : f32 to vector<16xf32>
        %mul3A_276 = arith.mulf %sub3A, %mul3A_275 : vector<16xf32>
        %mul3A_277 = arith.mulf %mul3A_276, %div3A_270 : vector<16xf32>
        %jit3A_278 = arith.constant 0.000000e+00 : f32
        %broadcast_in_dim3A_279 = vector.broadcast %jit3A_278 : f32 to vector<16xf32>
        %select_n3A_280 = arith.select %eq3A_273, %broadcast_in_dim3A_279, %mul3A_277 : vector<16xi1>, vector<16xf32>
        %mul3A_281 = arith.constant -5.000000e+00 : f32
        %mul3A_282 = vector.broadcast %mul3A_281 : f32 to vector<16xf32>
        %mul3A_283 = arith.mulf %sub3A_263, %mul3A_282 : vector<16xf32>
        %mul3A_284 = arith.mulf %mul3A_283, %div3A_270 : vector<16xf32>
        %jit3A_285 = arith.constant 0.000000e+00 : f32
        %broadcast_in_dim3A_286 = vector.broadcast %jit3A_285 : f32 to vector<16xf32>
        %select_n3A_287 = arith.select %eq3A_273, %broadcast_in_dim3A_286, %mul3A_284 : vector<16xi1>, vector<16xf32>
        %mul3A_288 = arith.constant 5.000000e-02 : f32
        %mul3A_289 = vector.broadcast %mul3A_288 : f32 to vector<16xf32>
        %mul3A_290 = arith.mulf %sub3A, %mul3A_289 : vector<16xf32>
        %add3A_291 = arith.addf %mul3A_290, %sub3A_264 : vector<16xf32>
        %mul3A_292 = arith.constant 5.000000e-02 : f32
        %mul3A_293 = vector.broadcast %mul3A_292 : f32 to vector<16xf32>
        %mul3A_294 = arith.mulf %sub3A_263, %mul3A_293 : vector<16xf32>
        %add3A_295 = arith.addf %mul3A_294, %sub3A_265 : vector<16xf32>
        %broadcast_in_dim3A_296 = arith.constant 0 : i32
        %broadcast_in_dim3A_297 = vector.broadcast %broadcast_in_dim3A_296 : i32 to vector<16xi32>
        tpu.vector_store_idx %arg26[%add3A_229, %broadcast_in_dim3A_297], %add3A_291 : memref<512x8xf32, #tpu.memory_space<vmem>>[vector<16xi32>, vector<16xi32>], vector<16xf32>,
        %broadcast_in_dim3A_298 = arith.constant 1 : i32
        %broadcast_in_dim3A_299 = vector.broadcast %broadcast_in_dim3A_298 : i32 to vector<16xi32>
        tpu.vector_store_idx %arg26[%add3A_229, %broadcast_in_dim3A_299], %add3A_295 : memref<512x8xf32, #tpu.memory_space<vmem>>[vector<16xi32>, vector<16xi32>], vector<16xf32>,
        %broadcast_in_dim3A_300 = arith.constant 2 : i32
        %broadcast_in_dim3A_301 = vector.broadcast %broadcast_in_dim3A_300 : i32 to vector<16xi32>
        tpu.vector_store_idx %arg26[%add3A_229, %broadcast_in_dim3A_301], %select_n3A_280 : memref<512x8xf32, #tpu.memory_space<vmem>>[vector<16xi32>, vector<16xi32>], vector<16xf32>,
        %broadcast_in_dim3A_302 = arith.constant 3 : i32
        %broadcast_in_dim3A_303 = vector.broadcast %broadcast_in_dim3A_302 : i32 to vector<16xi32>
        tpu.vector_store_idx %arg26[%add3A_229, %broadcast_in_dim3A_303], %select_n3A_287 : memref<512x8xf32, #tpu.memory_space<vmem>>[vector<16xi32>, vector<16xi32>], vector<16xf32>,
      }
      %scan3A_187 = arith.constant 32 : i32
      %scan3A_188 = arith.constant 0 : i32
      %scan3A_189 = arith.constant 4 : i32
      %scan3A_190 = arith.addi %scan3A_188, %scan3A_189 : i32
      %scan3A_191 = arith.constant 1 : i32
      scf.for %scan3A_221 = %scan3A_188 to %scan3A_190 step %scan3A_191  : i32 {
        %mul3A_222 = arith.constant 1 : i32
        %mul3A_223 = arith.muli %scan3A_221, %mul3A_222 : i32
        %add3A_224 = arith.constant 0 : i32
        %add3A_225 = arith.addi %add3A_224, %mul3A_223 : i32
        %mul3A_226 = arith.constant 128 : i32
        %mul3A_227 = arith.muli %add3A_225, %mul3A_226 : i32
        %multiple_of3A_228 = tpu.assume_multiple %mul3A_227, 128 : i32
        %dma_start3A = arith.constant 0 : i32
        %dma_start3A_229 = tpu.memref_slice %arg26[%multiple_of3A_228, %dma_start3A] : memref<512x8xf32, #tpu.memory_space<vmem>> -> memref<128x8xf32, #tpu.memory_space<vmem>>
        %dma_start3A_230 = tpu.memref_slice %arg16[%multiple_of3A_228] : memref<512xi32, #tpu.memory_space<vmem>> -> memref<128xi32, #tpu.memory_space<vmem>>
        %dma_start3A_231 = arith.constant 0 : i32
        %dma_start3A_232 = arith.constant 0 : i32
        %dma_start3A_233 = tpu.memref_slice %arg27[%dma_start3A_231, %dma_start3A_232] : memref<100352x8xf32, #tpu.memory_space<vmem_shared>> -> memref<100352x8xf32, #tpu.memory_space<vmem_shared>>
        tpu.enqueue_indirect_dma source(%dma_start3A_229 : memref<128x8xf32, #tpu.memory_space<vmem>>) target(%dma_start3A_233 : memref<100352x8xf32, #tpu.memory_space<vmem_shared>>) offsets(%dma_start3A_230 : memref<128xi32, #tpu.memory_space<vmem>>) semaphore(%arg34 : memref<!tpu.dma_semaphore, #tpu.memory_space<semaphore_mem>>) {add = true}
      }
      %scan3A_192 = arith.constant 4 : i32
      %add3A_193 = arith.constant 3 : i32
      %add3A_194 = arith.addi %add3A_116, %add3A_193 : i32
      %add3A_195 = arith.constant 1 : i32
      %add3A_196 = arith.addi %add3A_194, %add3A_195 : i32
      %mul3A_197 = arith.constant 3 : i32
      %mul3A_198 = arith.muli %mul3A_197, %add3A_113 : i32
      %add3A_199 = arith.constant 3 : i32
      %add3A_200 = arith.addi %mul3A_198, %add3A_199 : i32
      %add3A_201 = arith.constant 1 : i32
      %add3A_202 = arith.addi %add3A_200, %add3A_201 : i32
      %lt3A_203 = arith.cmpi slt, %add3A_202, %select_n3A : i32
      %convert_element_type3A_204 = arith.extui %lt3A_203 : i1 to i32
      %cond3A_205 = arith.constant 0 : i32
      %cond3A_206 = arith.cmpi ne, %convert_element_type3A_204, %cond3A_205 : i32
      scf.if %cond3A_206 {
        %dma_wait3A_221 = arith.constant 0 : i32
        %dma_wait3A_222 = arith.constant 0 : i32
        %dma_wait3A_223 = tpu.memref_slice %arg2[%dma_wait3A_221, %dma_wait3A_222] : memref<100352x8xf32, #tpu.memory_space<hbm>> -> memref<512x8xf32, #tpu.memory_space<hbm>>
        %dma_wait3A_224 = arith.constant 0 : i32
        %dma_wait3A_225 = arith.constant 0 : i32
        %dma_wait3A_226 = tpu.memref_slice %arg2[%dma_wait3A_224, %dma_wait3A_225] : memref<100352x8xf32, #tpu.memory_space<hbm>> -> memref<512x8xf32, #tpu.memory_space<hbm>>
        tpu.wait_dma2 semaphore(%arg33 : memref<!tpu.dma_semaphore, #tpu.memory_space<semaphore_mem>>) src(%dma_wait3A_226 : memref<512x8xf32, #tpu.memory_space<hbm>>) dst(%arg25 : memref<512x8xf32, #tpu.memory_space<vmem>>)
        %mul3A_227 = arith.constant 512 : i32
        %mul3A_228 = arith.muli %add3A_196, %mul3A_227 : i32
        %multiple_of3A_229 = tpu.assume_multiple %mul3A_228, 512 : i32
        %run_scoped3A_230 = arith.constant 0 : i32
        "tpu.region"() ({
          %run_scoped3A_242 = tpu.sem_alloc : memref<!tpu.dma_semaphore, #tpu.memory_space<semaphore_mem>>
          %dma_start3A = tpu.memref_slice %arg4[%run_scoped3A_230, %multiple_of3A_229] : memref<2x6400000xi32, #tpu.memory_space<hbm>> -> memref<1x512xi32, #tpu.memory_space<hbm>>
          %dma_start3A_243 = tpu.memref_squeeze %dma_start3A : memref<1x512xi32, #tpu.memory_space<hbm>> -> memref<512xi32, #tpu.memory_space<hbm>>
          %dma_start3A_244 = tpu.memref_slice %arg4[%run_scoped3A_230, %multiple_of3A_229] : memref<2x6400000xi32, #tpu.memory_space<hbm>> -> memref<1x512xi32, #tpu.memory_space<hbm>>
          %dma_start3A_245 = tpu.memref_squeeze %dma_start3A_244 : memref<1x512xi32, #tpu.memory_space<hbm>> -> memref<512xi32, #tpu.memory_space<hbm>>
          tpu.enqueue_dma source(%dma_start3A_245 : memref<512xi32, #tpu.memory_space<hbm>>) target(%arg12 : memref<512xi32, #tpu.memory_space<vmem>>) target_semaphore(%run_scoped3A_242 : memref<!tpu.dma_semaphore, #tpu.memory_space<semaphore_mem>>)
          %dma_wait3A_246 = tpu.memref_slice %arg4[%run_scoped3A_230, %multiple_of3A_229] : memref<2x6400000xi32, #tpu.memory_space<hbm>> -> memref<1x512xi32, #tpu.memory_space<hbm>>
          %dma_wait3A_247 = tpu.memref_squeeze %dma_wait3A_246 : memref<1x512xi32, #tpu.memory_space<hbm>> -> memref<512xi32, #tpu.memory_space<hbm>>
          %dma_wait3A_248 = tpu.memref_slice %arg4[%run_scoped3A_230, %multiple_of3A_229] : memref<2x6400000xi32, #tpu.memory_space<hbm>> -> memref<1x512xi32, #tpu.memory_space<hbm>>
          %dma_wait3A_249 = tpu.memref_squeeze %dma_wait3A_248 : memref<1x512xi32, #tpu.memory_space<hbm>> -> memref<512xi32, #tpu.memory_space<hbm>>
          tpu.wait_dma2 semaphore(%run_scoped3A_242 : memref<!tpu.dma_semaphore, #tpu.memory_space<semaphore_mem>>) src(%dma_wait3A_249 : memref<512xi32, #tpu.memory_space<hbm>>) dst(%arg12 : memref<512xi32, #tpu.memory_space<vmem>>)
          tpu.yield
        }) : () -> ()
        %run_scoped3A_231 = arith.constant 1 : i32
        "tpu.region"() ({
          %run_scoped3A_242 = tpu.sem_alloc : memref<!tpu.dma_semaphore, #tpu.memory_space<semaphore_mem>>
          %dma_start3A = tpu.memref_slice %arg4[%run_scoped3A_231, %multiple_of3A_229] : memref<2x6400000xi32, #tpu.memory_space<hbm>> -> memref<1x512xi32, #tpu.memory_space<hbm>>
          %dma_start3A_243 = tpu.memref_squeeze %dma_start3A : memref<1x512xi32, #tpu.memory_space<hbm>> -> memref<512xi32, #tpu.memory_space<hbm>>
          %dma_start3A_244 = tpu.memref_slice %arg4[%run_scoped3A_231, %multiple_of3A_229] : memref<2x6400000xi32, #tpu.memory_space<hbm>> -> memref<1x512xi32, #tpu.memory_space<hbm>>
          %dma_start3A_245 = tpu.memref_squeeze %dma_start3A_244 : memref<1x512xi32, #tpu.memory_space<hbm>> -> memref<512xi32, #tpu.memory_space<hbm>>
          tpu.enqueue_dma source(%dma_start3A_245 : memref<512xi32, #tpu.memory_space<hbm>>) target(%arg13 : memref<512xi32, #tpu.memory_space<vmem>>) target_semaphore(%run_scoped3A_242 : memref<!tpu.dma_semaphore, #tpu.memory_space<semaphore_mem>>)
          %dma_wait3A_246 = tpu.memref_slice %arg4[%run_scoped3A_231, %multiple_of3A_229] : memref<2x6400000xi32, #tpu.memory_space<hbm>> -> memref<1x512xi32, #tpu.memory_space<hbm>>
          %dma_wait3A_247 = tpu.memref_squeeze %dma_wait3A_246 : memref<1x512xi32, #tpu.memory_space<hbm>> -> memref<512xi32, #tpu.memory_space<hbm>>
          %dma_wait3A_248 = tpu.memref_slice %arg4[%run_scoped3A_231, %multiple_of3A_229] : memref<2x6400000xi32, #tpu.memory_space<hbm>> -> memref<1x512xi32, #tpu.memory_space<hbm>>
          %dma_wait3A_249 = tpu.memref_squeeze %dma_wait3A_248 : memref<1x512xi32, #tpu.memory_space<hbm>> -> memref<512xi32, #tpu.memory_space<hbm>>
          tpu.wait_dma2 semaphore(%run_scoped3A_242 : memref<!tpu.dma_semaphore, #tpu.memory_space<semaphore_mem>>) src(%dma_wait3A_249 : memref<512xi32, #tpu.memory_space<hbm>>) dst(%arg13 : memref<512xi32, #tpu.memory_space<vmem>>)
          tpu.yield
        }) : () -> ()
        %scan3A_232 = arith.constant 0 : i32
        %scan3A_233 = arith.constant 32 : i32
        %scan3A_234 = arith.addi %scan3A_232, %scan3A_233 : i32
        %scan3A_235 = arith.constant 1 : i32
        scf.for %scan3A_242 = %scan3A_232 to %scan3A_234 step %scan3A_235  : i32 {
          %mul3A_243 = arith.constant 1 : i32
          %mul3A_244 = arith.muli %scan3A_242, %mul3A_243 : i32
          %add3A_245 = arith.constant 0 : i32
          %add3A_246 = arith.addi %add3A_245, %mul3A_244 : i32
          %mul3A_247 = arith.constant 16 : i32
          %mul3A_248 = arith.muli %add3A_246, %mul3A_247 : i32
          %multiple_of3A_249 = tpu.assume_multiple %mul3A_248, 16 : i32
          %get3A = arith.index_cast %multiple_of3A_249 : i32 to index
          %get3A_250 = tpu.vector_load %arg13[%get3A] {strides = array<i32>} : memref<512xi32, #tpu.memory_space<vmem>>, vector<16xi32>,
          %shift_right_arithmetic3A = arith.constant 1 : i32
          %shift_right_arithmetic3A_251 = vector.broadcast %shift_right_arithmetic3A : i32 to vector<16xi32>
          %shift_right_arithmetic3A_252 = arith.shrsi %get3A_250, %shift_right_arithmetic3A_251 : vector<16xi32>
          %swap3A = arith.index_cast %multiple_of3A_249 : i32 to index
          %swap3A_253 = tpu.vector_load %arg14[%swap3A] {strides = array<i32>} : memref<512xi32, #tpu.memory_space<vmem>>, vector<16xi32>,
          tpu.vector_store %arg14[%swap3A], %shift_right_arithmetic3A_252 {strides = array<i32>} : memref<512xi32, #tpu.memory_space<vmem>>, vector<16xi32>,
        }
        %scan3A_236 = arith.constant 32 : i32
        %scan3A_237 = arith.constant 0 : i32
        %scan3A_238 = arith.constant 4 : i32
        %scan3A_239 = arith.addi %scan3A_237, %scan3A_238 : i32
        %scan3A_240 = arith.constant 1 : i32
        scf.for %scan3A_242 = %scan3A_237 to %scan3A_239 step %scan3A_240  : i32 {
          %mul3A_243 = arith.constant 1 : i32
          %mul3A_244 = arith.muli %scan3A_242, %mul3A_243 : i32
          %add3A_245 = arith.constant 0 : i32
          %add3A_246 = arith.addi %add3A_245, %mul3A_244 : i32
          %mul3A_247 = arith.constant 128 : i32
          %mul3A_248 = arith.muli %add3A_246, %mul3A_247 : i32
          %multiple_of3A_249 = tpu.assume_multiple %mul3A_248, 128 : i32
          %dma_start3A = arith.constant 0 : i32
          %dma_start3A_250 = tpu.memref_slice %arg20[%multiple_of3A_249, %dma_start3A] : memref<512x8xf32, #tpu.memory_space<vmem>> -> memref<128x8xf32, #tpu.memory_space<vmem>>
          %dma_start3A_251 = tpu.memref_slice %arg12[%multiple_of3A_249] : memref<512xi32, #tpu.memory_space<vmem>> -> memref<128xi32, #tpu.memory_space<vmem>>
          %dma_start3A_252 = arith.constant 0 : i32
          %dma_start3A_253 = arith.constant 0 : i32
          %dma_start3A_254 = tpu.memref_slice %arg2[%dma_start3A_252, %dma_start3A_253] : memref<100352x8xf32, #tpu.memory_space<hbm>> -> memref<100352x8xf32, #tpu.memory_space<hbm>>
          tpu.enqueue_indirect_dma source(%dma_start3A_254 : memref<100352x8xf32, #tpu.memory_space<hbm>>) target(%dma_start3A_250 : memref<128x8xf32, #tpu.memory_space<vmem>>) offsets(%dma_start3A_251 : memref<128xi32, #tpu.memory_space<vmem>>) semaphore(%arg30 : memref<!tpu.dma_semaphore, #tpu.memory_space<semaphore_mem>>)
          %dma_start3A_255 = arith.constant 0 : i32
          %dma_start3A_256 = tpu.memref_slice %arg21[%multiple_of3A_249, %dma_start3A_255] : memref<512x8xf32, #tpu.memory_space<vmem>> -> memref<128x8xf32, #tpu.memory_space<vmem>>
          %dma_start3A_257 = tpu.memref_slice %arg14[%multiple_of3A_249] : memref<512xi32, #tpu.memory_space<vmem>> -> memref<128xi32, #tpu.memory_space<vmem>>
          %dma_start3A_258 = arith.constant 0 : i32
          %dma_start3A_259 = arith.constant 0 : i32
          %dma_start3A_260 = tpu.memref_slice %arg28[%dma_start3A_258, %dma_start3A_259] : memref<50176x8xf32, #tpu.memory_space<vmem_shared>> -> memref<50176x8xf32, #tpu.memory_space<vmem_shared>>
          tpu.enqueue_indirect_dma source(%dma_start3A_260 : memref<50176x8xf32, #tpu.memory_space<vmem_shared>>) target(%dma_start3A_256 : memref<128x8xf32, #tpu.memory_space<vmem>>) offsets(%dma_start3A_257 : memref<128xi32, #tpu.memory_space<vmem>>) semaphore(%arg36 : memref<!tpu.dma_semaphore, #tpu.memory_space<semaphore_mem>>)
        }
        %scan3A_241 = arith.constant 4 : i32
      } else {
      }
      %add3A_207 = arith.constant 3 : i32
      %add3A_208 = arith.addi %add3A_116, %add3A_207 : i32
      %add3A_209 = arith.constant 2 : i32
      %add3A_210 = arith.addi %add3A_208, %add3A_209 : i32
      %mul3A_211 = arith.constant 3 : i32
      %mul3A_212 = arith.muli %mul3A_211, %add3A_113 : i32
      %add3A_213 = arith.constant 3 : i32
      %add3A_214 = arith.addi %mul3A_212, %add3A_213 : i32
      %add3A_215 = arith.constant 2 : i32
      %add3A_216 = arith.addi %add3A_214, %add3A_215 : i32
      %lt3A_217 = arith.cmpi slt, %add3A_216, %select_n3A : i32
      %convert_element_type3A_218 = arith.extui %lt3A_217 : i1 to i32
      %cond3A_219 = arith.constant 0 : i32
      %cond3A_220 = arith.cmpi ne, %convert_element_type3A_218, %cond3A_219 : i32
      scf.if %cond3A_220 {
        %dma_wait3A_221 = arith.constant 0 : i32
        %dma_wait3A_222 = arith.constant 0 : i32
        %dma_wait3A_223 = tpu.memref_slice %arg2[%dma_wait3A_221, %dma_wait3A_222] : memref<100352x8xf32, #tpu.memory_space<hbm>> -> memref<512x8xf32, #tpu.memory_space<hbm>>
        %dma_wait3A_224 = arith.constant 0 : i32
        %dma_wait3A_225 = arith.constant 0 : i32
        %dma_wait3A_226 = tpu.memref_slice %arg2[%dma_wait3A_224, %dma_wait3A_225] : memref<100352x8xf32, #tpu.memory_space<hbm>> -> memref<512x8xf32, #tpu.memory_space<hbm>>
        tpu.wait_dma2 semaphore(%arg34 : memref<!tpu.dma_semaphore, #tpu.memory_space<semaphore_mem>>) src(%dma_wait3A_226 : memref<512x8xf32, #tpu.memory_space<hbm>>) dst(%arg26 : memref<512x8xf32, #tpu.memory_space<vmem>>)
        %mul3A_227 = arith.constant 512 : i32
        %mul3A_228 = arith.muli %add3A_210, %mul3A_227 : i32
        %multiple_of3A_229 = tpu.assume_multiple %mul3A_228, 512 : i32
        %run_scoped3A_230 = arith.constant 0 : i32
        "tpu.region"() ({
          %run_scoped3A_242 = tpu.sem_alloc : memref<!tpu.dma_semaphore, #tpu.memory_space<semaphore_mem>>
          %dma_start3A = tpu.memref_slice %arg4[%run_scoped3A_230, %multiple_of3A_229] : memref<2x6400000xi32, #tpu.memory_space<hbm>> -> memref<1x512xi32, #tpu.memory_space<hbm>>
          %dma_start3A_243 = tpu.memref_squeeze %dma_start3A : memref<1x512xi32, #tpu.memory_space<hbm>> -> memref<512xi32, #tpu.memory_space<hbm>>
          %dma_start3A_244 = tpu.memref_slice %arg4[%run_scoped3A_230, %multiple_of3A_229] : memref<2x6400000xi32, #tpu.memory_space<hbm>> -> memref<1x512xi32, #tpu.memory_space<hbm>>
          %dma_start3A_245 = tpu.memref_squeeze %dma_start3A_244 : memref<1x512xi32, #tpu.memory_space<hbm>> -> memref<512xi32, #tpu.memory_space<hbm>>
          tpu.enqueue_dma source(%dma_start3A_245 : memref<512xi32, #tpu.memory_space<hbm>>) target(%arg15 : memref<512xi32, #tpu.memory_space<vmem>>) target_semaphore(%run_scoped3A_242 : memref<!tpu.dma_semaphore, #tpu.memory_space<semaphore_mem>>)
          %dma_wait3A_246 = tpu.memref_slice %arg4[%run_scoped3A_230, %multiple_of3A_229] : memref<2x6400000xi32, #tpu.memory_space<hbm>> -> memref<1x512xi32, #tpu.memory_space<hbm>>
          %dma_wait3A_247 = tpu.memref_squeeze %dma_wait3A_246 : memref<1x512xi32, #tpu.memory_space<hbm>> -> memref<512xi32, #tpu.memory_space<hbm>>
          %dma_wait3A_248 = tpu.memref_slice %arg4[%run_scoped3A_230, %multiple_of3A_229] : memref<2x6400000xi32, #tpu.memory_space<hbm>> -> memref<1x512xi32, #tpu.memory_space<hbm>>
          %dma_wait3A_249 = tpu.memref_squeeze %dma_wait3A_248 : memref<1x512xi32, #tpu.memory_space<hbm>> -> memref<512xi32, #tpu.memory_space<hbm>>
          tpu.wait_dma2 semaphore(%run_scoped3A_242 : memref<!tpu.dma_semaphore, #tpu.memory_space<semaphore_mem>>) src(%dma_wait3A_249 : memref<512xi32, #tpu.memory_space<hbm>>) dst(%arg15 : memref<512xi32, #tpu.memory_space<vmem>>)
          tpu.yield
        }) : () -> ()
        %run_scoped3A_231 = arith.constant 1 : i32
        "tpu.region"() ({
          %run_scoped3A_242 = tpu.sem_alloc : memref<!tpu.dma_semaphore, #tpu.memory_space<semaphore_mem>>
          %dma_start3A = tpu.memref_slice %arg4[%run_scoped3A_231, %multiple_of3A_229] : memref<2x6400000xi32, #tpu.memory_space<hbm>> -> memref<1x512xi32, #tpu.memory_space<hbm>>
          %dma_start3A_243 = tpu.memref_squeeze %dma_start3A : memref<1x512xi32, #tpu.memory_space<hbm>> -> memref<512xi32, #tpu.memory_space<hbm>>
          %dma_start3A_244 = tpu.memref_slice %arg4[%run_scoped3A_231, %multiple_of3A_229] : memref<2x6400000xi32, #tpu.memory_space<hbm>> -> memref<1x512xi32, #tpu.memory_space<hbm>>
          %dma_start3A_245 = tpu.memref_squeeze %dma_start3A_244 : memref<1x512xi32, #tpu.memory_space<hbm>> -> memref<512xi32, #tpu.memory_space<hbm>>
          tpu.enqueue_dma source(%dma_start3A_245 : memref<512xi32, #tpu.memory_space<hbm>>) target(%arg16 : memref<512xi32, #tpu.memory_space<vmem>>) target_semaphore(%run_scoped3A_242 : memref<!tpu.dma_semaphore, #tpu.memory_space<semaphore_mem>>)
          %dma_wait3A_246 = tpu.memref_slice %arg4[%run_scoped3A_231, %multiple_of3A_229] : memref<2x6400000xi32, #tpu.memory_space<hbm>> -> memref<1x512xi32, #tpu.memory_space<hbm>>
          %dma_wait3A_247 = tpu.memref_squeeze %dma_wait3A_246 : memref<1x512xi32, #tpu.memory_space<hbm>> -> memref<512xi32, #tpu.memory_space<hbm>>
          %dma_wait3A_248 = tpu.memref_slice %arg4[%run_scoped3A_231, %multiple_of3A_229] : memref<2x6400000xi32, #tpu.memory_space<hbm>> -> memref<1x512xi32, #tpu.memory_space<hbm>>
          %dma_wait3A_249 = tpu.memref_squeeze %dma_wait3A_248 : memref<1x512xi32, #tpu.memory_space<hbm>> -> memref<512xi32, #tpu.memory_space<hbm>>
          tpu.wait_dma2 semaphore(%run_scoped3A_242 : memref<!tpu.dma_semaphore, #tpu.memory_space<semaphore_mem>>) src(%dma_wait3A_249 : memref<512xi32, #tpu.memory_space<hbm>>) dst(%arg16 : memref<512xi32, #tpu.memory_space<vmem>>)
          tpu.yield
        }) : () -> ()
        %scan3A_232 = arith.constant 0 : i32
        %scan3A_233 = arith.constant 32 : i32
        %scan3A_234 = arith.addi %scan3A_232, %scan3A_233 : i32
        %scan3A_235 = arith.constant 1 : i32
        scf.for %scan3A_242 = %scan3A_232 to %scan3A_234 step %scan3A_235  : i32 {
          %mul3A_243 = arith.constant 1 : i32
          %mul3A_244 = arith.muli %scan3A_242, %mul3A_243 : i32
          %add3A_245 = arith.constant 0 : i32
          %add3A_246 = arith.addi %add3A_245, %mul3A_244 : i32
          %mul3A_247 = arith.constant 16 : i32
          %mul3A_248 = arith.muli %add3A_246, %mul3A_247 : i32
          %multiple_of3A_249 = tpu.assume_multiple %mul3A_248, 16 : i32
          %get3A = arith.index_cast %multiple_of3A_249 : i32 to index
          %get3A_250 = tpu.vector_load %arg16[%get3A] {strides = array<i32>} : memref<512xi32, #tpu.memory_space<vmem>>, vector<16xi32>,
          %shift_right_arithmetic3A = arith.constant 1 : i32
          %shift_right_arithmetic3A_251 = vector.broadcast %shift_right_arithmetic3A : i32 to vector<16xi32>
          %shift_right_arithmetic3A_252 = arith.shrsi %get3A_250, %shift_right_arithmetic3A_251 : vector<16xi32>
          %swap3A = arith.index_cast %multiple_of3A_249 : i32 to index
          %swap3A_253 = tpu.vector_load %arg17[%swap3A] {strides = array<i32>} : memref<512xi32, #tpu.memory_space<vmem>>, vector<16xi32>,
          tpu.vector_store %arg17[%swap3A], %shift_right_arithmetic3A_252 {strides = array<i32>} : memref<512xi32, #tpu.memory_space<vmem>>, vector<16xi32>,
        }
        %scan3A_236 = arith.constant 32 : i32
        %scan3A_237 = arith.constant 0 : i32
        %scan3A_238 = arith.constant 4 : i32
        %scan3A_239 = arith.addi %scan3A_237, %scan3A_238 : i32
        %scan3A_240 = arith.constant 1 : i32
        scf.for %scan3A_242 = %scan3A_237 to %scan3A_239 step %scan3A_240  : i32 {
          %mul3A_243 = arith.constant 1 : i32
          %mul3A_244 = arith.muli %scan3A_242, %mul3A_243 : i32
          %add3A_245 = arith.constant 0 : i32
          %add3A_246 = arith.addi %add3A_245, %mul3A_244 : i32
          %mul3A_247 = arith.constant 128 : i32
          %mul3A_248 = arith.muli %add3A_246, %mul3A_247 : i32
          %multiple_of3A_249 = tpu.assume_multiple %mul3A_248, 128 : i32
          %dma_start3A = arith.constant 0 : i32
          %dma_start3A_250 = tpu.memref_slice %arg22[%multiple_of3A_249, %dma_start3A] : memref<512x8xf32, #tpu.memory_space<vmem>> -> memref<128x8xf32, #tpu.memory_space<vmem>>
          %dma_start3A_251 = tpu.memref_slice %arg15[%multiple_of3A_249] : memref<512xi32, #tpu.memory_space<vmem>> -> memref<128xi32, #tpu.memory_space<vmem>>
          %dma_start3A_252 = arith.constant 0 : i32
          %dma_start3A_253 = arith.constant 0 : i32
          %dma_start3A_254 = tpu.memref_slice %arg2[%dma_start3A_252, %dma_start3A_253] : memref<100352x8xf32, #tpu.memory_space<hbm>> -> memref<100352x8xf32, #tpu.memory_space<hbm>>
          tpu.enqueue_indirect_dma source(%dma_start3A_254 : memref<100352x8xf32, #tpu.memory_space<hbm>>) target(%dma_start3A_250 : memref<128x8xf32, #tpu.memory_space<vmem>>) offsets(%dma_start3A_251 : memref<128xi32, #tpu.memory_space<vmem>>) semaphore(%arg31 : memref<!tpu.dma_semaphore, #tpu.memory_space<semaphore_mem>>)
          %dma_start3A_255 = arith.constant 0 : i32
          %dma_start3A_256 = tpu.memref_slice %arg23[%multiple_of3A_249, %dma_start3A_255] : memref<512x8xf32, #tpu.memory_space<vmem>> -> memref<128x8xf32, #tpu.memory_space<vmem>>
          %dma_start3A_257 = tpu.memref_slice %arg17[%multiple_of3A_249] : memref<512xi32, #tpu.memory_space<vmem>> -> memref<128xi32, #tpu.memory_space<vmem>>
          %dma_start3A_258 = arith.constant 0 : i32
          %dma_start3A_259 = arith.constant 0 : i32
          %dma_start3A_260 = tpu.memref_slice %arg28[%dma_start3A_258, %dma_start3A_259] : memref<50176x8xf32, #tpu.memory_space<vmem_shared>> -> memref<50176x8xf32, #tpu.memory_space<vmem_shared>>
          tpu.enqueue_indirect_dma source(%dma_start3A_260 : memref<50176x8xf32, #tpu.memory_space<vmem_shared>>) target(%dma_start3A_256 : memref<128x8xf32, #tpu.memory_space<vmem>>) offsets(%dma_start3A_257 : memref<128xi32, #tpu.memory_space<vmem>>) semaphore(%arg37 : memref<!tpu.dma_semaphore, #tpu.memory_space<semaphore_mem>>)
        }
        %scan3A_241 = arith.constant 4 : i32
      } else {
      }
    }
    %scan3A_65 = arith.constant 130 : i32
    %jit3A_66 = arith.constant 3 : i32
    %eq3A = arith.constant 0 : i32
    %eq3A_67 = arith.cmpi eq, %jit3A_66, %eq3A : i32
    %jit3A_68 = arith.constant 1 : i32
    %select_n3A_69 = arith.select %eq3A_67, %jit3A_68, %jit3A_66 : i32
    %rem3A = arith.remsi %select_n3A, %select_n3A_69 : i32
    %ne3A = arith.constant 0 : i32
    %ne3A_70 = arith.cmpi ne, %rem3A, %ne3A : i32
    %lt3A_71 = arith.constant 0 : i32
    %lt3A_72 = arith.cmpi slt, %rem3A, %lt3A_71 : i32
    %lt3A_73 = arith.constant 0 : i32
    %lt3A_74 = arith.cmpi slt, %select_n3A_69, %lt3A_73 : i32
    %ne3A_75 = arith.xori %lt3A_72, %lt3A_74 : i1
    %and3A = arith.andi %ne3A_75, %ne3A_70 : i1
    %add3A_76 = arith.addi %rem3A, %select_n3A_69 : i32
    %select_n3A_77 = arith.select %and3A, %add3A_76, %rem3A : i32
    %eq3A_78 = arith.constant 1 : i32
    %eq3A_79 = arith.cmpi eq, %select_n3A_77, %eq3A_78 : i32
    %convert_element_type3A = arith.extui %eq3A_79 : i1 to i32
    %cond3A = arith.constant 0 : i32
    %cond3A_80 = arith.cmpi ne, %convert_element_type3A, %cond3A : i32
    scf.if %cond3A_80 {
      %dma_wait3A_109 = arith.constant 0 : i32
      %dma_wait3A_110 = arith.constant 0 : i32
      %dma_wait3A_111 = tpu.memref_slice %arg2[%dma_wait3A_109, %dma_wait3A_110] : memref<100352x8xf32, #tpu.memory_space<hbm>> -> memref<512x8xf32, #tpu.memory_space<hbm>>
      %dma_wait3A_112 = arith.constant 0 : i32
      %dma_wait3A_113 = arith.constant 0 : i32
      %dma_wait3A_114 = tpu.memref_slice %arg2[%dma_wait3A_112, %dma_wait3A_113] : memref<100352x8xf32, #tpu.memory_space<hbm>> -> memref<512x8xf32, #tpu.memory_space<hbm>>
      tpu.wait_dma2 semaphore(%arg29 : memref<!tpu.dma_semaphore, #tpu.memory_space<semaphore_mem>>) src(%dma_wait3A_114 : memref<512x8xf32, #tpu.memory_space<hbm>>) dst(%arg18 : memref<512x8xf32, #tpu.memory_space<vmem>>)
      %dma_wait3A_115 = arith.constant 0 : i32
      %dma_wait3A_116 = arith.constant 0 : i32
      %dma_wait3A_117 = tpu.memref_slice %arg2[%dma_wait3A_115, %dma_wait3A_116] : memref<100352x8xf32, #tpu.memory_space<hbm>> -> memref<512x8xf32, #tpu.memory_space<hbm>>
      %dma_wait3A_118 = arith.constant 0 : i32
      %dma_wait3A_119 = arith.constant 0 : i32
      %dma_wait3A_120 = tpu.memref_slice %arg2[%dma_wait3A_118, %dma_wait3A_119] : memref<100352x8xf32, #tpu.memory_space<hbm>> -> memref<512x8xf32, #tpu.memory_space<hbm>>
      tpu.wait_dma2 semaphore(%arg35 : memref<!tpu.dma_semaphore, #tpu.memory_space<semaphore_mem>>) src(%dma_wait3A_120 : memref<512x8xf32, #tpu.memory_space<hbm>>) dst(%arg19 : memref<512x8xf32, #tpu.memory_space<vmem>>)
      %scan3A_121 = arith.constant 0 : i32
      %scan3A_122 = arith.constant 32 : i32
      %scan3A_123 = arith.addi %scan3A_121, %scan3A_122 : i32
      %scan3A_124 = arith.constant 1 : i32
      scf.for %scan3A_131 = %scan3A_121 to %scan3A_123 step %scan3A_124  : i32 {
        %mul3A_132 = arith.constant 1 : i32
        %mul3A_133 = arith.muli %scan3A_131, %mul3A_132 : i32
        %add3A_134 = arith.constant 0 : i32
        %add3A_135 = arith.addi %add3A_134, %mul3A_133 : i32
        %mul3A_136 = arith.constant 16 : i32
        %mul3A_137 = arith.muli %add3A_135, %mul3A_136 : i32
        %add3A_138 = vector.broadcast %mul3A_137 : i32 to vector<16xi32>
        %add3A_139 = arith.addi %add3A_138, %iota3A : vector<16xi32>
        %mul3A_140 = arith.constant 16 : i32
        %mul3A_141 = arith.muli %add3A_135, %mul3A_140 : i32
        %multiple_of3A_142 = tpu.assume_multiple %mul3A_141, 16 : i32
        %get3A = arith.index_cast %multiple_of3A_142 : i32 to index
        %get3A_143 = tpu.vector_load %arg10[%get3A] {strides = array<i32>} : memref<512xi32, #tpu.memory_space<vmem>>, vector<16xi32>,
        %and3A_144 = arith.constant 1 : i32
        %and3A_145 = vector.broadcast %and3A_144 : i32 to vector<16xi32>
        %and3A_146 = arith.andi %get3A_143, %and3A_145 : vector<16xi32>
        %mul3A_147 = arith.constant 4 : i32
        %mul3A_148 = vector.broadcast %mul3A_147 : i32 to vector<16xi32>
        %mul3A_149 = arith.muli %and3A_146, %mul3A_148 : vector<16xi32>
        %broadcast_in_dim3A = arith.constant 0 : i32
        %broadcast_in_dim3A_150 = vector.broadcast %broadcast_in_dim3A : i32 to vector<16xi32>
        %gather3A = tpu.vector_load_idx %arg18[%add3A_139, %broadcast_in_dim3A_150] : memref<512x8xf32, #tpu.memory_space<vmem>>[vector<16xi32>, vector<16xi32>], vector<16xf32>,
        %broadcast_in_dim3A_151 = arith.constant 1 : i32
        %broadcast_in_dim3A_152 = vector.broadcast %broadcast_in_dim3A_151 : i32 to vector<16xi32>
        %gather3A_153 = tpu.vector_load_idx %arg18[%add3A_139, %broadcast_in_dim3A_152] : memref<512x8xf32, #tpu.memory_space<vmem>>[vector<16xi32>, vector<16xi32>], vector<16xf32>,
        %broadcast_in_dim3A_154 = arith.constant 2 : i32
        %broadcast_in_dim3A_155 = vector.broadcast %broadcast_in_dim3A_154 : i32 to vector<16xi32>
        %gather3A_156 = tpu.vector_load_idx %arg18[%add3A_139, %broadcast_in_dim3A_155] : memref<512x8xf32, #tpu.memory_space<vmem>>[vector<16xi32>, vector<16xi32>], vector<16xf32>,
        %broadcast_in_dim3A_157 = arith.constant 3 : i32
        %broadcast_in_dim3A_158 = vector.broadcast %broadcast_in_dim3A_157 : i32 to vector<16xi32>
        %gather3A_159 = tpu.vector_load_idx %arg18[%add3A_139, %broadcast_in_dim3A_158] : memref<512x8xf32, #tpu.memory_space<vmem>>[vector<16xi32>, vector<16xi32>], vector<16xf32>,
        %gather3A_160 = tpu.vector_load_idx %arg19[%add3A_139, %mul3A_149] : memref<512x8xf32, #tpu.memory_space<vmem>>[vector<16xi32>, vector<16xi32>], vector<16xf32>,
        %add3A_161 = arith.constant 1 : i32
        %add3A_162 = vector.broadcast %add3A_161 : i32 to vector<16xi32>
        %add3A_163 = arith.addi %mul3A_149, %add3A_162 : vector<16xi32>
        %gather3A_164 = tpu.vector_load_idx %arg19[%add3A_139, %add3A_163] : memref<512x8xf32, #tpu.memory_space<vmem>>[vector<16xi32>, vector<16xi32>], vector<16xf32>,
        %add3A_165 = arith.constant 2 : i32
        %add3A_166 = vector.broadcast %add3A_165 : i32 to vector<16xi32>
        %add3A_167 = arith.addi %mul3A_149, %add3A_166 : vector<16xi32>
        %gather3A_168 = tpu.vector_load_idx %arg19[%add3A_139, %add3A_167] : memref<512x8xf32, #tpu.memory_space<vmem>>[vector<16xi32>, vector<16xi32>], vector<16xf32>,
        %add3A_169 = arith.constant 3 : i32
        %add3A_170 = vector.broadcast %add3A_169 : i32 to vector<16xi32>
        %add3A_171 = arith.addi %mul3A_149, %add3A_170 : vector<16xi32>
        %gather3A_172 = tpu.vector_load_idx %arg19[%add3A_139, %add3A_171] : memref<512x8xf32, #tpu.memory_space<vmem>>[vector<16xi32>, vector<16xi32>], vector<16xf32>,
        %sub3A = arith.subf %gather3A, %gather3A_160 : vector<16xf32>
        %sub3A_173 = arith.subf %gather3A_153, %gather3A_164 : vector<16xf32>
        %sub3A_174 = arith.subf %gather3A_156, %gather3A_168 : vector<16xf32>
        %sub3A_175 = arith.subf %gather3A_159, %gather3A_172 : vector<16xf32>
        %mul3A_176 = arith.mulf %sub3A, %sub3A : vector<16xf32>
        %mul3A_177 = arith.mulf %sub3A_173, %sub3A_173 : vector<16xf32>
        %add3A_178 = arith.addf %mul3A_176, %mul3A_177 : vector<16xf32>
        %div3A = arith.constant 1.000000e+00 : f32
        %div3A_179 = vector.broadcast %div3A : f32 to vector<16xf32>
        %div3A_180 = arith.divf %div3A_179, %add3A_178 : vector<16xf32>
        %eq3A_181 = arith.constant 0.000000e+00 : f32
        %eq3A_182 = vector.broadcast %eq3A_181 : f32 to vector<16xf32>
        %eq3A_183 = arith.cmpf oeq, %add3A_178, %eq3A_182 : vector<16xf32>
        %mul3A_184 = arith.constant -5.000000e+00 : f32
        %mul3A_185 = vector.broadcast %mul3A_184 : f32 to vector<16xf32>
        %mul3A_186 = arith.mulf %sub3A, %mul3A_185 : vector<16xf32>
        %mul3A_187 = arith.mulf %mul3A_186, %div3A_180 : vector<16xf32>
        %jit3A_188 = arith.constant 0.000000e+00 : f32
        %broadcast_in_dim3A_189 = vector.broadcast %jit3A_188 : f32 to vector<16xf32>
        %select_n3A_190 = arith.select %eq3A_183, %broadcast_in_dim3A_189, %mul3A_187 : vector<16xi1>, vector<16xf32>
        %mul3A_191 = arith.constant -5.000000e+00 : f32
        %mul3A_192 = vector.broadcast %mul3A_191 : f32 to vector<16xf32>
        %mul3A_193 = arith.mulf %sub3A_173, %mul3A_192 : vector<16xf32>
        %mul3A_194 = arith.mulf %mul3A_193, %div3A_180 : vector<16xf32>
        %jit3A_195 = arith.constant 0.000000e+00 : f32
        %broadcast_in_dim3A_196 = vector.broadcast %jit3A_195 : f32 to vector<16xf32>
        %select_n3A_197 = arith.select %eq3A_183, %broadcast_in_dim3A_196, %mul3A_194 : vector<16xi1>, vector<16xf32>
        %mul3A_198 = arith.constant 5.000000e-02 : f32
        %mul3A_199 = vector.broadcast %mul3A_198 : f32 to vector<16xf32>
        %mul3A_200 = arith.mulf %sub3A, %mul3A_199 : vector<16xf32>
        %add3A_201 = arith.addf %mul3A_200, %sub3A_174 : vector<16xf32>
        %mul3A_202 = arith.constant 5.000000e-02 : f32
        %mul3A_203 = vector.broadcast %mul3A_202 : f32 to vector<16xf32>
        %mul3A_204 = arith.mulf %sub3A_173, %mul3A_203 : vector<16xf32>
        %add3A_205 = arith.addf %mul3A_204, %sub3A_175 : vector<16xf32>
        %broadcast_in_dim3A_206 = arith.constant 0 : i32
        %broadcast_in_dim3A_207 = vector.broadcast %broadcast_in_dim3A_206 : i32 to vector<16xi32>
        tpu.vector_store_idx %arg24[%add3A_139, %broadcast_in_dim3A_207], %add3A_201 : memref<512x8xf32, #tpu.memory_space<vmem>>[vector<16xi32>, vector<16xi32>], vector<16xf32>,
        %broadcast_in_dim3A_208 = arith.constant 1 : i32
        %broadcast_in_dim3A_209 = vector.broadcast %broadcast_in_dim3A_208 : i32 to vector<16xi32>
        tpu.vector_store_idx %arg24[%add3A_139, %broadcast_in_dim3A_209], %add3A_205 : memref<512x8xf32, #tpu.memory_space<vmem>>[vector<16xi32>, vector<16xi32>], vector<16xf32>,
        %broadcast_in_dim3A_210 = arith.constant 2 : i32
        %broadcast_in_dim3A_211 = vector.broadcast %broadcast_in_dim3A_210 : i32 to vector<16xi32>
        tpu.vector_store_idx %arg24[%add3A_139, %broadcast_in_dim3A_211], %select_n3A_190 : memref<512x8xf32, #tpu.memory_space<vmem>>[vector<16xi32>, vector<16xi32>], vector<16xf32>,
        %broadcast_in_dim3A_212 = arith.constant 3 : i32
        %broadcast_in_dim3A_213 = vector.broadcast %broadcast_in_dim3A_212 : i32 to vector<16xi32>
        tpu.vector_store_idx %arg24[%add3A_139, %broadcast_in_dim3A_213], %select_n3A_197 : memref<512x8xf32, #tpu.memory_space<vmem>>[vector<16xi32>, vector<16xi32>], vector<16xf32>,
      }
      %scan3A_125 = arith.constant 32 : i32
      %scan3A_126 = arith.constant 0 : i32
      %scan3A_127 = arith.constant 4 : i32
      %scan3A_128 = arith.addi %scan3A_126, %scan3A_127 : i32
      %scan3A_129 = arith.constant 1 : i32
      scf.for %scan3A_131 = %scan3A_126 to %scan3A_128 step %scan3A_129  : i32 {
        %mul3A_132 = arith.constant 1 : i32
        %mul3A_133 = arith.muli %scan3A_131, %mul3A_132 : i32
        %add3A_134 = arith.constant 0 : i32
        %add3A_135 = arith.addi %add3A_134, %mul3A_133 : i32
        %mul3A_136 = arith.constant 128 : i32
        %mul3A_137 = arith.muli %add3A_135, %mul3A_136 : i32
        %multiple_of3A_138 = tpu.assume_multiple %mul3A_137, 128 : i32
        %dma_start3A = arith.constant 0 : i32
        %dma_start3A_139 = tpu.memref_slice %arg24[%multiple_of3A_138, %dma_start3A] : memref<512x8xf32, #tpu.memory_space<vmem>> -> memref<128x8xf32, #tpu.memory_space<vmem>>
        %dma_start3A_140 = tpu.memref_slice %arg10[%multiple_of3A_138] : memref<512xi32, #tpu.memory_space<vmem>> -> memref<128xi32, #tpu.memory_space<vmem>>
        %dma_start3A_141 = arith.constant 0 : i32
        %dma_start3A_142 = arith.constant 0 : i32
        %dma_start3A_143 = tpu.memref_slice %arg27[%dma_start3A_141, %dma_start3A_142] : memref<100352x8xf32, #tpu.memory_space<vmem_shared>> -> memref<100352x8xf32, #tpu.memory_space<vmem_shared>>
        tpu.enqueue_indirect_dma source(%dma_start3A_139 : memref<128x8xf32, #tpu.memory_space<vmem>>) target(%dma_start3A_143 : memref<100352x8xf32, #tpu.memory_space<vmem_shared>>) offsets(%dma_start3A_140 : memref<128xi32, #tpu.memory_space<vmem>>) semaphore(%arg32 : memref<!tpu.dma_semaphore, #tpu.memory_space<semaphore_mem>>) {add = true}
      }
      %scan3A_130 = arith.constant 4 : i32
    } else {
    }
    %dma_wait3A = arith.constant 0 : i32
    %dma_wait3A_81 = arith.constant 0 : i32
    %dma_wait3A_82 = tpu.memref_slice %arg2[%dma_wait3A, %dma_wait3A_81] : memref<100352x8xf32, #tpu.memory_space<hbm>> -> memref<512x8xf32, #tpu.memory_space<hbm>>
    %dma_wait3A_83 = arith.constant 0 : i32
    %dma_wait3A_84 = arith.constant 0 : i32
    %dma_wait3A_85 = tpu.memref_slice %arg2[%dma_wait3A_83, %dma_wait3A_84] : memref<100352x8xf32, #tpu.memory_space<hbm>> -> memref<512x8xf32, #tpu.memory_space<hbm>>
    tpu.wait_dma2 semaphore(%arg32 : memref<!tpu.dma_semaphore, #tpu.memory_space<semaphore_mem>>) src(%dma_wait3A_85 : memref<512x8xf32, #tpu.memory_space<hbm>>) dst(%arg24 : memref<512x8xf32, #tpu.memory_space<vmem>>)
    %dma_wait3A_86 = arith.constant 0 : i32
    %dma_wait3A_87 = arith.constant 0 : i32
    %dma_wait3A_88 = tpu.memref_slice %arg2[%dma_wait3A_86, %dma_wait3A_87] : memref<100352x8xf32, #tpu.memory_space<hbm>> -> memref<512x8xf32, #tpu.memory_space<hbm>>
    %dma_wait3A_89 = arith.constant 0 : i32
    %dma_wait3A_90 = arith.constant 0 : i32
    %dma_wait3A_91 = tpu.memref_slice %arg2[%dma_wait3A_89, %dma_wait3A_90] : memref<100352x8xf32, #tpu.memory_space<hbm>> -> memref<512x8xf32, #tpu.memory_space<hbm>>
    tpu.wait_dma2 semaphore(%arg33 : memref<!tpu.dma_semaphore, #tpu.memory_space<semaphore_mem>>) src(%dma_wait3A_91 : memref<512x8xf32, #tpu.memory_space<hbm>>) dst(%arg25 : memref<512x8xf32, #tpu.memory_space<vmem>>)
    %dma_wait3A_92 = arith.constant 0 : i32
    %dma_wait3A_93 = arith.constant 0 : i32
    %dma_wait3A_94 = tpu.memref_slice %arg2[%dma_wait3A_92, %dma_wait3A_93] : memref<100352x8xf32, #tpu.memory_space<hbm>> -> memref<512x8xf32, #tpu.memory_space<hbm>>
    %dma_wait3A_95 = arith.constant 0 : i32
    %dma_wait3A_96 = arith.constant 0 : i32
    %dma_wait3A_97 = tpu.memref_slice %arg2[%dma_wait3A_95, %dma_wait3A_96] : memref<100352x8xf32, #tpu.memory_space<hbm>> -> memref<512x8xf32, #tpu.memory_space<hbm>>
    tpu.wait_dma2 semaphore(%arg34 : memref<!tpu.dma_semaphore, #tpu.memory_space<semaphore_mem>>) src(%dma_wait3A_97 : memref<512x8xf32, #tpu.memory_space<hbm>>) dst(%arg26 : memref<512x8xf32, #tpu.memory_space<vmem>>)
    %barrier3A_98 = arith.constant 0 : index
    tpu.barrier barrier_id(%barrier3A_98)
    %eq3A_99 = arith.constant 0 : i32
    %eq3A_100 = arith.cmpi eq, %arg0, %eq3A_99 : i32
    %convert_element_type3A_101 = arith.extui %eq3A_100 : i1 to i32
    %cond3A_102 = arith.constant 0 : i32
    %cond3A_103 = arith.cmpi ne, %convert_element_type3A_101, %cond3A_102 : i32
    scf.if %cond3A_103 {
      %mul3A_109 = arith.constant 6272 : i32
      %mul3A_110 = arith.muli %arg1, %mul3A_109 : i32
      %mul3A_111 = arith.constant 6272 : i32
      %mul3A_112 = arith.muli %arg1, %mul3A_111 : i32
      "tpu.region"() ({
        %run_scoped3A_113 = tpu.sem_alloc : memref<!tpu.dma_semaphore, #tpu.memory_space<semaphore_mem>>
        %dma_start3A = arith.constant 0 : i32
        %dma_start3A_114 = tpu.memref_slice %arg7[%mul3A_112, %dma_start3A] : memref<100352x8xf32, #tpu.memory_space<hbm>> -> memref<6272x8xf32, #tpu.memory_space<hbm>>
        %dma_start3A_115 = arith.constant 0 : i32
        %dma_start3A_116 = tpu.memref_slice %arg27[%mul3A_110, %dma_start3A_115] : memref<100352x8xf32, #tpu.memory_space<vmem_shared>> -> memref<6272x8xf32, #tpu.memory_space<vmem_shared>>
        tpu.enqueue_dma source(%dma_start3A_116 : memref<6272x8xf32, #tpu.memory_space<vmem_shared>>) target(%dma_start3A_114 : memref<6272x8xf32, #tpu.memory_space<hbm>>) target_semaphore(%run_scoped3A_113 : memref<!tpu.dma_semaphore, #tpu.memory_space<semaphore_mem>>)
        %dma_wait3A_117 = arith.constant 0 : i32
        %dma_wait3A_118 = tpu.memref_slice %arg7[%mul3A_112, %dma_wait3A_117] : memref<100352x8xf32, #tpu.memory_space<hbm>> -> memref<6272x8xf32, #tpu.memory_space<hbm>>
        %dma_wait3A_119 = arith.constant 0 : i32
        %dma_wait3A_120 = tpu.memref_slice %arg27[%mul3A_110, %dma_wait3A_119] : memref<100352x8xf32, #tpu.memory_space<vmem_shared>> -> memref<6272x8xf32, #tpu.memory_space<vmem_shared>>
        tpu.wait_dma2 semaphore(%run_scoped3A_113 : memref<!tpu.dma_semaphore, #tpu.memory_space<semaphore_mem>>) src(%dma_wait3A_120 : memref<6272x8xf32, #tpu.memory_space<vmem_shared>>) dst(%dma_wait3A_118 : memref<6272x8xf32, #tpu.memory_space<hbm>>)
        tpu.yield
      }) : () -> ()
    } else {
    }
    %eq3A_104 = arith.constant 1 : i32
    %eq3A_105 = arith.cmpi eq, %arg0, %eq3A_104 : i32
    %convert_element_type3A_106 = arith.extui %eq3A_105 : i1 to i32
    %cond3A_107 = arith.constant 0 : i32
    %cond3A_108 = arith.cmpi ne, %convert_element_type3A_106, %cond3A_107 : i32
    scf.if %cond3A_108 {
      %mul3A_109 = arith.constant 6272 : i32
      %mul3A_110 = arith.muli %arg1, %mul3A_109 : i32
      %mul3A_111 = arith.constant 6272 : i32
      %mul3A_112 = arith.muli %arg1, %mul3A_111 : i32
      "tpu.region"() ({
        %run_scoped3A_113 = tpu.sem_alloc : memref<!tpu.dma_semaphore, #tpu.memory_space<semaphore_mem>>
        %dma_start3A = arith.constant 0 : i32
        %dma_start3A_114 = tpu.memref_slice %arg8[%mul3A_112, %dma_start3A] : memref<100352x8xf32, #tpu.memory_space<hbm>> -> memref<6272x8xf32, #tpu.memory_space<hbm>>
        %dma_start3A_115 = arith.constant 0 : i32
        %dma_start3A_116 = tpu.memref_slice %arg27[%mul3A_110, %dma_start3A_115] : memref<100352x8xf32, #tpu.memory_space<vmem_shared>> -> memref<6272x8xf32, #tpu.memory_space<vmem_shared>>
        tpu.enqueue_dma source(%dma_start3A_116 : memref<6272x8xf32, #tpu.memory_space<vmem_shared>>) target(%dma_start3A_114 : memref<6272x8xf32, #tpu.memory_space<hbm>>) target_semaphore(%run_scoped3A_113 : memref<!tpu.dma_semaphore, #tpu.memory_space<semaphore_mem>>)
        %dma_wait3A_117 = arith.constant 0 : i32
        %dma_wait3A_118 = tpu.memref_slice %arg8[%mul3A_112, %dma_wait3A_117] : memref<100352x8xf32, #tpu.memory_space<hbm>> -> memref<6272x8xf32, #tpu.memory_space<hbm>>
        %dma_wait3A_119 = arith.constant 0 : i32
        %dma_wait3A_120 = tpu.memref_slice %arg27[%mul3A_110, %dma_wait3A_119] : memref<100352x8xf32, #tpu.memory_space<vmem_shared>> -> memref<6272x8xf32, #tpu.memory_space<vmem_shared>>
        tpu.wait_dma2 semaphore(%run_scoped3A_113 : memref<!tpu.dma_semaphore, #tpu.memory_space<semaphore_mem>>) src(%dma_wait3A_120 : memref<6272x8xf32, #tpu.memory_space<vmem_shared>>) dst(%dma_wait3A_118 : memref<6272x8xf32, #tpu.memory_space<hbm>>)
        tpu.yield
      }) : () -> ()
    } else {
    }
    return
  }
}

#map = affine_map<(d0, d1) -> (0, 0)>
module attributes {stable_mosaic.version = 14 : i64} {
  func.func @_final_kernel(%arg0: i32, %arg1: i32, %arg2: memref<100352x8xf32, #tpu.memory_space<hbm>>, %arg3: memref<100352x8xf32, #tpu.memory_space<hbm>>, %arg4: memref<100000x2xf32, #tpu.memory_space<hbm>>, %arg5: memref<3136x8xf32, #tpu.memory_space<vmem>>, %arg6: memref<3136x8xf32, #tpu.memory_space<vmem>>, %arg7: memref<3136x2xf32, #tpu.memory_space<vmem>>) attributes {dimension_semantics = [#tpu.dimension_semantics<core_parallel>, #tpu.dimension_semantics<subcore_parallel>], iteration_bounds = array<i64: 2, 16>, scalar_prefetch = 0 : i64, scratch_operands = 3 : i64, tpu.core_type = #tpu.core_type<sc_vector_subcore>, window_params = [{transform_indices = #map}, {transform_indices = #map}, {transform_indices = #map}]} {
    %mul3A = arith.constant 16 : i32
    %mul3A_0 = arith.muli %arg0, %mul3A : i32
    %add3A = arith.addi %mul3A_0, %arg1 : i32
    %mul3A_1 = arith.constant 3136 : i32
    %mul3A_2 = arith.muli %add3A, %mul3A_1 : i32
    "tpu.region"() ({
      %run_scoped3A = tpu.sem_alloc : memref<!tpu.dma_semaphore, #tpu.memory_space<semaphore_mem>>
      %dma_start3A = arith.constant 0 : i32
      %dma_start3A_13 = tpu.memref_slice %arg2[%mul3A_2, %dma_start3A] : memref<100352x8xf32, #tpu.memory_space<hbm>> -> memref<3136x8xf32, #tpu.memory_space<hbm>>
      %dma_start3A_14 = arith.constant 0 : i32
      %dma_start3A_15 = tpu.memref_slice %arg2[%mul3A_2, %dma_start3A_14] : memref<100352x8xf32, #tpu.memory_space<hbm>> -> memref<3136x8xf32, #tpu.memory_space<hbm>>
      tpu.enqueue_dma source(%dma_start3A_15 : memref<3136x8xf32, #tpu.memory_space<hbm>>) target(%arg5 : memref<3136x8xf32, #tpu.memory_space<vmem>>) target_semaphore(%run_scoped3A : memref<!tpu.dma_semaphore, #tpu.memory_space<semaphore_mem>>)
      %dma_wait3A = arith.constant 0 : i32
      %dma_wait3A_16 = tpu.memref_slice %arg2[%mul3A_2, %dma_wait3A] : memref<100352x8xf32, #tpu.memory_space<hbm>> -> memref<3136x8xf32, #tpu.memory_space<hbm>>
      %dma_wait3A_17 = arith.constant 0 : i32
      %dma_wait3A_18 = tpu.memref_slice %arg2[%mul3A_2, %dma_wait3A_17] : memref<100352x8xf32, #tpu.memory_space<hbm>> -> memref<3136x8xf32, #tpu.memory_space<hbm>>
      tpu.wait_dma2 semaphore(%run_scoped3A : memref<!tpu.dma_semaphore, #tpu.memory_space<semaphore_mem>>) src(%dma_wait3A_18 : memref<3136x8xf32, #tpu.memory_space<hbm>>) dst(%arg5 : memref<3136x8xf32, #tpu.memory_space<vmem>>)
      tpu.yield
    }) : () -> ()
    "tpu.region"() ({
      %run_scoped3A = tpu.sem_alloc : memref<!tpu.dma_semaphore, #tpu.memory_space<semaphore_mem>>
      %dma_start3A = arith.constant 0 : i32
      %dma_start3A_13 = tpu.memref_slice %arg3[%mul3A_2, %dma_start3A] : memref<100352x8xf32, #tpu.memory_space<hbm>> -> memref<3136x8xf32, #tpu.memory_space<hbm>>
      %dma_start3A_14 = arith.constant 0 : i32
      %dma_start3A_15 = tpu.memref_slice %arg3[%mul3A_2, %dma_start3A_14] : memref<100352x8xf32, #tpu.memory_space<hbm>> -> memref<3136x8xf32, #tpu.memory_space<hbm>>
      tpu.enqueue_dma source(%dma_start3A_15 : memref<3136x8xf32, #tpu.memory_space<hbm>>) target(%arg6 : memref<3136x8xf32, #tpu.memory_space<vmem>>) target_semaphore(%run_scoped3A : memref<!tpu.dma_semaphore, #tpu.memory_space<semaphore_mem>>)
      %dma_wait3A = arith.constant 0 : i32
      %dma_wait3A_16 = tpu.memref_slice %arg3[%mul3A_2, %dma_wait3A] : memref<100352x8xf32, #tpu.memory_space<hbm>> -> memref<3136x8xf32, #tpu.memory_space<hbm>>
      %dma_wait3A_17 = arith.constant 0 : i32
      %dma_wait3A_18 = tpu.memref_slice %arg3[%mul3A_2, %dma_wait3A_17] : memref<100352x8xf32, #tpu.memory_space<hbm>> -> memref<3136x8xf32, #tpu.memory_space<hbm>>
      tpu.wait_dma2 semaphore(%run_scoped3A : memref<!tpu.dma_semaphore, #tpu.memory_space<semaphore_mem>>) src(%dma_wait3A_18 : memref<3136x8xf32, #tpu.memory_space<hbm>>) dst(%arg6 : memref<3136x8xf32, #tpu.memory_space<vmem>>)
      tpu.yield
    }) : () -> ()
    %iota3A = tpu.iota {dimensions = array<i32: 0>} : vector<16xi32>
    %scan3A = arith.constant 0 : i32
    %scan3A_3 = arith.constant 196 : i32
    %scan3A_4 = arith.addi %scan3A, %scan3A_3 : i32
    %scan3A_5 = arith.constant 1 : i32
    scf.for %scan3A_13 = %scan3A to %scan3A_4 step %scan3A_5  : i32 {
      %mul3A_14 = arith.constant 1 : i32
      %mul3A_15 = arith.muli %scan3A_13, %mul3A_14 : i32
      %add3A_16 = arith.constant 0 : i32
      %add3A_17 = arith.addi %add3A_16, %mul3A_15 : i32
      %mul3A_18 = arith.constant 16 : i32
      %mul3A_19 = arith.muli %add3A_17, %mul3A_18 : i32
      %add3A_20 = vector.broadcast %mul3A_19 : i32 to vector<16xi32>
      %add3A_21 = arith.addi %add3A_20, %iota3A : vector<16xi32>
      %broadcast_in_dim3A = arith.constant 0 : i32
      %broadcast_in_dim3A_22 = vector.broadcast %broadcast_in_dim3A : i32 to vector<16xi32>
      %broadcast_in_dim3A_23 = arith.constant 1 : i32
      %broadcast_in_dim3A_24 = vector.broadcast %broadcast_in_dim3A_23 : i32 to vector<16xi32>
      %broadcast_in_dim3A_25 = arith.constant 2 : i32
      %broadcast_in_dim3A_26 = vector.broadcast %broadcast_in_dim3A_25 : i32 to vector<16xi32>
      %broadcast_in_dim3A_27 = arith.constant 3 : i32
      %broadcast_in_dim3A_28 = vector.broadcast %broadcast_in_dim3A_27 : i32 to vector<16xi32>
      %broadcast_in_dim3A_29 = arith.constant 4 : i32
      %broadcast_in_dim3A_30 = vector.broadcast %broadcast_in_dim3A_29 : i32 to vector<16xi32>
      %gather3A = tpu.vector_load_idx %arg5[%add3A_21, %broadcast_in_dim3A_22] : memref<3136x8xf32, #tpu.memory_space<vmem>>[vector<16xi32>, vector<16xi32>], vector<16xf32>,
      %gather3A_31 = tpu.vector_load_idx %arg6[%add3A_21, %broadcast_in_dim3A_22] : memref<3136x8xf32, #tpu.memory_space<vmem>>[vector<16xi32>, vector<16xi32>], vector<16xf32>,
      %add3A_32 = arith.addf %gather3A, %gather3A_31 : vector<16xf32>
      %gather3A_33 = tpu.vector_load_idx %arg5[%add3A_21, %broadcast_in_dim3A_24] : memref<3136x8xf32, #tpu.memory_space<vmem>>[vector<16xi32>, vector<16xi32>], vector<16xf32>,
      %gather3A_34 = tpu.vector_load_idx %arg6[%add3A_21, %broadcast_in_dim3A_24] : memref<3136x8xf32, #tpu.memory_space<vmem>>[vector<16xi32>, vector<16xi32>], vector<16xf32>,
      %add3A_35 = arith.addf %gather3A_33, %gather3A_34 : vector<16xf32>
      %gather3A_36 = tpu.vector_load_idx %arg5[%add3A_21, %broadcast_in_dim3A_26] : memref<3136x8xf32, #tpu.memory_space<vmem>>[vector<16xi32>, vector<16xi32>], vector<16xf32>,
      %gather3A_37 = tpu.vector_load_idx %arg6[%add3A_21, %broadcast_in_dim3A_26] : memref<3136x8xf32, #tpu.memory_space<vmem>>[vector<16xi32>, vector<16xi32>], vector<16xf32>,
      %add3A_38 = arith.addf %gather3A_36, %gather3A_37 : vector<16xf32>
      %gather3A_39 = tpu.vector_load_idx %arg5[%add3A_21, %broadcast_in_dim3A_28] : memref<3136x8xf32, #tpu.memory_space<vmem>>[vector<16xi32>, vector<16xi32>], vector<16xf32>,
      %gather3A_40 = tpu.vector_load_idx %arg6[%add3A_21, %broadcast_in_dim3A_28] : memref<3136x8xf32, #tpu.memory_space<vmem>>[vector<16xi32>, vector<16xi32>], vector<16xf32>,
      %add3A_41 = arith.addf %gather3A_39, %gather3A_40 : vector<16xf32>
      %gather3A_42 = tpu.vector_load_idx %arg5[%add3A_21, %broadcast_in_dim3A_30] : memref<3136x8xf32, #tpu.memory_space<vmem>>[vector<16xi32>, vector<16xi32>], vector<16xf32>,
      %gather3A_43 = tpu.vector_load_idx %arg6[%add3A_21, %broadcast_in_dim3A_30] : memref<3136x8xf32, #tpu.memory_space<vmem>>[vector<16xi32>, vector<16xi32>], vector<16xf32>,
      %add3A_44 = arith.addf %gather3A_42, %gather3A_43 : vector<16xf32>
      %max3A = arith.constant 1.000000e+00 : f32
      %max3A_45 = vector.broadcast %max3A : f32 to vector<16xf32>
      %max3A_46 = arith.maximumf %add3A_44, %max3A_45 : vector<16xf32>
      %div3A = arith.divf %add3A_32, %max3A_46 : vector<16xf32>
      %add3A_47 = arith.addf %add3A_38, %div3A : vector<16xf32>
      %div3A_48 = arith.divf %add3A_35, %max3A_46 : vector<16xf32>
      %add3A_49 = arith.addf %add3A_41, %div3A_48 : vector<16xf32>
      %broadcast_in_dim3A_50 = arith.constant 0 : i32
      %broadcast_in_dim3A_51 = vector.broadcast %broadcast_in_dim3A_50 : i32 to vector<16xi32>
      tpu.vector_store_idx %arg7[%add3A_21, %broadcast_in_dim3A_51], %add3A_47 : memref<3136x2xf32, #tpu.memory_space<vmem>>[vector<16xi32>, vector<16xi32>], vector<16xf32>,
      %broadcast_in_dim3A_52 = arith.constant 1 : i32
      %broadcast_in_dim3A_53 = vector.broadcast %broadcast_in_dim3A_52 : i32 to vector<16xi32>
      tpu.vector_store_idx %arg7[%add3A_21, %broadcast_in_dim3A_53], %add3A_49 : memref<3136x2xf32, #tpu.memory_space<vmem>>[vector<16xi32>, vector<16xi32>], vector<16xf32>,
    }
    %scan3A_6 = arith.constant 196 : i32
    %lt3A = arith.constant 31 : i32
    %lt3A_7 = arith.cmpi slt, %add3A, %lt3A : i32
    %convert_element_type3A = arith.extui %lt3A_7 : i1 to i32
    %cond3A = arith.constant 0 : i32
    %cond3A_8 = arith.cmpi ne, %convert_element_type3A, %cond3A : i32
    scf.if %cond3A_8 {
      "tpu.region"() ({
        %run_scoped3A = tpu.sem_alloc : memref<!tpu.dma_semaphore, #tpu.memory_space<semaphore_mem>>
        %dma_start3A = arith.constant 0 : i32
        %dma_start3A_13 = tpu.memref_slice %arg4[%mul3A_2, %dma_start3A] : memref<100000x2xf32, #tpu.memory_space<hbm>> -> memref<3136x2xf32, #tpu.memory_space<hbm>>
        %dma_start3A_14 = arith.constant 0 : i32
        %dma_start3A_15 = tpu.memref_slice %arg4[%mul3A_2, %dma_start3A_14] : memref<100000x2xf32, #tpu.memory_space<hbm>> -> memref<3136x2xf32, #tpu.memory_space<hbm>>
        tpu.enqueue_dma source(%arg7 : memref<3136x2xf32, #tpu.memory_space<vmem>>) target(%dma_start3A_15 : memref<3136x2xf32, #tpu.memory_space<hbm>>) target_semaphore(%run_scoped3A : memref<!tpu.dma_semaphore, #tpu.memory_space<semaphore_mem>>)
        %dma_wait3A = arith.constant 0 : i32
        %dma_wait3A_16 = tpu.memref_slice %arg4[%mul3A_2, %dma_wait3A] : memref<100000x2xf32, #tpu.memory_space<hbm>> -> memref<3136x2xf32, #tpu.memory_space<hbm>>
        %dma_wait3A_17 = arith.constant 0 : i32
        %dma_wait3A_18 = tpu.memref_slice %arg4[%mul3A_2, %dma_wait3A_17] : memref<100000x2xf32, #tpu.memory_space<hbm>> -> memref<3136x2xf32, #tpu.memory_space<hbm>>
        tpu.wait_dma2 semaphore(%run_scoped3A : memref<!tpu.dma_semaphore, #tpu.memory_space<semaphore_mem>>) src(%arg7 : memref<3136x2xf32, #tpu.memory_space<vmem>>) dst(%dma_wait3A_18 : memref<3136x2xf32, #tpu.memory_space<hbm>>)
        tpu.yield
      }) : () -> ()
    } else {
    }
    %eq3A = arith.constant 31 : i32
    %eq3A_9 = arith.cmpi eq, %add3A, %eq3A : i32
    %convert_element_type3A_10 = arith.extui %eq3A_9 : i1 to i32
    %cond3A_11 = arith.constant 0 : i32
    %cond3A_12 = arith.cmpi ne, %convert_element_type3A_10, %cond3A_11 : i32
    scf.if %cond3A_12 {
      "tpu.region"() ({
        %run_scoped3A = tpu.sem_alloc : memref<!tpu.dma_semaphore, #tpu.memory_space<semaphore_mem>>
        %dma_start3A = arith.constant 0 : i32
        %dma_start3A_13 = arith.constant 0 : i32
        %dma_start3A_14 = tpu.memref_slice %arg7[%dma_start3A, %dma_start3A_13] : memref<3136x2xf32, #tpu.memory_space<vmem>> -> memref<2784x2xf32, #tpu.memory_space<vmem>>
        %dma_start3A_15 = arith.constant 0 : i32
        %dma_start3A_16 = tpu.memref_slice %arg4[%mul3A_2, %dma_start3A_15] : memref<100000x2xf32, #tpu.memory_space<hbm>> -> memref<2784x2xf32, #tpu.memory_space<hbm>>
        %dma_start3A_17 = arith.constant 0 : i32
        %dma_start3A_18 = tpu.memref_slice %arg4[%mul3A_2, %dma_start3A_17] : memref<100000x2xf32, #tpu.memory_space<hbm>> -> memref<2784x2xf32, #tpu.memory_space<hbm>>
        %dma_start3A_19 = arith.constant 0 : i32
        %dma_start3A_20 = arith.constant 0 : i32
        %dma_start3A_21 = tpu.memref_slice %arg7[%dma_start3A_19, %dma_start3A_20] : memref<3136x2xf32, #tpu.memory_space<vmem>> -> memref<2784x2xf32, #tpu.memory_space<vmem>>
        tpu.enqueue_dma source(%dma_start3A_21 : memref<2784x2xf32, #tpu.memory_space<vmem>>) target(%dma_start3A_18 : memref<2784x2xf32, #tpu.memory_space<hbm>>) target_semaphore(%run_scoped3A : memref<!tpu.dma_semaphore, #tpu.memory_space<semaphore_mem>>)
        %dma_wait3A = arith.constant 0 : i32
        %dma_wait3A_22 = arith.constant 0 : i32
        %dma_wait3A_23 = tpu.memref_slice %arg7[%dma_wait3A, %dma_wait3A_22] : memref<3136x2xf32, #tpu.memory_space<vmem>> -> memref<2784x2xf32, #tpu.memory_space<vmem>>
        %dma_wait3A_24 = arith.constant 0 : i32
        %dma_wait3A_25 = tpu.memref_slice %arg4[%mul3A_2, %dma_wait3A_24] : memref<100000x2xf32, #tpu.memory_space<hbm>> -> memref<2784x2xf32, #tpu.memory_space<hbm>>
        %dma_wait3A_26 = arith.constant 0 : i32
        %dma_wait3A_27 = tpu.memref_slice %arg4[%mul3A_2, %dma_wait3A_26] : memref<100000x2xf32, #tpu.memory_space<hbm>> -> memref<2784x2xf32, #tpu.memory_space<hbm>>
        %dma_wait3A_28 = arith.constant 0 : i32
        %dma_wait3A_29 = arith.constant 0 : i32
        %dma_wait3A_30 = tpu.memref_slice %arg7[%dma_wait3A_28, %dma_wait3A_29] : memref<3136x2xf32, #tpu.memory_space<vmem>> -> memref<2784x2xf32, #tpu.memory_space<vmem>>
        tpu.wait_dma2 semaphore(%run_scoped3A : memref<!tpu.dma_semaphore, #tpu.memory_space<semaphore_mem>>) src(%dma_wait3A_30 : memref<2784x2xf32, #tpu.memory_space<vmem>>) dst(%dma_wait3A_27 : memref<2784x2xf32, #tpu.memory_space<hbm>>)
        tpu.yield
      }) : () -> ()
    } else {
    }
    return
  }
}

</mosaic_0001>

<sc_bundles>
// kernel: _run.4.cloned.1.call-start
scs
__scs_entry_jumppad:
0x0: {  	(pc) =	sbr.rel $0x88, $3  }
0x1: {  	(tag) =	ssettag $0x0;
	lr =	simm.s32 $0x1  }
0x2: {  	[smem:$0x3F9E] =	sst lr;
	_ =	strace $0xD0000000  }
0x3: {  	_ = 	snop  }
0x4: {  	_ = 	snop  }
0x5: {  	_ = 	snop  }
0x6: {  	_ = 	snop  }
0x7: {  	_ = 	snop  }
__scs_overlays_trampoline_lowered:
0x8: {  	[smem:$0x3FAD] =	sst s0  }
0x9: {  	[smem:$0x3FAE] =	sst s1  }
0xa: {  	[smem:$0x3FAF] =	sst s2  }
0xb: {  	[smem:$0x3FB0] =	sst s3  }
0xc: {  	[smem:$0x3FB1] =	sst s4  }
0xd: {  	[smem:$0x3FB2] =	sst s5  }
0xe: {  	[smem:$0x3FB3] =	sst s6  }
0xf: {  	[smem:$0x3FB4] =	sst s7  }
0x10: {  	[smem:$0x3FB5] =	sst s8  }
0x11: {  	[smem:$0x3FB6] =	sst s9;
	s0 =	simm.s32 @!p0 $0x0  }
0x12: {  	s1 =	sld [smem:$0x3F9C];
	s0 =	simm.s32 @p0 $0x1  }
0x13: {  	[smem:$0x3FB7] =	sst s0;
	s0 =	simm.s32 @!p1 $0x0  }
0x14: {  	s2 =	sld [smem:$0x3F9B];
	s0 =	simm.s32 @p1 $0x1  }
0x15: {  	[smem:$0x3FB8] =	sst s0;
	s0 =	simm.s32 @!p2 $0x0  }
0x16: {  	s3 =	sld [smem:$0x3FDB];
	s0 =	simm.s32 @p2 $0x1  }
0x17: {  	s4 =	simm.s32 $0x1BF5;
	[smem:$0x3FBA] =	sst s0  }
0x18: {  	s0 =	sld [smem:$0x3F9D];
	_ =	swait.ge [sflag:s4], $0x0  }
0x19: {  	s7 =	sld [smem:$0x3F9E]  }
0x1a: {  	s8 =	sadd.s32 $0xFFFFE003, lr  }
0x1b: {  	s9 =	sadd.s32 $0xFFFFFEF7, lr;
	s5 =	simm.s32 $0xFFFFFFFF;
	p2 =	slt.u32 s8, $0xFFFFF086  }
0x1c: {  	p1 =	slt.u32 s9, $0xF7A;
	s5 =	simm.s32 @!p2 $0x0  }
0x1d: {  	s5 =	simm.s32 @p1 $0x1;
	p0 =	seq.s32 s7, s2  }
0x1e: {  	s7 =	smul.u32 @!p0 $0xF7A, s2;
	p2 =	seq.s32 @!p0 s5, $0x0  }
0x1f: {  	s9 =	smul.u32 $0xF7A, s1;
	s8 =	simm.s32 @!p0 $0x1BF5;
	p2 =	por !p2, p0  }
0x20: {  	[sflag:s8] =	ssyncset.s32 @!p0 $0xFFFFF086;
	s6 =	sadd.s32 @!p0 s3, s7;
	s7 =	simm.s32 @!p0 $0x108  }
0x21: {  	s3 =	sadd.s32 s3, s9;
	s6 =	sadd.s32 @!p0 $0x88, s6;
	s7 =	simm.s32 @p2 $0x1082  }
0x22: {  	[simem:s7], [sflag:s8] =	dma.local @!p0 [hbm:s6], $0xF7A  }
0x23: {  	s9 =	sor.u32 $0xD0000000, s2;
	s6 =	simm.s32 $0x108;
	_ =	swait.ge @!p0 [sflag:s8], $0x0  }
0x24: {  	s3 =	sadd.s32 $0x88, s3;
	s6 =	simm.s32 @!p1 $0x1082;
	[sflag:s4] =	ssyncset.s32 $0xFFFFF086  }
0x25: {  	[simem:s6], [sflag:s4] =	dma.local [hbm:s3], $0xF7A  }
0x26: {  	[smem:$0x3F9E] =	sst s1;
	(tag) =	ssettag s2;
	_ =	strace s9  }
0x27: {  	s1 =	sld [smem:$0x3FAE]  }
0x28: {  	s2 =	sld [smem:$0x3FAF]  }
0x29: {  	s4 =	sld [smem:$0x3FB1]  }
0x2a: {  	p0 =	seq.s32 s5, $0x0;
	s5 =	sld [smem:$0x3FB2]  }
0x2b: {  	s6 =	sld [smem:$0x3FB3]  }
0x2c: {  	s7 =	sld [smem:$0x3FB4]  }
0x2d: {  	s3 =	simm.s32 $0x108;
	s8 =	sld [smem:$0x3FB5]  }
0x2e: {  	s3 =	simm.s32 @!p0 $0x1082;
	s9 =	sld [smem:$0x3FB6]  }
0x2f: {  	lr =	sadd.s32 s0, s3;
	s0 =	sld [smem:$0x3FAD]  }
0x30: {  	s3 =	sld [smem:$0x3FB0]  }
0x31: {  	[smem:$0x3FB9] =	sst s10  }
0x32: {  	s10 =	sld [smem:$0x3FB7];
	_ =	sdelay $0x3  }
0x33: {  	p0 =	seq.s32 s10, $0x1;
	s10 =	sld [smem:$0x3FB9];
	_ =	sdelay $0x3  }
0x34: {  	[smem:$0x3FB9] =	sst s10  }
0x35: {  	s10 =	sld [smem:$0x3FB8];
	_ =	sdelay $0x3  }
0x36: {  	p1 =	seq.s32 s10, $0x1;
	s10 =	sld [smem:$0x3FB9];
	_ =	sdelay $0x3  }
0x37: {  	[smem:$0x3FB9] =	sst s10  }
0x38: {  	s10 =	sld [smem:$0x3FBA]  }
0x39: {  	_ = 	snop;
	(pc) =	sbr.ind lr, $3  }
0x3a: {  	_ = 	snop  }
0x3b: {  	_ = 	snop  }
0x3c: {  	p2 =	seq.s32 s10, $0x1;
	s10 =	sld [smem:$0x3FB9]  }
0x3d: {  	_ =	shalt  }
0x3e: {  	_ =	shalt  }
0x3f: {  	_ =	shalt  }
0x40: {  	_ =	shalt  }
0x41: {  	_ =	shalt  }
0x42: {  	_ =	shalt  }
0x43: {  	_ =	shalt  }
0x44: {  	_ =	shalt  }
0x45: {  	_ =	shalt  }
0x46: {  	_ =	shalt  }
0x47: {  	_ =	shalt  }
0x48: {  	_ =	shalt  }
0x49: {  	_ =	shalt  }
0x4a: {  	_ =	shalt  }
0x4b: {  	_ =	shalt  }
0x4c: {  	_ =	shalt  }
0x4d: {  	_ =	shalt  }
0x4e: {  	_ =	shalt  }
0x4f: {  	_ =	shalt  }
0x50: {  	_ =	shalt  }
0x51: {  	_ =	shalt  }
0x52: {  	_ =	shalt  }
0x53: {  	_ =	shalt  }
0x54: {  	_ =	shalt  }
0x55: {  	_ =	shalt  }
0x56: {  	_ =	shalt  }
0x57: {  	_ =	shalt  }
0x58: {  	_ =	shalt  }
0x59: {  	_ =	shalt  }
0x5a: {  	_ =	shalt  }
0x5b: {  	_ =	shalt  }
0x5c: {  	_ =	shalt  }
0x5d: {  	_ =	shalt  }
0x5e: {  	_ =	shalt  }
0x5f: {  	_ =	shalt  }
0x60: {  	_ =	shalt  }
0x61: {  	_ =	shalt  }
0x62: {  	_ =	shalt  }
0x63: {  	_ =	shalt  }
0x64: {  	_ =	shalt  }
0x65: {  	_ =	shalt  }
0x66: {  	_ =	shalt  }
0x67: {  	_ =	shalt  }
0x68: {  	_ =	shalt  }
0x69: {  	_ =	shalt  }
0x6a: {  	_ =	shalt  }
0x6b: {  	_ =	shalt  }
0x6c: {  	_ =	shalt  }
0x6d: {  	_ =	shalt  }
0x6e: {  	_ =	shalt  }
0x6f: {  	_ =	shalt  }
0x70: {  	_ =	shalt  }
0x71: {  	_ =	shalt  }
0x72: {  	_ =	shalt  }
0x73: {  	_ =	shalt  }
0x74: {  	_ =	shalt  }
0x75: {  	_ =	shalt  }
0x76: {  	_ =	shalt  }
0x77: {  	_ =	shalt  }
0x78: {  	_ =	shalt  }
0x79: {  	_ =	shalt  }
0x7a: {  	_ =	shalt  }
0x7b: {  	_ =	shalt  }
0x7c: {  	_ =	shalt  }
0x7d: {  	_ =	shalt  }
0x7e: {  	_ =	shalt  }
0x7f: {  	_ =	shalt  }
0x80: {  	_ =	shalt  }
0x81: {  	_ =	shalt  }
0x82: {  	_ =	shalt  }
0x83: {  	_ =	shalt  }
0x84: {  	_ =	shalt  }
0x85: {  	_ =	shalt  }
0x86: {  	_ =	shalt  }
0x87: {  	_ =	shalt  }
.Lfunc_end0:
.L_simem_size_0:
called_computation.1_lowered:
.L_overlay_start_0:
0x88: {  	s2 =	sld [smem:$0x3FD9]  }
0x89: {  	s3 =	sld [smem:$0x3FFE];
	_ =	sdelay $0x1  }
0x8a: {  	s1 =	srdreg.scid  }
0x8b: {  	s0 =	sand.u32 $0x1, s1  }
0x8c: {  	s17 =	sshll.u32 s0, $0xA;
	s2 =	sadd.s32 s3, s2  }
0x8d: {  	s2 =	sadd.s32 s2, s17  }
0x8e: {  	[smem:$0x3FC5] =	sst s2  }
0x8f: {  	_ = 	snop  }
0x90: {  	s2 =	sld [smem:$0x3FD0];
	(tm) =	ssettm $0x1  }
0x91: {  	s18 =	sld [smem:$0x3FFB];
	_ =	sdelay $0x3  }
0x92: {  	_ =	strace s18  }
0x93: {  	s3 =	sld [smem:$0x3FFC];
	_ =	sdelay $0x3  }
0x94: {  	_ =	strace s3  }
0x95: {  	s3 =	sld [smem:$0x3FFD];
	_ =	sdelay $0x3  }
0x96: {  	_ =	strace s3  }
0x97: {  	_ =	strace $0x8FFFFFFF  }
0x98: {  	s19 =	sld [smem:$0x3FDB];
	_ =	sdelay $0x1  }
0x99: {  	s4 =	simm.s32 $_scs_section_size  }
0x9a: {  	s5 =	simm.s32 $_size__tile_overlayer_lowered;
	s6 =	simm.s32 $_tile_overlayer_lowered  }
0x9b: {  	s22 =	simm.s32 $0x1BFF;
	s21 =	sshll.u32 s6, $0x1;
	s3 =	sadd.s32 s4, s19  }
0x9c: {  	s7 =	simm.s32 $0x0;
	s20 =	sshll.u32 s5, $0x1;
	s5 =	sadd.s32 s21, s3  }
0x9d: {  	[timem:s7], [sflag:s22] =	dma.local [hbm:s5], s20  }
0x9e: {  	_ =	swait.ge [sflag:s22], s20  }
0x9f: {  	s4 =	ssub.s32 $0x0, s20;
	[sflag:s22] =	ssyncset.done $0x0  }
0xa0: {  	[sflag:s22] =	ssyncadd.s32 s4;
	_ =	sdelay $0x1  }
0xa1: {  	s23 =	simm.s32 $0x1B8B  }
0xa2: {  	_ =	swait.ge [sflag:s23], $0x1  }
0xa3: {  	[sflag:s23] =	ssyncset.done $0x0  }
0xa4: {  	s25 =	simm.s32 $0x1B8E;
	s24 =	sld [smem:$0x3FFE];
	[sflag:s23] =	ssyncadd.s32 $0xFFFFFFFF  }
0xa5: {  	s26 =	simm.s32 $execute0_lowered;
	[smem:$0x3FD2] =	sst s25  }
0xa6: {  	s5 =	sshll.u32 s26, $0x1;
	_ =	strace $0x80000049;
	[dreg:$0x1] =	wrdreg $0xFFFFFFFF  }
0xa7: {  	s28 =	simm.s32 $_size_execute0_lowered;
	s3 =	sadd.s32 s3, s5;
	[dreg:$0x0] =	wrdreg $0x0  }
0xa8: {  	s5 =	sshll.u32 s28, $0x1;
	[dreg:$0x2] =	wrdreg s3  }
0xa9: {  	[dreg:$0x3] =	wrdreg s5  }
0xaa: {  	[dreg:$0x4] =	wrdreg $0xC0  }
0xab: {  	_ =	task [dreg:s7], $0x5FFFF  }
0xac: {  	[dreg:$0x1] =	wrdreg $0xFFFFFFFF  }
0xad: {  	[dreg:$0x0] =	wrdreg $0x60  }
0xae: {  	[dreg:$0x2] =	wrdreg s24  }
0xaf: {  	[dreg:$0x3] =	wrdreg s2  }
0xb0: {  	[dreg:$0x4] =	wrdreg $0xA2000  }
0xb1: {  	[dreg:$0x5] =	wrdreg $0x166000  }
0xb2: {  	[dreg:$0x6] =	wrdreg $0x9  }
0xb3: {  	_ =	task.clear_ibuf [dreg:s7], $0x7FFFF;
	_ =	strace $0x90000049  }
0xb4: {  	s29 =	simm.s32 $0x9;
	_ =	strace $0x8000004B  }
0xb5: {  	_ =	swait.ge [sflag:s29], $0x1  }
0xb6: {  	[sflag:s29] =	ssyncadd.s32 $0xFFFFFFFF  }
0xb7: {  	_ =	strace $0x9000004B  }
0xb8: {  	_ =	sfence  }
0xb9: {  	s30 =	sld [smem:$0x0];
	_ =	sdelay $0x2  }
0xba: {  	s31 =	sshll.u32 s1, $0xD;
	s1 =	sshrl.u32 s1, $0x2  }
0xbb: {  	s3 =	sand.u32 $0x4000, s31;
	s1 =	sadd.s32 s1, s30  }
0xbc: {  	s0 =	sor.u32 s3, s0;
	s1 =	sshll.u32 s1, $0x11  }
0xbd: {  	s0 =	sor.u32 s1, s0  }
0xbe: {  	s0 =	sadd.s32 $0x8F2B, s0  }
0xbf: {  	[sflag:s0] =	ssyncadd.remote.s32 $0x1  }
0xc0: {  	_ =	sfence.sel $0xFFFF  }
0xc1: {  	[dreg:$0x0] =	wrdreg $0xFFFFFFFF;
	(pc) =	sbr.abs _section_cstart, $3  }
0xc2: {  	[dreg:$0x1] =	wrdreg $0xFFFFFFFF  }
0xc3: {  	_ =	task.clear_ibuf [dreg:s7], $0x2FFFF;
	_ =	strace $0x9FFFFFFF  }
0xc4: {  	(tm) =	ssettm $0x7FFFFFFF  }
0xc5: {  	_ =	shalt  }
tec
execute0_lowered:
.L_overlay_start_1:
0x0: {  	(tag) =	ssettag $0x1  }
0x1: {  	s0 =	rddreg [dreg:$0x0]  }
0x2: {  	s3 =	rddreg [dreg:$0x2]  }
0x3: {  	s4 =	rddreg [dreg:$0x3];
	s13 =	stileid.u32  }
0x4: {  	s2 =	simm.s32 $0x0;
	s17 =	srdreg.scid;
	s28 =	simm.s32 $0x8200  }
0x5: {  	s29 =	simm.s32 $0x9200;
	s31 =	simm.s32 $0x80;
	s15 =	simm.s32 $0x8  }
0x6: {  	s1 =	smul.u32 $0x6200, s13;
	[smem:$0x7FF] =	sst s2;
	s6 =	sadd.s32 $0x30FA00, s0  }
0x7: {  	s2 =	sand.u32 $0x1, s17;
	s9 =	smul.u32 $0xC400, s13;
	s14 =	sadd.s32 $0x193E00, s0  }
0x8: {  	_ =	strace $0x8000004A;
	s7 =	sshll.u32 s2, $0x4;
	s8 =	ssub.s32 $0x2, s2  }
0x9: {  	[dreg:$0x5] =	wrdreg s14;
	s14 =	simm.s32 $0x2;
	s5 =	sshrl.u32 s1, $0x3  }
0xa: {  	s11 =	sor.u32 s13, s7;
	s7 =	sadd.s32 $0x1000, s0;
	s10 =	sshrl.u32 s8, $0x1  }
0xb: {  	s19 =	sadd.s32 s9, s3;
	s13 =	sshll.u32 s13, $0x6;
	s1 =	sadd.s32 s1, s4  }
0xc: {  	s9 =	sshrl.u32 s9, $0x3;
	s5 =	sadd.s32 s5, s0;
	s12 =	smul.u32 $0x186, s11  }
0xd: {  	s8 =	ssub.s32 s8, s10;
	s18 =	smin.u32 s11, $0x14;
	[dreg:$0x6] =	wrdreg s19  }
0xe: {  	s17 =	sor.u32 $0x1C0A, s13;
	p0 =	slt.u32 s11, $0x14;
	s11 =	simm.s32 $0x187  }
0xf: {  	s30 =	sshrl.u32 s1, $0x3;
	s1 =	simm.s32 $0x3200;
	s13 =	simm.s32 $0x4200  }
0x10: {  	s5 =	sadd.s32 $0x187A00, s5;
	s11 =	simm.s32 @!p0 $0x186;
	[dreg:$0x11] =	wrdreg s30  }
0x11: {  	p0 =	seq.s32 s2, $0x1;
	s2 =	simm.s32 $0x1AC800;
	[dreg:$0x7] =	wrdreg s17  }
0x12: {  	s26 =	smax.u32 s8, $0x1;
	s10 =	sadd.s32 s18, s12;
	[dreg:$0x9] =	wrdreg s5  }
0x13: {  	s23 =	smul.u32 $0x5556, s11;
	s2 =	simm.s32 @!p0 $0x194000;
	s19 =	sadd.s32 $0xFFFFFFFD, s11  }
0x14: {  	[dreg:$0x10] =	wrdreg s26;
	s26 =	simm.s32 $0x7200;
	s18 =	simm.s32 $0x5200  }
0x15: {  	[dreg:$0x12] =	wrdreg s10;
	s12 =	sshll.u32 s10, $0x6;
	s0 =	sadd.s32 s2, s0  }
0x16: {  	s2 =	simm.s32 $0x2200;
	s10 =	simm.s32 $0x0;
	s12 =	sadd.s32 s7, s12  }
0x17: {  	s5 =	sshrl.u32 s23, $0x10;
	s0 =	sadd.s32 s0, s9;
	[dreg:$0x8] =	wrdreg s12  }
0x18: {  	s23 =	simm.s32 $0x6200;
	s20 =	sadd.s32 $0xC3500, s12;
	[dreg:$0xf] =	wrdreg s0  }
0x19: {  	s9 =	simm.s32 $0x9;
	s21 =	sadd.s32 $0x40, s12;
	[dreg:$0xa] =	wrdreg s20  }
0x1a: {  	s22 =	sadd.s32 $0xC3540, s12;
	s24 =	sadd.s32 $0x80, s12;
	[dreg:$0xb] =	wrdreg s21  }
.Ltmp0:
0x1b: {  	s12 =	sadd.s32 $0xC3580, s12;
	[dreg:$0xc] =	wrdreg s22;
	(pc) =	sbr.rel .LBB2_1-.Ltmp0, $4  }
0x1c: {  	s5 =	smul.u32 $0x3, s5;
	s0 =	simm.s32 $0x1200;
	[dreg:$0xd] =	wrdreg s24  }
0x1d: {  	[dreg:$0xe] =	wrdreg s12;
	s21 =	sadd.s32 $0xFFFFFFFC, s11;
	s22 =	sadd.s32 $0xFFFFFFFB, s11  }
0x1e: {  	v0 =	vlaneseq.u32;
	s24 =	simm.s32 $0xA;
	s12 =	simm.s32 $0x7;
	s25 =	ssub.s32 s11, s5  }
0x1f: {  	v0 =	vmul.u32 $0x8, v0;
	s5 =	simm.s32 $0x3;
	p0 =	sne.s32 s25, $0x1;
	s25 =	simm.s32 $0x1  }
.LBB2_31:
0x20: {  	s8 =	simm.s32 $0x4  }
0x21: {  	_ =	swait.ge [sflag:s8], $0x1000  }
0x22: {  	[sflag:s8] =	ssyncset.done $0x0  }
0x23: {  	s11 =	simm.s32 $0x5;
	[sflag:s8] =	ssyncadd.s32 $0xFFFFF000  }
0x24: {  	_ =	swait.ge [sflag:s11], $0x1000  }
0x25: {  	[sflag:s11] =	ssyncset.done $0x0  }
0x26: {  	s16 =	simm.s32 $0x6;
	[sflag:s11] =	ssyncadd.s32 $0xFFFFF000  }
0x27: {  	_ =	swait.ge [sflag:s16], $0x1000  }
0x28: {  	[sflag:s16] =	ssyncset.done $0x0  }
0x29: {  	[sflag:s16] =	ssyncadd.s32 $0xFFFFF000  }
0x2a: {  	[bflag:$0x0] =	sbarrier.arrive $0xFFFF  }
0x2b: {  	s20 =	rddreg [dreg:$0xf]  }
0x2c: {  	s11 =	rddreg [dreg:$0x14]  }
0x2d: {  	[hbm:s20], [sflag:s17] =	dma.local [spmem:s11], $0x1880  }
0x2e: {  	_ =	swait.ge [sflag:s24], $0x1880  }
0x2f: {  	s10 =	sadd.s32 $0x1, s10;
	s30 =	rddreg [dreg:$0x10]  }
0x30: {  	p1 =	sne.s32 s10, s30  }
.Ltmp1:
0x31: {  	_ = 	snop;
	(pc) =	sbr.rel @!p1 .LBB2_32-.Ltmp1, $3  }
0x32: {  	_ =	sdelay $0x1  }
0x33: {  	[sflag:s24] =	ssyncset.done $0x0  }
0x34: {  	[sflag:s24] =	ssyncadd.s32 $0xFFFFE780  }
.LBB2_1:
0x35: {  	[dreg:$0x13] =	wrdreg s10  }
0x36: {  	s8 =	rddreg [dreg:$0x6]  }
0x37: {  	s20 =	rddreg [dreg:$0x1];
	s16 =	sshrl.u32 s8, $0x3  }
0x38: {  	[dreg:$0x14] =	wrdreg s16  }
0x39: {  	[spmem:s16], [sflag:s17] =	dma.local [hbm:s20], $0x1880  }
0x3a: {  	_ =	swait.ge [sflag:s24], $0x1880  }
0x3b: {  	[sflag:s24] =	ssyncset.done $0x0;
	s30 =	rddreg [dreg:$0x9]  }
0x3c: {  	s11 =	rddreg [dreg:$0x11];
	[sflag:s24] =	ssyncadd.s32 $0xFFFFE780  }
0x3d: {  	[spmem:s11], [sflag:s17] =	dma.local [hbm:s30], $0xC40  }
0x3e: {  	_ =	swait.ge [sflag:s24], $0xC40  }
0x3f: {  	[sflag:s24] =	ssyncset.done $0x0  }
0x40: {  	s10 =	simm.s32 $0x0;
	s17 =	rddreg [dreg:$0x5];
	[sflag:s24] =	ssyncadd.s32 $0xFFFFF3C0  }
0x41: {  	[tilespmem:s26], [sflag:$0xA] =	stream.linear.gather [hbm4b:s17+s10], $0x1000, $0x38;
	[tilespmem:$0x1C800] =	vst v63  }
0x42: {  	_ =	swait.ge [sflag:s24], $0x1000  }
0x43: {  	[sflag:s24] =	ssyncset.done $0x0  }
0x44: {  	[sflag:s24] =	ssyncadd.s32 $0xFFFFF000  }
0x45: {  	[tilespmem:s28], [sflag:$0xA] =	stream.linear.gather [hbm4b:s17+s10], $0x1000, $0x38;
	[tilespmem:$0x1C800] =	vst v63  }
0x46: {  	_ =	swait.ge [sflag:s24], $0x1000  }
0x47: {  	[sflag:s24] =	ssyncset.done $0x0  }
0x48: {  	[sflag:s24] =	ssyncadd.s32 $0xFFFFF000  }
0x49: {  	[tilespmem:s29], [sflag:$0xA] =	stream.linear.gather [hbm4b:s17+s10], $0x1000, $0x38;
	[tilespmem:$0x1C800] =	vst v63  }
0x4a: {  	_ =	swait.ge [sflag:s24], $0x1000  }
0x4b: {  	[sflag:s24] =	ssyncset.done $0x0  }
0x4c: {  	[sflag:s24] =	ssyncadd.s32 $0xFFFFF000  }
0x4d: {  	[bflag:$0x0] =	sbarrier.arrive $0xFFFF  }
0x4e: {  	s20 =	rddreg [dreg:$0x8]  }
0x4f: {  	[tilespmem:s10], [sflag:$0xA] =	stream.linear.gather [hbm4b:s20+s10], $0x200, $0x38;
	[tilespmem:$0x1C800] =	vst v63  }
0x50: {  	_ =	swait.ge [sflag:s24], $0x200  }
0x51: {  	[sflag:s24] =	ssyncset.done $0x0  }
0x52: {  	s16 =	simm.s32 $0x200;
	s30 =	rddreg [dreg:$0xa];
	[sflag:s24] =	ssyncadd.s32 $0xFFFFFE00  }
0x53: {  	[tilespmem:s16], [sflag:$0xA] =	stream.linear.gather [hbm4b:s30+s10], $0x200, $0x38;
	[tilespmem:$0x1C800] =	vst v63  }
0x54: {  	_ =	swait.ge [sflag:s24], $0x200  }
0x55: {  	[sflag:s24] =	ssyncset.done $0x0  }
0x56: {  	s8 =	simm.s32 $0x0;
	[sflag:s24] =	ssyncadd.s32 $0xFFFFFE00  }
0x57: {  	s11 =	simm.s32 $0x40;
	v1 =	vld [tilespmem:s8+$0x200]  }
.LBB2_2:
0x58: {  	p1 =	sne.s32 s11, $0x7C0  }
.Ltmp2:
0x59: {  	_ = 	snop;
	(pc) =	sbr.rel @p1 .LBB2_2-.Ltmp2, $3  }
0x5a: {  	_ =	sdelay $0x1  }
0x5b: {  	s17 =	sshra.s32 s11, $0x2;
	s11 =	sadd.s32 $0x40, s11;
	v2 =	vshra.s32 v1, $0x1  }
0x5c: {  	v1 =	vld [tilespmem:s17+$0x200];
	[tilespmem:s8+$0x400] =	vst v2;
	s8 =	smov.u32 s17  }
0x5d: {  	_ =	sdelay $0x3  }
0x5e: {  	v1 =	vshra.s32 v1, $0x1  }
0x5f: {  	[tilespmem:s8+$0x400] =	vst v1;
	s8 =	simm.s32 $0x0  }
0x60: {  	[tilespmem:s0], [sflag:$0x1] =	stream.indirect.gather [hbm4b:s6+s31], $0x8, s8, s31, $0xb8;
	[tilespmem:$0x1C800] =	vst v63  }
0x61: {  	s11 =	simm.s32 $0x400  }
0x62: {  	[tilespmem:s2], [sflag:$0x7] =	stream.indirect.gather [spmem:s4], $0x8, s11, s31, $0xb8;
	[tilespmem:$0x1C800] =	vst v63  }
0x63: {  	s17 =	simm.s32 $0x1600  }
0x64: {  	[tilespmem:s17], [sflag:$0x1] =	stream.indirect.gather [hbm4b:s6+s31], $0x8, s31, s31, $0xb8;
	[tilespmem:$0x1C800] =	vst v63  }
0x65: {  	s20 =	simm.s32 $0x480;
	s16 =	simm.s32 $0x2600  }
0x66: {  	[tilespmem:s16], [sflag:$0x7] =	stream.indirect.gather [spmem:s4], $0x8, s20, s31, $0xb8;
	[tilespmem:$0x1C800] =	vst v63  }
0x67: {  	s30 =	simm.s32 $0x100;
	s10 =	simm.s32 $0x1A00  }
0x68: {  	[tilespmem:s10], [sflag:$0x1] =	stream.indirect.gather [hbm4b:s6+s31], $0x8, s30, s31, $0xb8;
	[tilespmem:$0x1C800] =	vst v63  }
0x69: {  	s17 =	simm.s32 $0x500;
	s20 =	simm.s32 $0x2A00  }
0x6a: {  	[tilespmem:s20], [sflag:$0x7] =	stream.indirect.gather [spmem:s4], $0x8, s17, s31, $0xb8;
	[tilespmem:$0x1C800] =	vst v63  }
0x6b: {  	s30 =	simm.s32 $0x180;
	s10 =	simm.s32 $0x1E00  }
0x6c: {  	[tilespmem:s10], [sflag:$0x1] =	stream.indirect.gather [hbm4b:s6+s31], $0x8, s30, s31, $0xb8;
	[tilespmem:$0x1C800] =	vst v63  }
0x6d: {  	s16 =	simm.s32 $0x580;
	s17 =	simm.s32 $0x2E00  }
0x6e: {  	[tilespmem:s17], [sflag:$0x7] =	stream.indirect.gather [spmem:s4], $0x8, s16, s31, $0xb8;
	[tilespmem:$0x1C800] =	vst v63  }
0x6f: {  	s20 =	rddreg [dreg:$0xb];
	s10 =	simm.s32 $0x600  }
0x70: {  	[tilespmem:s10], [sflag:$0xA] =	stream.linear.gather [hbm4b:s20+s8], $0x200, $0x38;
	[tilespmem:$0x1C800] =	vst v63  }
0x71: {  	_ =	swait.ge [sflag:s24], $0x200  }
0x72: {  	[sflag:s24] =	ssyncset.done $0x0  }
0x73: {  	s10 =	simm.s32 $0x800;
	s30 =	rddreg [dreg:$0xc];
	[sflag:s24] =	ssyncadd.s32 $0xFFFFFE00  }
0x74: {  	[tilespmem:s10], [sflag:$0xA] =	stream.linear.gather [hbm4b:s30+s8], $0x200, $0x38;
	[tilespmem:$0x1C800] =	vst v63  }
0x75: {  	_ =	swait.ge [sflag:s24], $0x200  }
0x76: {  	[sflag:s24] =	ssyncset.done $0x0  }
0x77: {  	s8 =	simm.s32 $0x0;
	[sflag:s24] =	ssyncadd.s32 $0xFFFFFE00  }
0x78: {  	s11 =	simm.s32 $0x40;
	v1 =	vld [tilespmem:s8+$0x800]  }
.LBB2_4:
0x79: {  	p1 =	sne.s32 s11, $0x7C0  }
.Ltmp3:
0x7a: {  	_ = 	snop;
	(pc) =	sbr.rel @p1 .LBB2_4-.Ltmp3, $3  }
0x7b: {  	_ =	sdelay $0x1  }
0x7c: {  	s17 =	sshra.s32 s11, $0x2;
	s11 =	sadd.s32 $0x40, s11;
	v2 =	vshra.s32 v1, $0x1  }
0x7d: {  	v1 =	vld [tilespmem:s17+$0x800];
	[tilespmem:s8+$0xA00] =	vst v2;
	s8 =	smov.u32 s17  }
0x7e: {  	_ =	sdelay $0x3  }
0x7f: {  	v1 =	vshra.s32 v1, $0x1  }
0x80: {  	s17 =	simm.s32 $0x600;
	[tilespmem:s8+$0xA00] =	vst v1  }
0x81: {  	[tilespmem:s1], [sflag:$0x2] =	stream.indirect.gather [hbm4b:s6+s31], $0x8, s17, s31, $0xb8;
	[tilespmem:$0x1C800] =	vst v63  }
0x82: {  	s20 =	simm.s32 $0xA00  }
0x83: {  	[tilespmem:s13], [sflag:$0x8] =	stream.indirect.gather [spmem:s4], $0x8, s20, s31, $0xb8;
	[tilespmem:$0x1C800] =	vst v63  }
0x84: {  	s30 =	simm.s32 $0x680;
	s11 =	simm.s32 $0x3600  }
0x85: {  	[tilespmem:s11], [sflag:$0x2] =	stream.indirect.gather [hbm4b:s6+s31], $0x8, s30, s31, $0xb8;
	[tilespmem:$0x1C800] =	vst v63  }
0x86: {  	s16 =	simm.s32 $0xA80;
	s17 =	simm.s32 $0x4600  }
0x87: {  	[tilespmem:s17], [sflag:$0x8] =	stream.indirect.gather [spmem:s4], $0x8, s16, s31, $0xb8;
	[tilespmem:$0x1C800] =	vst v63  }
0x88: {  	s20 =	simm.s32 $0x700;
	s30 =	simm.s32 $0x3A00  }
0x89: {  	[tilespmem:s30], [sflag:$0x2] =	stream.indirect.gather [hbm4b:s6+s31], $0x8, s20, s31, $0xb8;
	[tilespmem:$0x1C800] =	vst v63  }
0x8a: {  	s16 =	simm.s32 $0xB00;
	s17 =	simm.s32 $0x4A00  }
0x8b: {  	[tilespmem:s17], [sflag:$0x8] =	stream.indirect.gather [spmem:s4], $0x8, s16, s31, $0xb8;
	[tilespmem:$0x1C800] =	vst v63  }
0x8c: {  	s20 =	simm.s32 $0x780;
	s30 =	simm.s32 $0x3E00  }
0x8d: {  	[tilespmem:s30], [sflag:$0x2] =	stream.indirect.gather [hbm4b:s6+s31], $0x8, s20, s31, $0xb8;
	[tilespmem:$0x1C800] =	vst v63  }
0x8e: {  	s11 =	simm.s32 $0xB80;
	s16 =	simm.s32 $0x4E00  }
0x8f: {  	[tilespmem:s16], [sflag:$0x8] =	stream.indirect.gather [spmem:s4], $0x8, s11, s31, $0xb8;
	[tilespmem:$0x1C800] =	vst v63  }
0x90: {  	s8 =	simm.s32 $0x0;
	s17 =	rddreg [dreg:$0xd];
	s16 =	simm.s32 $0xC00  }
0x91: {  	[tilespmem:s16], [sflag:$0xA] =	stream.linear.gather [hbm4b:s17+s8], $0x200, $0x38;
	[tilespmem:$0x1C800] =	vst v63  }
0x92: {  	_ =	swait.ge [sflag:s24], $0x200  }
0x93: {  	[sflag:s24] =	ssyncset.done $0x0  }
0x94: {  	s30 =	simm.s32 $0xE00;
	s20 =	rddreg [dreg:$0xe];
	[sflag:s24] =	ssyncadd.s32 $0xFFFFFE00  }
0x95: {  	[tilespmem:s30], [sflag:$0xA] =	stream.linear.gather [hbm4b:s20+s8], $0x200, $0x38;
	[tilespmem:$0x1C800] =	vst v63  }
0x96: {  	_ =	swait.ge [sflag:s24], $0x200  }
0x97: {  	[sflag:s24] =	ssyncset.done $0x0  }
0x98: {  	s8 =	simm.s32 $0x0;
	[sflag:s24] =	ssyncadd.s32 $0xFFFFFE00  }
0x99: {  	s11 =	simm.s32 $0x40;
	v1 =	vld [tilespmem:s8+$0xE00]  }
.LBB2_6:
0x9a: {  	p1 =	sne.s32 s11, $0x7C0  }
.Ltmp4:
0x9b: {  	_ = 	snop;
	(pc) =	sbr.rel @p1 .LBB2_6-.Ltmp4, $3  }
0x9c: {  	_ =	sdelay $0x1  }
0x9d: {  	s17 =	sshra.s32 s11, $0x2;
	s11 =	sadd.s32 $0x40, s11;
	v2 =	vshra.s32 v1, $0x1  }
0x9e: {  	v1 =	vld [tilespmem:s17+$0xE00];
	[tilespmem:s8+$0x1000] =	vst v2;
	s8 =	smov.u32 s17  }
0x9f: {  	_ =	sdelay $0x3  }
0xa0: {  	v1 =	vshra.s32 v1, $0x1  }
0xa1: {  	s11 =	simm.s32 $0xC00;
	[tilespmem:s8+$0x1000] =	vst v1  }
0xa2: {  	[tilespmem:s18], [sflag:$0x3] =	stream.indirect.gather [hbm4b:s6+s31], $0x8, s11, s31, $0xb8;
	[tilespmem:$0x1C800] =	vst v63  }
0xa3: {  	s16 =	simm.s32 $0x1000  }
0xa4: {  	[tilespmem:s23], [sflag:$0x9] =	stream.indirect.gather [spmem:s4], $0x8, s16, s31, $0xb8;
	[tilespmem:$0x1C800] =	vst v63  }
0xa5: {  	s17 =	simm.s32 $0xC80;
	s11 =	simm.s32 $0x5600  }
0xa6: {  	[tilespmem:s11], [sflag:$0x3] =	stream.indirect.gather [hbm4b:s6+s31], $0x8, s17, s31, $0xb8;
	[tilespmem:$0x1C800] =	vst v63  }
0xa7: {  	s20 =	simm.s32 $0x1080;
	s30 =	simm.s32 $0x6600  }
0xa8: {  	[tilespmem:s30], [sflag:$0x9] =	stream.indirect.gather [spmem:s4], $0x8, s20, s31, $0xb8;
	[tilespmem:$0x1C800] =	vst v63  }
0xa9: {  	s16 =	simm.s32 $0xD00;
	s17 =	simm.s32 $0x5A00  }
0xaa: {  	[tilespmem:s17], [sflag:$0x3] =	stream.indirect.gather [hbm4b:s6+s31], $0x8, s16, s31, $0xb8;
	[tilespmem:$0x1C800] =	vst v63  }
0xab: {  	s20 =	simm.s32 $0x1100;
	s30 =	simm.s32 $0x6A00  }
0xac: {  	[tilespmem:s30], [sflag:$0x9] =	stream.indirect.gather [spmem:s4], $0x8, s20, s31, $0xb8;
	[tilespmem:$0x1C800] =	vst v63  }
.Ltmp5:
0xad: {  	_ = 	snop;
	(pc) =	sbr.rel .LBB2_8-.Ltmp5, $4  }
0xae: {  	s16 =	simm.s32 $0xD80;
	s17 =	simm.s32 $0x5E00  }
0xaf: {  	[tilespmem:s17], [sflag:$0x3] =	stream.indirect.gather [hbm4b:s6+s31], $0x8, s16, s31, $0xb8;
	[tilespmem:$0x1C800] =	vst v63  }
0xb0: {  	s11 =	simm.s32 $0x0;
	s20 =	simm.s32 $0x1180;
	s30 =	simm.s32 $0x6E00  }
0xb1: {  	[tilespmem:s30], [sflag:$0x9] =	stream.indirect.gather [spmem:s4], $0x8, s20, s31, $0xb8;
	[tilespmem:$0x1C800] =	vst v63  }
.LBB2_26:
0xb2: {  	s11 =	sadd.s32 $0x1, s11  }
0xb3: {  	p1 =	sne.s32 s11, $0x82  }
.Ltmp6:
0xb4: {  	_ = 	snop;
	(pc) =	sbr.rel @!p1 .LBB2_27-.Ltmp6, $1  }
0xb5: {  	_ =	sdelay $0x3  }
.LBB2_8:
0xb6: {  	_ =	swait.ge [sflag:s25], $0x1000  }
0xb7: {  	[sflag:s25] =	ssyncset.done $0x0  }
0xb8: {  	[sflag:s25] =	ssyncadd.s32 $0xFFFFF000  }
0xb9: {  	_ =	swait.ge [sflag:s12], $0x1000  }
0xba: {  	[sflag:s12] =	ssyncset.done $0x0  }
0xbb: {  	s17 =	simm.s32 $0x200;
	[sflag:s12] =	ssyncadd.s32 $0xFFFFF000  }
0xbc: {  	s8 =	simm.s32 $0x0;
	v2 =	vld [tilespmem:s17+$0x0]  }
0xbd: {  	v1 =	vmov s8  }
0xbe: {  	v1 =	vshll.u32 v1, $0x3  }
0xbf: {  	v5 =	vor.u32 v0, v1  }
0xc0: {  	v6 =	vor.u32 $0x1, v5  }
0xc1: {  	v1 =	vor.u32 $0x3, v5;
	v3 =	vshll.u32 v2, $0x2  }
0xc2: {  	v2 =	vor.u32 $0x2, v5;
	v3 =	vand.u32 $0x4, v3  }
0xc3: {  	v3 =	vor.u32 v5, v3  }
0xc4: {  	v4 =	vld.idx.msk [tilespmem:v5+s0+$0x0], $0xffff;
	v7 =	vor.u32 $0x1, v3  }
0xc5: {  	v8 =	vld.idx.msk [tilespmem:v6+s0+$0x0], $0xffff;
	v9 =	vor.u32 $0x2, v3  }
0xc6: {  	v11 =	vld.idx.msk [tilespmem:v1+s0+$0x0], $0xffff;
	v10 =	vor.u32 $0x3, v3  }
0xc7: {  	v12 =	vld.idx.msk [tilespmem:v2+s0+$0x0], $0xffff  }
0xc8: {  	v3 =	vld.idx.msk [tilespmem:v3+s2+$0x0], $0xffff  }
0xc9: {  	v7 =	vld.idx.msk [tilespmem:v7+s2+$0x0], $0xffff  }
0xca: {  	v9 =	vld.idx.msk [tilespmem:v9+s2+$0x0], $0xffff  }
0xcb: {  	v10 =	vld.idx.msk [tilespmem:v10+s2+$0x0], $0xffff;
	_ =	sdelay $0x1  }
0xcc: {  	v13 =	vsub.f32 v4, v3  }
0xcd: {  	v3 =	vsub.f32 v8, v7  }
0xce: {  	v4 =	vsub.f32 v12, v9;
	v7 =	vmul.f32 v13, v13;
	v60 =	vmul.f32 $5.000000070e-02, v13  }
0xcf: {  	v61 =	vsub.f32 v11, v10;
	v62 =	vmul.f32 v3, v3;
	v63 =	vmul.f32 $5.000000070e-02, v3  }
0xd0: {  	v8 =	vadd.f32 v4, v60  }
0xd1: {  	v4 =	vadd.f32 v62, v7;
	v7 =	vadd.f32 v61, v63  }
0xd2: {  	[tilespmem:v5+s26+$0x0] =	vst.idx.msk $0xffff, v8  }
0xd3: {  	s20 =	simm.s32 $0x10;
	v5 =	vmul.f32 $-5.000000000e+00, v13;
	[tilespmem:v6+s26+$0x0] =	vst.idx.msk $0xffff, v7;
	(erf) = vrcp.f32 v4  }
.LBB2_9:
0xd4: {  	_ =	sdelay $0x4  }
0xd5: {  	p1 =	sne.s32 s20, $0x1F0  }
0xd6: {  	s17 =	sadd.s32 $0x10, s17;
	s8 =	smov.u32 s20;
	s20 =	sadd.s32 $0x10, s20  }
0xd7: {  	v3 =	vmul.f32 $-5.000000000e+00, v3  }
0xd8: {  	v6 =	vpop (erf)  }
0xd9: {  	vm0 =	veq.f32 v4, $0.0e+00;
	v4 =	vmul.f32 v6, v5;
	v3 =	vmul.f32 v6, v3;
	_ =	sdelay $0x1  }
0xda: {  	v5 =	vmov s8;
	v4 =	vsel vm0, $0x0, v4;
	v3 =	vsel vm0, $0x0, v3  }
0xdb: {  	v5 =	vshll.u32 v5, $0x3;
	[tilespmem:v2+s26+$0x0] =	vst.idx.msk $0xffff, v4  }
0xdc: {  	v6 =	vor.u32 v0, v5;
	[tilespmem:v1+s26+$0x0] =	vst.idx.msk $0xffff, v3  }
0xdd: {  	v7 =	vor.u32 $0x1, v6;
	v2 =	vld [tilespmem:s17+$0x0];
	_ =	sdelay $0x3  }
0xde: {  	v1 =	vor.u32 $0x3, v6;
	v3 =	vld.idx.msk [tilespmem:v6+s0+$0x0], $0xffff  }
0xdf: {  	v4 =	vshll.u32 v2, $0x2;
	v5 =	vld.idx.msk [tilespmem:v7+s0+$0x0], $0xffff;
	v2 =	vor.u32 $0x2, v6  }
0xe0: {  	v4 =	vand.u32 $0x4, v4  }
0xe1: {  	v4 =	vor.u32 v6, v4  }
0xe2: {  	v8 =	vor.u32 $0x1, v4;
	v9 =	vor.u32 $0x2, v4;
	v10 =	vor.u32 $0x3, v4;
	_ =	sdelay $0x1  }
0xe3: {  	v11 =	vld.idx.msk [tilespmem:v1+s0+$0x0], $0xffff  }
0xe4: {  	v12 =	vld.idx.msk [tilespmem:v2+s0+$0x0], $0xffff  }
0xe5: {  	v4 =	vld.idx.msk [tilespmem:v4+s2+$0x0], $0xffff  }
0xe6: {  	v8 =	vld.idx.msk [tilespmem:v8+s2+$0x0], $0xffff  }
0xe7: {  	v9 =	vld.idx.msk [tilespmem:v9+s2+$0x0], $0xffff  }
0xe8: {  	v10 =	vld.idx.msk [tilespmem:v10+s2+$0x0], $0xffff;
	_ =	sdelay $0x2  }
0xe9: {  	v4 =	vsub.f32 v3, v4  }
0xea: {  	v3 =	vsub.f32 v5, v8  }
0xeb: {  	v8 =	vsub.f32 v12, v9;
	v9 =	vmul.f32 v4, v4;
	v12 =	vmul.f32 $5.000000070e-02, v4  }
.Ltmp7:
0xec: {  	v10 =	vsub.f32 v11, v10;
	v11 =	vmul.f32 v3, v3;
	v13 =	vmul.f32 $5.000000070e-02, v3;
	(pc) =	sbr.rel @p1 .LBB2_9-.Ltmp7, $4  }
0xed: {  	v5 =	vmul.f32 $-5.000000000e+00, v4;
	v8 =	vadd.f32 v8, v12  }
0xee: {  	v4 =	vadd.f32 v11, v9;
	v9 =	vadd.f32 v10, v13  }
0xef: {  	[tilespmem:v6+s26+$0x0] =	vst.idx.msk $0xffff, v8  }
0xf0: {  	[tilespmem:v7+s26+$0x0] =	vst.idx.msk $0xffff, v9;
	(erf) = vrcp.f32 v4  }
0xf1: {  	_ =	sdelay $0x7  }
0xf2: {  	v3 =	vmul.f32 $-5.000000000e+00, v3;
	v6 =	vpop (erf)  }
0xf3: {  	v5 =	vmul.f32 v6, v5  }
0xf4: {  	vm0 =	veq.f32 v4, $0.0e+00;
	v3 =	vmul.f32 v6, v3  }
0xf5: {  	v4 =	vsel vm0, $0x0, v5  }
0xf6: {  	v3 =	vsel vm0, $0x0, v3;
	[tilespmem:v2+s26+$0x0] =	vst.idx.msk $0xffff, v4  }
0xf7: {  	s8 =	simm.s32 $0x200;
	[tilespmem:v1+s26+$0x0] =	vst.idx.msk $0xffff, v3  }
0xf8: {  	[spmem:s3] =	stream.indirect.scatter.add.f32 [tilespmem:s26], [sflag:$0x4], $0x8, s8, s31, $0xb8;
	[tilespmem:$0x1C800] =	vst v63  }
0xf9: {  	s17 =	simm.s32 $0x280;
	s16 =	simm.s32 $0x7600  }
0xfa: {  	[spmem:s3] =	stream.indirect.scatter.add.f32 [tilespmem:s16], [sflag:$0x4], $0x8, s17, s31, $0xb8;
	[tilespmem:$0x1C800] =	vst v63  }
0xfb: {  	s20 =	simm.s32 $0x300;
	s30 =	simm.s32 $0x7A00  }
0xfc: {  	[spmem:s3] =	stream.indirect.scatter.add.f32 [tilespmem:s30], [sflag:$0x4], $0x8, s20, s31, $0xb8;
	[tilespmem:$0x1C800] =	vst v63  }
0xfd: {  	s17 =	simm.s32 $0x380;
	s20 =	simm.s32 $0x7E00  }
0xfe: {  	[spmem:s3] =	stream.indirect.scatter.add.f32 [tilespmem:s20], [sflag:$0x4], $0x8, s17, s31, $0xb8;
	[tilespmem:$0x1C800] =	vst v63  }
0xff: {  	_ =	swait.ge [sflag:s14], $0x1000  }
0x100: {  	[sflag:s14] =	ssyncset.done $0x0  }
0x101: {  	[sflag:s14] =	ssyncadd.s32 $0xFFFFF000  }
0x102: {  	_ =	swait.ge [sflag:s15], $0x1000  }
0x103: {  	[sflag:s15] =	ssyncset.done $0x0  }
0x104: {  	s17 =	simm.s32 $0x800;
	[sflag:s15] =	ssyncadd.s32 $0xFFFFF000  }
0x105: {  	s30 =	simm.s32 $0x0;
	v2 =	vld [tilespmem:s17+$0x0]  }
0x106: {  	v1 =	vmov s30  }
0x107: {  	v1 =	vshll.u32 v1, $0x3  }
0x108: {  	v5 =	vor.u32 v0, v1  }
0x109: {  	v6 =	vor.u32 $0x1, v5  }
0x10a: {  	v1 =	vor.u32 $0x3, v5;
	v3 =	vshll.u32 v2, $0x2  }
0x10b: {  	v2 =	vor.u32 $0x2, v5;
	v3 =	vand.u32 $0x4, v3  }
0x10c: {  	v3 =	vor.u32 v5, v3  }
0x10d: {  	v4 =	vld.idx.msk [tilespmem:v5+s1+$0x0], $0xffff;
	v7 =	vor.u32 $0x1, v3  }
0x10e: {  	v8 =	vld.idx.msk [tilespmem:v6+s1+$0x0], $0xffff;
	v9 =	vor.u32 $0x2, v3  }
0x10f: {  	v11 =	vld.idx.msk [tilespmem:v1+s1+$0x0], $0xffff;
	v10 =	vor.u32 $0x3, v3  }
0x110: {  	v12 =	vld.idx.msk [tilespmem:v2+s1+$0x0], $0xffff  }
0x111: {  	v3 =	vld.idx.msk [tilespmem:v3+s13+$0x0], $0xffff  }
0x112: {  	v7 =	vld.idx.msk [tilespmem:v7+s13+$0x0], $0xffff  }
0x113: {  	v9 =	vld.idx.msk [tilespmem:v9+s13+$0x0], $0xffff  }
0x114: {  	v10 =	vld.idx.msk [tilespmem:v10+s13+$0x0], $0xffff;
	_ =	sdelay $0x1  }
0x115: {  	v13 =	vsub.f32 v4, v3  }
0x116: {  	v3 =	vsub.f32 v8, v7  }
0x117: {  	v4 =	vsub.f32 v12, v9;
	v7 =	vmul.f32 v13, v13;
	v60 =	vmul.f32 $5.000000070e-02, v13  }
0x118: {  	v61 =	vsub.f32 v11, v10;
	v62 =	vmul.f32 v3, v3;
	v63 =	vmul.f32 $5.000000070e-02, v3  }
0x119: {  	v8 =	vadd.f32 v4, v60  }
0x11a: {  	v4 =	vadd.f32 v62, v7;
	v7 =	vadd.f32 v61, v63  }
0x11b: {  	[tilespmem:v5+s28+$0x0] =	vst.idx.msk $0xffff, v8  }
0x11c: {  	s20 =	simm.s32 $0x10;
	v5 =	vmul.f32 $-5.000000000e+00, v13;
	[tilespmem:v6+s28+$0x0] =	vst.idx.msk $0xffff, v7;
	(erf) = vrcp.f32 v4  }
.LBB2_11:
0x11d: {  	_ =	sdelay $0x4  }
0x11e: {  	p1 =	sne.s32 s20, $0x1F0  }
0x11f: {  	s17 =	sadd.s32 $0x10, s17;
	s8 =	smov.u32 s20;
	s20 =	sadd.s32 $0x10, s20  }
0x120: {  	v3 =	vmul.f32 $-5.000000000e+00, v3  }
0x121: {  	v6 =	vpop (erf)  }
0x122: {  	vm0 =	veq.f32 v4, $0.0e+00;
	v4 =	vmul.f32 v6, v5;
	v3 =	vmul.f32 v6, v3;
	_ =	sdelay $0x1  }
0x123: {  	v5 =	vmov s8;
	v4 =	vsel vm0, $0x0, v4;
	v3 =	vsel vm0, $0x0, v3  }
0x124: {  	v5 =	vshll.u32 v5, $0x3;
	[tilespmem:v2+s28+$0x0] =	vst.idx.msk $0xffff, v4  }
0x125: {  	v6 =	vor.u32 v0, v5;
	[tilespmem:v1+s28+$0x0] =	vst.idx.msk $0xffff, v3  }
0x126: {  	v7 =	vor.u32 $0x1, v6;
	v2 =	vld [tilespmem:s17+$0x0];
	_ =	sdelay $0x3  }
0x127: {  	v1 =	vor.u32 $0x3, v6;
	v3 =	vld.idx.msk [tilespmem:v6+s1+$0x0], $0xffff  }
0x128: {  	v4 =	vshll.u32 v2, $0x2;
	v5 =	vld.idx.msk [tilespmem:v7+s1+$0x0], $0xffff;
	v2 =	vor.u32 $0x2, v6  }
0x129: {  	v4 =	vand.u32 $0x4, v4  }
0x12a: {  	v4 =	vor.u32 v6, v4  }
0x12b: {  	v8 =	vor.u32 $0x1, v4;
	v9 =	vor.u32 $0x2, v4;
	v10 =	vor.u32 $0x3, v4;
	_ =	sdelay $0x1  }
0x12c: {  	v11 =	vld.idx.msk [tilespmem:v1+s1+$0x0], $0xffff  }
0x12d: {  	v12 =	vld.idx.msk [tilespmem:v2+s1+$0x0], $0xffff  }
0x12e: {  	v4 =	vld.idx.msk [tilespmem:v4+s13+$0x0], $0xffff  }
0x12f: {  	v8 =	vld.idx.msk [tilespmem:v8+s13+$0x0], $0xffff  }
0x130: {  	v9 =	vld.idx.msk [tilespmem:v9+s13+$0x0], $0xffff  }
0x131: {  	v10 =	vld.idx.msk [tilespmem:v10+s13+$0x0], $0xffff;
	_ =	sdelay $0x2  }
0x132: {  	v4 =	vsub.f32 v3, v4  }
0x133: {  	v3 =	vsub.f32 v5, v8  }
0x134: {  	v8 =	vsub.f32 v12, v9;
	v9 =	vmul.f32 v4, v4;
	v12 =	vmul.f32 $5.000000070e-02, v4  }
.Ltmp8:
0x135: {  	v10 =	vsub.f32 v11, v10;
	v11 =	vmul.f32 v3, v3;
	v13 =	vmul.f32 $5.000000070e-02, v3;
	(pc) =	sbr.rel @p1 .LBB2_11-.Ltmp8, $4  }
0x136: {  	v5 =	vmul.f32 $-5.000000000e+00, v4;
	v8 =	vadd.f32 v8, v12  }
0x137: {  	v4 =	vadd.f32 v11, v9;
	v9 =	vadd.f32 v10, v13  }
0x138: {  	[tilespmem:v6+s28+$0x0] =	vst.idx.msk $0xffff, v8  }
0x139: {  	[tilespmem:v7+s28+$0x0] =	vst.idx.msk $0xffff, v9;
	(erf) = vrcp.f32 v4  }
0x13a: {  	_ =	sdelay $0x7  }
0x13b: {  	v3 =	vmul.f32 $-5.000000000e+00, v3;
	v6 =	vpop (erf)  }
0x13c: {  	v5 =	vmul.f32 v6, v5  }
0x13d: {  	vm0 =	veq.f32 v4, $0.0e+00;
	v3 =	vmul.f32 v6, v3  }
0x13e: {  	v4 =	vsel vm0, $0x0, v5  }
0x13f: {  	v3 =	vsel vm0, $0x0, v3;
	[tilespmem:v2+s28+$0x0] =	vst.idx.msk $0xffff, v4  }
0x140: {  	[tilespmem:v1+s28+$0x0] =	vst.idx.msk $0xffff, v3  }
0x141: {  	[spmem:s3] =	stream.indirect.scatter.add.f32 [tilespmem:s28], [sflag:$0x5], $0x8, s10, s31, $0xb8;
	[tilespmem:$0x1C800] =	vst v63  }
0x142: {  	s8 =	simm.s32 $0x880;
	s16 =	simm.s32 $0x8600;
	s30 =	smul.u32 $0x3, s11  }
0x143: {  	[spmem:s3] =	stream.indirect.scatter.add.f32 [tilespmem:s16], [sflag:$0x5], $0x8, s8, s31, $0xb8;
	[tilespmem:$0x1C800] =	vst v63  }
0x144: {  	s17 =	simm.s32 $0x900;
	s20 =	simm.s32 $0x8A00;
	p1 =	sge.u32 s30, s19  }
0x145: {  	[spmem:s3] =	stream.indirect.scatter.add.f32 [tilespmem:s20], [sflag:$0x5], $0x8, s17, s31, $0xb8;
	[tilespmem:$0x1C800] =	vst v63  }
.Ltmp9:
0x146: {  	s20 =	rddreg [dreg:$0x12];
	(pc) =	sbr.rel @p1 .LBB2_16-.Ltmp9, $4  }
0x147: {  	s16 =	simm.s32 $0x980;
	s17 =	simm.s32 $0x8E00;
	s8 =	sadd.s32 s20, s30  }
0x148: {  	[spmem:s3] =	stream.indirect.scatter.add.f32 [tilespmem:s17], [sflag:$0x5], $0x8, s16, s31, $0xb8;
	[tilespmem:$0x1C800] =	vst v63  }
0x149: {  	s8 =	sshll.u32 s8, $0x6  }
0x14a: {  	s17 =	sand.u32 $0x1FFFFFC0, s8  }
0x14b: {  	s16 =	simm.s32 $0x4  }
0x14c: {  	_ =	swait.ge [sflag:s16], $0x1000  }
0x14d: {  	s8 =	sadd.s32 s7, s17;
	[sflag:s16] =	ssyncset.done $0x0  }
0x14e: {  	s20 =	sadd.s32 $0xC0, s8;
	[sflag:s16] =	ssyncadd.s32 $0xFFFFF000;
	s16 =	simm.s32 $0x0  }
0x14f: {  	[tilespmem:s16], [sflag:$0xA] =	stream.linear.gather [hbm4b:s20+s16], $0x200, $0x38;
	[tilespmem:$0x1C800] =	vst v63  }
0x150: {  	_ =	swait.ge [sflag:s24], $0x200  }
0x151: {  	[sflag:s24] =	ssyncset.done $0x0  }
0x152: {  	s8 =	sadd.s32 $0xC35C0, s8;
	s20 =	simm.s32 $0x200;
	[sflag:s24] =	ssyncadd.s32 $0xFFFFFE00  }
0x153: {  	[tilespmem:s20], [sflag:$0xA] =	stream.linear.gather [hbm4b:s8+s16], $0x200, $0x38;
	[tilespmem:$0x1C800] =	vst v63  }
0x154: {  	_ =	swait.ge [sflag:s24], $0x200  }
0x155: {  	[sflag:s24] =	ssyncset.done $0x0  }
0x156: {  	s8 =	simm.s32 $0x0;
	[sflag:s24] =	ssyncadd.s32 $0xFFFFFE00  }
0x157: {  	s20 =	simm.s32 $0x40;
	v1 =	vld [tilespmem:s8+$0x200]  }
.LBB2_14:
0x158: {  	p1 =	sne.s32 s20, $0x7C0  }
.Ltmp10:
0x159: {  	_ = 	snop;
	(pc) =	sbr.rel @p1 .LBB2_14-.Ltmp10, $3  }
0x15a: {  	_ =	sdelay $0x1  }
0x15b: {  	s16 =	sshra.s32 s20, $0x2;
	s20 =	sadd.s32 $0x40, s20;
	v2 =	vshra.s32 v1, $0x1  }
0x15c: {  	v1 =	vld [tilespmem:s16+$0x200];
	[tilespmem:s8+$0x400] =	vst v2;
	s8 =	smov.u32 s16  }
0x15d: {  	_ =	sdelay $0x3  }
0x15e: {  	v1 =	vshra.s32 v1, $0x1  }
0x15f: {  	s16 =	simm.s32 $0x0;
	[tilespmem:s8+$0x400] =	vst v1  }
0x160: {  	[tilespmem:s0], [sflag:$0x1] =	stream.indirect.gather [hbm4b:s6+s31], $0x8, s16, s31, $0xb8;
	[tilespmem:$0x1C800] =	vst v63  }
0x161: {  	s20 =	simm.s32 $0x400  }
0x162: {  	[tilespmem:s2], [sflag:$0x7] =	stream.indirect.gather [spmem:s4], $0x8, s20, s31, $0xb8;
	[tilespmem:$0x1C800] =	vst v63  }
0x163: {  	s16 =	simm.s32 $0x1600  }
0x164: {  	[tilespmem:s16], [sflag:$0x1] =	stream.indirect.gather [hbm4b:s6+s31], $0x8, s31, s31, $0xb8;
	[tilespmem:$0x1C800] =	vst v63  }
0x165: {  	s20 =	simm.s32 $0x480;
	s16 =	simm.s32 $0x2600  }
0x166: {  	[tilespmem:s16], [sflag:$0x7] =	stream.indirect.gather [spmem:s4], $0x8, s20, s31, $0xb8;
	[tilespmem:$0x1C800] =	vst v63  }
0x167: {  	s16 =	simm.s32 $0x100;
	s20 =	simm.s32 $0x1A00  }
0x168: {  	[tilespmem:s20], [sflag:$0x1] =	stream.indirect.gather [hbm4b:s6+s31], $0x8, s16, s31, $0xb8;
	[tilespmem:$0x1C800] =	vst v63  }
0x169: {  	s16 =	simm.s32 $0x500;
	s20 =	simm.s32 $0x2A00  }
0x16a: {  	[tilespmem:s20], [sflag:$0x7] =	stream.indirect.gather [spmem:s4], $0x8, s16, s31, $0xb8;
	[tilespmem:$0x1C800] =	vst v63  }
0x16b: {  	s16 =	simm.s32 $0x180;
	s20 =	simm.s32 $0x1E00  }
0x16c: {  	[tilespmem:s20], [sflag:$0x1] =	stream.indirect.gather [hbm4b:s6+s31], $0x8, s16, s31, $0xb8;
	[tilespmem:$0x1C800] =	vst v63  }
0x16d: {  	s16 =	simm.s32 $0x580;
	s20 =	simm.s32 $0x2E00  }
0x16e: {  	[tilespmem:s20], [sflag:$0x7] =	stream.indirect.gather [spmem:s4], $0x8, s16, s31, $0xb8;
	[tilespmem:$0x1C800] =	vst v63  }
.LBB2_16:
0x16f: {  	_ =	swait.ge [sflag:s5], $0x1000  }
0x170: {  	[sflag:s5] =	ssyncset.done $0x0  }
0x171: {  	[sflag:s5] =	ssyncadd.s32 $0xFFFFF000  }
0x172: {  	_ =	swait.ge [sflag:s9], $0x1000  }
0x173: {  	[sflag:s9] =	ssyncset.done $0x0  }
0x174: {  	s20 =	simm.s32 $0xE00;
	[sflag:s9] =	ssyncadd.s32 $0xFFFFF000  }
0x175: {  	s8 =	simm.s32 $0x0;
	v2 =	vld [tilespmem:s20+$0x0]  }
0x176: {  	v1 =	vmov s8  }
0x177: {  	v1 =	vshll.u32 v1, $0x3  }
0x178: {  	v5 =	vor.u32 v0, v1  }
0x179: {  	v6 =	vor.u32 $0x1, v5  }
0x17a: {  	v1 =	vor.u32 $0x3, v5;
	v3 =	vshll.u32 v2, $0x2  }
0x17b: {  	v2 =	vor.u32 $0x2, v5;
	v3 =	vand.u32 $0x4, v3  }
0x17c: {  	v3 =	vor.u32 v5, v3  }
0x17d: {  	v4 =	vld.idx.msk [tilespmem:v5+s18+$0x0], $0xffff;
	v7 =	vor.u32 $0x1, v3  }
0x17e: {  	v8 =	vld.idx.msk [tilespmem:v6+s18+$0x0], $0xffff;
	v9 =	vor.u32 $0x2, v3  }
0x17f: {  	v11 =	vld.idx.msk [tilespmem:v1+s18+$0x0], $0xffff;
	v10 =	vor.u32 $0x3, v3  }
0x180: {  	v12 =	vld.idx.msk [tilespmem:v2+s18+$0x0], $0xffff  }
0x181: {  	v3 =	vld.idx.msk [tilespmem:v3+s23+$0x0], $0xffff  }
0x182: {  	v7 =	vld.idx.msk [tilespmem:v7+s23+$0x0], $0xffff  }
0x183: {  	v9 =	vld.idx.msk [tilespmem:v9+s23+$0x0], $0xffff  }
0x184: {  	v10 =	vld.idx.msk [tilespmem:v10+s23+$0x0], $0xffff;
	_ =	sdelay $0x1  }
0x185: {  	v13 =	vsub.f32 v4, v3  }
0x186: {  	v3 =	vsub.f32 v8, v7  }
0x187: {  	v4 =	vsub.f32 v12, v9;
	v7 =	vmul.f32 v13, v13;
	v60 =	vmul.f32 $5.000000070e-02, v13  }
0x188: {  	v61 =	vsub.f32 v11, v10;
	v62 =	vmul.f32 v3, v3;
	v63 =	vmul.f32 $5.000000070e-02, v3  }
0x189: {  	v8 =	vadd.f32 v4, v60  }
0x18a: {  	v4 =	vadd.f32 v62, v7;
	v7 =	vadd.f32 v61, v63  }
0x18b: {  	[tilespmem:v5+s29+$0x0] =	vst.idx.msk $0xffff, v8  }
0x18c: {  	s8 =	simm.s32 $0x10;
	v5 =	vmul.f32 $-5.000000000e+00, v13;
	[tilespmem:v6+s29+$0x0] =	vst.idx.msk $0xffff, v7;
	(erf) = vrcp.f32 v4  }
.LBB2_17:
0x18d: {  	_ =	sdelay $0x4  }
0x18e: {  	p1 =	sne.s32 s8, $0x1F0  }
0x18f: {  	s20 =	sadd.s32 $0x10, s20;
	s16 =	smov.u32 s8;
	s8 =	sadd.s32 $0x10, s8  }
0x190: {  	v3 =	vmul.f32 $-5.000000000e+00, v3  }
0x191: {  	v6 =	vpop (erf)  }
0x192: {  	vm0 =	veq.f32 v4, $0.0e+00;
	v4 =	vmul.f32 v6, v5;
	v3 =	vmul.f32 v6, v3;
	_ =	sdelay $0x1  }
0x193: {  	v5 =	vmov s16;
	v4 =	vsel vm0, $0x0, v4;
	v3 =	vsel vm0, $0x0, v3  }
0x194: {  	v5 =	vshll.u32 v5, $0x3;
	[tilespmem:v2+s29+$0x0] =	vst.idx.msk $0xffff, v4  }
0x195: {  	v6 =	vor.u32 v0, v5;
	[tilespmem:v1+s29+$0x0] =	vst.idx.msk $0xffff, v3  }
0x196: {  	v7 =	vor.u32 $0x1, v6;
	v2 =	vld [tilespmem:s20+$0x0];
	_ =	sdelay $0x3  }
0x197: {  	v1 =	vor.u32 $0x3, v6;
	v3 =	vld.idx.msk [tilespmem:v6+s18+$0x0], $0xffff  }
0x198: {  	v4 =	vshll.u32 v2, $0x2;
	v5 =	vld.idx.msk [tilespmem:v7+s18+$0x0], $0xffff;
	v2 =	vor.u32 $0x2, v6  }
0x199: {  	v4 =	vand.u32 $0x4, v4  }
0x19a: {  	v4 =	vor.u32 v6, v4  }
0x19b: {  	v8 =	vor.u32 $0x1, v4;
	v9 =	vor.u32 $0x2, v4;
	v10 =	vor.u32 $0x3, v4;
	_ =	sdelay $0x1  }
0x19c: {  	v11 =	vld.idx.msk [tilespmem:v1+s18+$0x0], $0xffff  }
0x19d: {  	v12 =	vld.idx.msk [tilespmem:v2+s18+$0x0], $0xffff  }
0x19e: {  	v4 =	vld.idx.msk [tilespmem:v4+s23+$0x0], $0xffff  }
0x19f: {  	v8 =	vld.idx.msk [tilespmem:v8+s23+$0x0], $0xffff  }
0x1a0: {  	v9 =	vld.idx.msk [tilespmem:v9+s23+$0x0], $0xffff  }
0x1a1: {  	v10 =	vld.idx.msk [tilespmem:v10+s23+$0x0], $0xffff;
	_ =	sdelay $0x2  }
0x1a2: {  	v4 =	vsub.f32 v3, v4  }
0x1a3: {  	v3 =	vsub.f32 v5, v8  }
0x1a4: {  	v8 =	vsub.f32 v12, v9;
	v9 =	vmul.f32 v4, v4;
	v12 =	vmul.f32 $5.000000070e-02, v4  }
.Ltmp11:
0x1a5: {  	v10 =	vsub.f32 v11, v10;
	v11 =	vmul.f32 v3, v3;
	v13 =	vmul.f32 $5.000000070e-02, v3;
	(pc) =	sbr.rel @p1 .LBB2_17-.Ltmp11, $4  }
0x1a6: {  	v5 =	vmul.f32 $-5.000000000e+00, v4;
	v8 =	vadd.f32 v8, v12  }
0x1a7: {  	v4 =	vadd.f32 v11, v9;
	v9 =	vadd.f32 v10, v13  }
0x1a8: {  	[tilespmem:v6+s29+$0x0] =	vst.idx.msk $0xffff, v8  }
0x1a9: {  	[tilespmem:v7+s29+$0x0] =	vst.idx.msk $0xffff, v9;
	(erf) = vrcp.f32 v4  }
0x1aa: {  	_ =	sdelay $0x7  }
0x1ab: {  	v3 =	vmul.f32 $-5.000000000e+00, v3;
	v6 =	vpop (erf)  }
0x1ac: {  	v5 =	vmul.f32 v6, v5  }
0x1ad: {  	vm0 =	veq.f32 v4, $0.0e+00;
	v3 =	vmul.f32 v6, v3  }
0x1ae: {  	v4 =	vsel vm0, $0x0, v5  }
0x1af: {  	v3 =	vsel vm0, $0x0, v3;
	[tilespmem:v2+s29+$0x0] =	vst.idx.msk $0xffff, v4  }
0x1b0: {  	s8 =	simm.s32 $0xE00;
	[tilespmem:v1+s29+$0x0] =	vst.idx.msk $0xffff, v3  }
0x1b1: {  	[spmem:s3] =	stream.indirect.scatter.add.f32 [tilespmem:s29], [sflag:$0x6], $0x8, s8, s31, $0xb8;
	[tilespmem:$0x1C800] =	vst v63  }
0x1b2: {  	s20 =	simm.s32 $0xE80;
	s16 =	simm.s32 $0x9600;
	p1 =	sge.u32 s30, s21  }
0x1b3: {  	[spmem:s3] =	stream.indirect.scatter.add.f32 [tilespmem:s16], [sflag:$0x6], $0x8, s20, s31, $0xb8;
	[tilespmem:$0x1C800] =	vst v63  }
.Ltmp12:
0x1b4: {  	_ = 	snop;
	(pc) =	sbr.rel @p1 .LBB2_22-.Ltmp12, $4  }
0x1b5: {  	s16 =	simm.s32 $0xF00;
	s20 =	simm.s32 $0x9A00  }
0x1b6: {  	[spmem:s3] =	stream.indirect.scatter.add.f32 [tilespmem:s20], [sflag:$0x6], $0x8, s16, s31, $0xb8;
	[tilespmem:$0x1C800] =	vst v63  }
0x1b7: {  	s16 =	simm.s32 $0xF80;
	s20 =	simm.s32 $0x9E00  }
0x1b8: {  	[spmem:s3] =	stream.indirect.scatter.add.f32 [tilespmem:s20], [sflag:$0x6], $0x8, s16, s31, $0xb8;
	[tilespmem:$0x1C800] =	vst v63  }
0x1b9: {  	s10 =	simm.s32 $0x5  }
0x1ba: {  	_ =	swait.ge [sflag:s10], $0x1000  }
0x1bb: {  	s8 =	sadd.s32 s7, s17;
	s20 =	simm.s32 $0x0;
	[sflag:s10] =	ssyncset.done $0x0  }
0x1bc: {  	s16 =	sadd.s32 $0x100, s8;
	[sflag:s10] =	ssyncadd.s32 $0xFFFFF000;
	s10 =	simm.s32 $0x600  }
0x1bd: {  	[tilespmem:s10], [sflag:$0xA] =	stream.linear.gather [hbm4b:s16+s20], $0x200, $0x38;
	[tilespmem:$0x1C800] =	vst v63  }
0x1be: {  	_ =	swait.ge [sflag:s24], $0x200  }
0x1bf: {  	[sflag:s24] =	ssyncset.done $0x0  }
0x1c0: {  	s8 =	sadd.s32 $0xC3600, s8;
	s10 =	simm.s32 $0x800;
	[sflag:s24] =	ssyncadd.s32 $0xFFFFFE00  }
0x1c1: {  	[tilespmem:s10], [sflag:$0xA] =	stream.linear.gather [hbm4b:s8+s20], $0x200, $0x38;
	[tilespmem:$0x1C800] =	vst v63  }
0x1c2: {  	_ =	swait.ge [sflag:s24], $0x200  }
0x1c3: {  	[sflag:s24] =	ssyncset.done $0x0  }
0x1c4: {  	s8 =	simm.s32 $0x0;
	[sflag:s24] =	ssyncadd.s32 $0xFFFFFE00  }
0x1c5: {  	s20 =	simm.s32 $0x40;
	v1 =	vld [tilespmem:s8+$0x800]  }
.LBB2_20:
0x1c6: {  	p1 =	sne.s32 s20, $0x7C0  }
.Ltmp13:
0x1c7: {  	_ = 	snop;
	(pc) =	sbr.rel @p1 .LBB2_20-.Ltmp13, $3  }
0x1c8: {  	_ =	sdelay $0x1  }
0x1c9: {  	s16 =	sshra.s32 s20, $0x2;
	s20 =	sadd.s32 $0x40, s20;
	v2 =	vshra.s32 v1, $0x1  }
0x1ca: {  	v1 =	vld [tilespmem:s16+$0x800];
	[tilespmem:s8+$0xA00] =	vst v2;
	s8 =	smov.u32 s16  }
0x1cb: {  	_ =	sdelay $0x3  }
0x1cc: {  	v1 =	vshra.s32 v1, $0x1  }
0x1cd: {  	s20 =	simm.s32 $0x600;
	[tilespmem:s8+$0xA00] =	vst v1  }
0x1ce: {  	[tilespmem:s1], [sflag:$0x2] =	stream.indirect.gather [hbm4b:s6+s31], $0x8, s20, s31, $0xb8;
	[tilespmem:$0x1C800] =	vst v63  }
0x1cf: {  	s16 =	simm.s32 $0xA00  }
0x1d0: {  	[tilespmem:s13], [sflag:$0x8] =	stream.indirect.gather [spmem:s4], $0x8, s16, s31, $0xb8;
	[tilespmem:$0x1C800] =	vst v63  }
0x1d1: {  	s20 =	simm.s32 $0x680;
	s16 =	simm.s32 $0x3600  }
0x1d2: {  	[tilespmem:s16], [sflag:$0x2] =	stream.indirect.gather [hbm4b:s6+s31], $0x8, s20, s31, $0xb8;
	[tilespmem:$0x1C800] =	vst v63  }
0x1d3: {  	s16 =	simm.s32 $0xA80;
	s20 =	simm.s32 $0x4600  }
0x1d4: {  	[tilespmem:s20], [sflag:$0x8] =	stream.indirect.gather [spmem:s4], $0x8, s16, s31, $0xb8;
	[tilespmem:$0x1C800] =	vst v63  }
0x1d5: {  	s16 =	simm.s32 $0x700;
	s20 =	simm.s32 $0x3A00  }
0x1d6: {  	[tilespmem:s20], [sflag:$0x2] =	stream.indirect.gather [hbm4b:s6+s31], $0x8, s16, s31, $0xb8;
	[tilespmem:$0x1C800] =	vst v63  }
0x1d7: {  	s16 =	simm.s32 $0xB00;
	s20 =	simm.s32 $0x4A00  }
0x1d8: {  	[tilespmem:s20], [sflag:$0x8] =	stream.indirect.gather [spmem:s4], $0x8, s16, s31, $0xb8;
	[tilespmem:$0x1C800] =	vst v63  }
0x1d9: {  	s16 =	simm.s32 $0x780;
	s20 =	simm.s32 $0x3E00  }
0x1da: {  	[tilespmem:s20], [sflag:$0x2] =	stream.indirect.gather [hbm4b:s6+s31], $0x8, s16, s31, $0xb8;
	[tilespmem:$0x1C800] =	vst v63  }
0x1db: {  	s16 =	simm.s32 $0xB80;
	s20 =	simm.s32 $0x4E00  }
0x1dc: {  	[tilespmem:s20], [sflag:$0x8] =	stream.indirect.gather [spmem:s4], $0x8, s16, s31, $0xb8;
	[tilespmem:$0x1C800] =	vst v63  }
.LBB2_22:
0x1dd: {  	p1 =	sge.u32 s30, s22  }
.Ltmp14:
0x1de: {  	_ = 	snop;
	(pc) =	sbr.rel @p1 .LBB2_26-.Ltmp14, $1  }
0x1df: {  	_ =	sdelay $0x3  }
0x1e0: {  	s16 =	simm.s32 $0x6  }
0x1e1: {  	_ =	swait.ge [sflag:s16], $0x1000  }
0x1e2: {  	s8 =	sadd.s32 s7, s17;
	s17 =	simm.s32 $0x0;
	[sflag:s16] =	ssyncset.done $0x0  }
0x1e3: {  	s20 =	simm.s32 $0xC00;
	s30 =	sadd.s32 $0x140, s8;
	[sflag:s16] =	ssyncadd.s32 $0xFFFFF000  }
0x1e4: {  	[tilespmem:s20], [sflag:$0xA] =	stream.linear.gather [hbm4b:s30+s17], $0x200, $0x38;
	[tilespmem:$0x1C800] =	vst v63  }
0x1e5: {  	_ =	swait.ge [sflag:s24], $0x200  }
0x1e6: {  	[sflag:s24] =	ssyncset.done $0x0  }
0x1e7: {  	s8 =	sadd.s32 $0xC3640, s8;
	s30 =	simm.s32 $0xE00;
	[sflag:s24] =	ssyncadd.s32 $0xFFFFFE00  }
0x1e8: {  	[tilespmem:s30], [sflag:$0xA] =	stream.linear.gather [hbm4b:s8+s17], $0x200, $0x38;
	[tilespmem:$0x1C800] =	vst v63  }
0x1e9: {  	_ =	swait.ge [sflag:s24], $0x200  }
0x1ea: {  	[sflag:s24] =	ssyncset.done $0x0  }
0x1eb: {  	s8 =	simm.s32 $0x0;
	[sflag:s24] =	ssyncadd.s32 $0xFFFFFE00  }
0x1ec: {  	s17 =	simm.s32 $0x40;
	v1 =	vld [tilespmem:s8+$0xE00]  }
.LBB2_24:
0x1ed: {  	p1 =	sne.s32 s17, $0x7C0  }
.Ltmp15:
0x1ee: {  	_ = 	snop;
	(pc) =	sbr.rel @p1 .LBB2_24-.Ltmp15, $3  }
0x1ef: {  	_ =	sdelay $0x1  }
0x1f0: {  	s16 =	sshra.s32 s17, $0x2;
	s17 =	sadd.s32 $0x40, s17;
	v2 =	vshra.s32 v1, $0x1  }
0x1f1: {  	v1 =	vld [tilespmem:s16+$0xE00];
	[tilespmem:s8+$0x1000] =	vst v2;
	s8 =	smov.u32 s16  }
0x1f2: {  	_ =	sdelay $0x3  }
0x1f3: {  	v1 =	vshra.s32 v1, $0x1  }
0x1f4: {  	s30 =	simm.s32 $0xC00;
	[tilespmem:s8+$0x1000] =	vst v1  }
0x1f5: {  	[tilespmem:s18], [sflag:$0x3] =	stream.indirect.gather [hbm4b:s6+s31], $0x8, s30, s31, $0xb8;
	[tilespmem:$0x1C800] =	vst v63  }
0x1f6: {  	s16 =	simm.s32 $0x1000  }
0x1f7: {  	[tilespmem:s23], [sflag:$0x9] =	stream.indirect.gather [spmem:s4], $0x8, s16, s31, $0xb8;
	[tilespmem:$0x1C800] =	vst v63  }
0x1f8: {  	s17 =	simm.s32 $0xC80;
	s16 =	simm.s32 $0x5600  }
0x1f9: {  	[tilespmem:s16], [sflag:$0x3] =	stream.indirect.gather [hbm4b:s6+s31], $0x8, s17, s31, $0xb8;
	[tilespmem:$0x1C800] =	vst v63  }
0x1fa: {  	s20 =	simm.s32 $0x1080;
	s30 =	simm.s32 $0x6600  }
0x1fb: {  	[tilespmem:s30], [sflag:$0x9] =	stream.indirect.gather [spmem:s4], $0x8, s20, s31, $0xb8;
	[tilespmem:$0x1C800] =	vst v63  }
0x1fc: {  	s16 =	simm.s32 $0xD00;
	s17 =	simm.s32 $0x5A00  }
0x1fd: {  	[tilespmem:s17], [sflag:$0x3] =	stream.indirect.gather [hbm4b:s6+s31], $0x8, s16, s31, $0xb8;
	[tilespmem:$0x1C800] =	vst v63  }
0x1fe: {  	s20 =	simm.s32 $0x1100;
	s30 =	simm.s32 $0x6A00  }
0x1ff: {  	[tilespmem:s30], [sflag:$0x9] =	stream.indirect.gather [spmem:s4], $0x8, s20, s31, $0xb8;
	[tilespmem:$0x1C800] =	vst v63  }
.Ltmp16:
0x200: {  	_ = 	snop;
	(pc) =	sbr.rel .LBB2_26-.Ltmp16, $4  }
0x201: {  	s16 =	simm.s32 $0xD80;
	s17 =	simm.s32 $0x5E00  }
0x202: {  	[tilespmem:s17], [sflag:$0x3] =	stream.indirect.gather [hbm4b:s6+s31], $0x8, s16, s31, $0xb8;
	[tilespmem:$0x1C800] =	vst v63  }
0x203: {  	s20 =	simm.s32 $0x1180;
	s30 =	simm.s32 $0x6E00  }
0x204: {  	[tilespmem:s30], [sflag:$0x9] =	stream.indirect.gather [spmem:s4], $0x8, s20, s31, $0xb8;
	[tilespmem:$0x1C800] =	vst v63  }
.LBB2_27:
.Ltmp17:
0x205: {  	(pc) =	sbr.rel @p0 .LBB2_31-.Ltmp17, $3  }
0x206: {  	_ =	sdelay $0x1  }
0x207: {  	s17 =	rddreg [dreg:$0x7]  }
0x208: {  	s10 =	rddreg [dreg:$0x13]  }
0x209: {  	_ =	swait.ge [sflag:s25], $0x1000  }
0x20a: {  	[sflag:s25] =	ssyncset.done $0x0  }
0x20b: {  	[sflag:s25] =	ssyncadd.s32 $0xFFFFF000  }
0x20c: {  	_ =	swait.ge [sflag:s12], $0x1000  }
0x20d: {  	[sflag:s12] =	ssyncset.done $0x0  }
0x20e: {  	s11 =	simm.s32 $0x200;
	[sflag:s12] =	ssyncadd.s32 $0xFFFFF000  }
0x20f: {  	s8 =	simm.s32 $0x0;
	v2 =	vld [tilespmem:s11+$0x0]  }
0x210: {  	v1 =	vmov s8  }
0x211: {  	v1 =	vshll.u32 v1, $0x3  }
0x212: {  	v5 =	vor.u32 v0, v1  }
0x213: {  	v6 =	vor.u32 $0x1, v5  }
0x214: {  	v1 =	vor.u32 $0x3, v5;
	v3 =	vshll.u32 v2, $0x2  }
0x215: {  	v2 =	vor.u32 $0x2, v5;
	v3 =	vand.u32 $0x4, v3  }
0x216: {  	v3 =	vor.u32 v5, v3  }
0x217: {  	v4 =	vld.idx.msk [tilespmem:v5+s0+$0x0], $0xffff;
	v7 =	vor.u32 $0x1, v3  }
0x218: {  	v8 =	vld.idx.msk [tilespmem:v6+s0+$0x0], $0xffff;
	v9 =	vor.u32 $0x2, v3  }
0x219: {  	v11 =	vld.idx.msk [tilespmem:v1+s0+$0x0], $0xffff;
	v10 =	vor.u32 $0x3, v3  }
0x21a: {  	v12 =	vld.idx.msk [tilespmem:v2+s0+$0x0], $0xffff  }
0x21b: {  	v3 =	vld.idx.msk [tilespmem:v3+s2+$0x0], $0xffff  }
0x21c: {  	v7 =	vld.idx.msk [tilespmem:v7+s2+$0x0], $0xffff  }
0x21d: {  	v9 =	vld.idx.msk [tilespmem:v9+s2+$0x0], $0xffff  }
0x21e: {  	v10 =	vld.idx.msk [tilespmem:v10+s2+$0x0], $0xffff;
	_ =	sdelay $0x1  }
0x21f: {  	v13 =	vsub.f32 v4, v3  }
0x220: {  	v3 =	vsub.f32 v8, v7  }
0x221: {  	v4 =	vsub.f32 v12, v9;
	v7 =	vmul.f32 v13, v13;
	v60 =	vmul.f32 $5.000000070e-02, v13  }
0x222: {  	v61 =	vsub.f32 v11, v10;
	v62 =	vmul.f32 v3, v3;
	v63 =	vmul.f32 $5.000000070e-02, v3  }
0x223: {  	v8 =	vadd.f32 v4, v60  }
0x224: {  	v4 =	vadd.f32 v62, v7;
	v7 =	vadd.f32 v61, v63  }
0x225: {  	[tilespmem:v5+s26+$0x0] =	vst.idx.msk $0xffff, v8  }
0x226: {  	s8 =	simm.s32 $0x10;
	v5 =	vmul.f32 $-5.000000000e+00, v13;
	[tilespmem:v6+s26+$0x0] =	vst.idx.msk $0xffff, v7;
	(erf) = vrcp.f32 v4  }
.LBB2_29:
0x227: {  	_ =	sdelay $0x4  }
0x228: {  	p1 =	sne.s32 s8, $0x1F0  }
0x229: {  	s11 =	sadd.s32 $0x10, s11;
	s16 =	smov.u32 s8;
	s8 =	sadd.s32 $0x10, s8  }
0x22a: {  	v3 =	vmul.f32 $-5.000000000e+00, v3  }
0x22b: {  	v6 =	vpop (erf)  }
0x22c: {  	vm0 =	veq.f32 v4, $0.0e+00;
	v4 =	vmul.f32 v6, v5;
	v3 =	vmul.f32 v6, v3;
	_ =	sdelay $0x1  }
0x22d: {  	v5 =	vmov s16;
	v4 =	vsel vm0, $0x0, v4;
	v3 =	vsel vm0, $0x0, v3  }
0x22e: {  	v5 =	vshll.u32 v5, $0x3;
	[tilespmem:v2+s26+$0x0] =	vst.idx.msk $0xffff, v4  }
0x22f: {  	v6 =	vor.u32 v0, v5;
	[tilespmem:v1+s26+$0x0] =	vst.idx.msk $0xffff, v3  }
0x230: {  	v7 =	vor.u32 $0x1, v6;
	v2 =	vld [tilespmem:s11+$0x0];
	_ =	sdelay $0x3  }
0x231: {  	v1 =	vor.u32 $0x3, v6;
	v3 =	vld.idx.msk [tilespmem:v6+s0+$0x0], $0xffff  }
0x232: {  	v4 =	vshll.u32 v2, $0x2;
	v5 =	vld.idx.msk [tilespmem:v7+s0+$0x0], $0xffff;
	v2 =	vor.u32 $0x2, v6  }
0x233: {  	v4 =	vand.u32 $0x4, v4  }
0x234: {  	v4 =	vor.u32 v6, v4  }
0x235: {  	v8 =	vor.u32 $0x1, v4;
	v9 =	vor.u32 $0x2, v4;
	v10 =	vor.u32 $0x3, v4;
	_ =	sdelay $0x1  }
0x236: {  	v11 =	vld.idx.msk [tilespmem:v1+s0+$0x0], $0xffff  }
0x237: {  	v12 =	vld.idx.msk [tilespmem:v2+s0+$0x0], $0xffff  }
0x238: {  	v4 =	vld.idx.msk [tilespmem:v4+s2+$0x0], $0xffff  }
0x239: {  	v8 =	vld.idx.msk [tilespmem:v8+s2+$0x0], $0xffff  }
0x23a: {  	v9 =	vld.idx.msk [tilespmem:v9+s2+$0x0], $0xffff  }
0x23b: {  	v10 =	vld.idx.msk [tilespmem:v10+s2+$0x0], $0xffff;
	_ =	sdelay $0x2  }
0x23c: {  	v4 =	vsub.f32 v3, v4  }
0x23d: {  	v3 =	vsub.f32 v5, v8  }
0x23e: {  	v8 =	vsub.f32 v12, v9;
	v9 =	vmul.f32 v4, v4;
	v12 =	vmul.f32 $5.000000070e-02, v4  }
.Ltmp18:
0x23f: {  	v10 =	vsub.f32 v11, v10;
	v11 =	vmul.f32 v3, v3;
	v13 =	vmul.f32 $5.000000070e-02, v3;
	(pc) =	sbr.rel @p1 .LBB2_29-.Ltmp18, $4  }
0x240: {  	v5 =	vmul.f32 $-5.000000000e+00, v4;
	v8 =	vadd.f32 v8, v12  }
0x241: {  	v4 =	vadd.f32 v11, v9;
	v9 =	vadd.f32 v10, v13  }
0x242: {  	[tilespmem:v6+s26+$0x0] =	vst.idx.msk $0xffff, v8  }
0x243: {  	[tilespmem:v7+s26+$0x0] =	vst.idx.msk $0xffff, v9;
	(erf) = vrcp.f32 v4  }
0x244: {  	_ =	sdelay $0x7  }
0x245: {  	v3 =	vmul.f32 $-5.000000000e+00, v3;
	v6 =	vpop (erf)  }
0x246: {  	v5 =	vmul.f32 v6, v5  }
0x247: {  	vm0 =	veq.f32 v4, $0.0e+00;
	v3 =	vmul.f32 v6, v3  }
0x248: {  	v4 =	vsel vm0, $0x0, v5  }
0x249: {  	v3 =	vsel vm0, $0x0, v3;
	[tilespmem:v2+s26+$0x0] =	vst.idx.msk $0xffff, v4  }
0x24a: {  	s8 =	simm.s32 $0x200;
	[tilespmem:v1+s26+$0x0] =	vst.idx.msk $0xffff, v3  }
0x24b: {  	[spmem:s3] =	stream.indirect.scatter.add.f32 [tilespmem:s26], [sflag:$0x4], $0x8, s8, s31, $0xb8;
	[tilespmem:$0x1C800] =	vst v63  }
0x24c: {  	s30 =	simm.s32 $0x280;
	s10 =	simm.s32 $0x7600  }
0x24d: {  	[spmem:s3] =	stream.indirect.scatter.add.f32 [tilespmem:s10], [sflag:$0x4], $0x8, s30, s31, $0xb8;
	[tilespmem:$0x1C800] =	vst v63  }
.Ltmp19:
0x24e: {  	_ = 	snop;
	(pc) =	sbr.rel .LBB2_31-.Ltmp19, $4  }
0x24f: {  	s11 =	simm.s32 $0x300;
	s16 =	simm.s32 $0x7A00  }
0x250: {  	[spmem:s3] =	stream.indirect.scatter.add.f32 [tilespmem:s16], [sflag:$0x4], $0x8, s11, s31, $0xb8;
	[tilespmem:$0x1C800] =	vst v63  }
0x251: {  	s20 =	simm.s32 $0x380;
	s30 =	simm.s32 $0x7E00;
	s10 =	rddreg [dreg:$0x13]  }
0x252: {  	[spmem:s3] =	stream.indirect.scatter.add.f32 [tilespmem:s30], [sflag:$0x4], $0x8, s20, s31, $0xb8;
	[tilespmem:$0x1C800] =	vst v63  }
.LBB2_32:
0x253: {  	_ =	sfence.sel $0x180000  }
0x254: {  	[bflag:$0x0] =	sbarrier.arrive $0xFFFF  }
0x255: {  	_ =	strace $0x9000004A  }
0x256: {  	s0 =	stileid.u32;
	[bflag:$0x2] =	sbarrier.arrive $0xFFFF  }
0x257: {  	p0 =	sne.s32 s0, $0x0;
	s0 =	rddreg [dreg:$0x4]  }
0x258: {  	s0 =	sadd.s32 @!p0 $0x100000, s0  }
0x259: {  	[sflag:s0] =	ssyncadd.tile.s32 @!p0 $0x1;
	_ =	shalt  }
.Lfunc_end2:
_tile_overlayer_lowered:
.L_overlay_start_2:
0x25a: {  	(tag) =	ssettag $0x2  }
0x25b: {  	s0 =	rddreg [dreg:$0x0];
	s2 =	stileid.u32  }
0x25c: {  	s1 =	rddreg [dreg:$0x1];
	p0 =	sne.s32 s2, $0x0  }
0x25d: {  	s3 =	rddreg [dreg:$0x2];
	[bflag:$0x3] =	sbarrier.arrive $0xFFFF;
	s2 =	simm.s32 @!p0 $0x1C0A  }
0x25e: {  	[timem:s3], [sflag:s2] =	dma.local @!p0 [hbm:s0], s1  }
0x25f: {  	s0 =	simm.s32 @!p0 $0xA  }
0x260: {  	_ =	swait.ge @!p0 [sflag:s0], s1  }
0x261: {  	s1 =	ssub.s32 @!p0 $0x0, s1;
	[sflag:s0] =	ssyncset.done @!p0 $0x0  }
0x262: {  	[sflag:s0] =	ssyncadd.s32 @!p0 s1  }
0x263: {  	[bflag:$0x3] =	sbarrier.arrive $0xFFFF  }
0x264: {  	_ =	shalt  }

// kernel: _run.7.cloned.1.call-start
scs
__scs_entry_jumppad:
0x0: {  	(pc) =	sbr.rel $0x88, $3  }
0x1: {  	(tag) =	ssettag $0x0;
	lr =	simm.s32 $0x1  }
0x2: {  	[smem:$0x3F9E] =	sst lr;
	_ =	strace $0xD0000000  }
0x3: {  	_ = 	snop  }
0x4: {  	_ = 	snop  }
0x5: {  	_ = 	snop  }
0x6: {  	_ = 	snop  }
0x7: {  	_ = 	snop  }
__scs_overlays_trampoline_lowered:
0x8: {  	[smem:$0x3FAD] =	sst s0  }
0x9: {  	[smem:$0x3FAE] =	sst s1  }
0xa: {  	[smem:$0x3FAF] =	sst s2  }
0xb: {  	[smem:$0x3FB0] =	sst s3  }
0xc: {  	[smem:$0x3FB1] =	sst s4  }
0xd: {  	[smem:$0x3FB2] =	sst s5  }
0xe: {  	[smem:$0x3FB3] =	sst s6  }
0xf: {  	[smem:$0x3FB4] =	sst s7  }
0x10: {  	[smem:$0x3FB5] =	sst s8  }
0x11: {  	[smem:$0x3FB6] =	sst s9;
	s0 =	simm.s32 @!p0 $0x0  }
0x12: {  	s1 =	sld [smem:$0x3F9C];
	s0 =	simm.s32 @p0 $0x1  }
0x13: {  	[smem:$0x3FB7] =	sst s0;
	s0 =	simm.s32 @!p1 $0x0  }
0x14: {  	s2 =	sld [smem:$0x3F9B];
	s0 =	simm.s32 @p1 $0x1  }
0x15: {  	[smem:$0x3FB8] =	sst s0;
	s0 =	simm.s32 @!p2 $0x0  }
0x16: {  	s3 =	sld [smem:$0x3FDB];
	s0 =	simm.s32 @p2 $0x1  }
0x17: {  	s4 =	simm.s32 $0x1BF5;
	[smem:$0x3FBA] =	sst s0  }
0x18: {  	s0 =	sld [smem:$0x3F9D];
	_ =	swait.ge [sflag:s4], $0x0  }
0x19: {  	s7 =	sld [smem:$0x3F9E]  }
0x1a: {  	s8 =	sadd.s32 $0xFFFFE003, lr  }
0x1b: {  	s9 =	sadd.s32 $0xFFFFFEF7, lr;
	s5 =	simm.s32 $0xFFFFFFFF;
	p2 =	slt.u32 s8, $0xFFFFF086  }
0x1c: {  	p1 =	slt.u32 s9, $0xF7A;
	s5 =	simm.s32 @!p2 $0x0  }
0x1d: {  	s5 =	simm.s32 @p1 $0x1;
	p0 =	seq.s32 s7, s2  }
0x1e: {  	s7 =	smul.u32 @!p0 $0xF7A, s2;
	p2 =	seq.s32 @!p0 s5, $0x0  }
0x1f: {  	s9 =	smul.u32 $0xF7A, s1;
	s8 =	simm.s32 @!p0 $0x1BF5;
	p2 =	por !p2, p0  }
0x20: {  	[sflag:s8] =	ssyncset.s32 @!p0 $0xFFFFF086;
	s6 =	sadd.s32 @!p0 s3, s7;
	s7 =	simm.s32 @!p0 $0x108  }
0x21: {  	s3 =	sadd.s32 s3, s9;
	s6 =	sadd.s32 @!p0 $0x88, s6;
	s7 =	simm.s32 @p2 $0x1082  }
0x22: {  	[simem:s7], [sflag:s8] =	dma.local @!p0 [hbm:s6], $0xF7A  }
0x23: {  	s9 =	sor.u32 $0xD0000000, s2;
	s6 =	simm.s32 $0x108;
	_ =	swait.ge @!p0 [sflag:s8], $0x0  }
0x24: {  	s3 =	sadd.s32 $0x88, s3;
	s6 =	simm.s32 @!p1 $0x1082;
	[sflag:s4] =	ssyncset.s32 $0xFFFFF086  }
0x25: {  	[simem:s6], [sflag:s4] =	dma.local [hbm:s3], $0xF7A  }
0x26: {  	[smem:$0x3F9E] =	sst s1;
	(tag) =	ssettag s2;
	_ =	strace s9  }
0x27: {  	s1 =	sld [smem:$0x3FAE]  }
0x28: {  	s2 =	sld [smem:$0x3FAF]  }
0x29: {  	s4 =	sld [smem:$0x3FB1]  }
0x2a: {  	p0 =	seq.s32 s5, $0x0;
	s5 =	sld [smem:$0x3FB2]  }
0x2b: {  	s6 =	sld [smem:$0x3FB3]  }
0x2c: {  	s7 =	sld [smem:$0x3FB4]  }
0x2d: {  	s3 =	simm.s32 $0x108;
	s8 =	sld [smem:$0x3FB5]  }
0x2e: {  	s3 =	simm.s32 @!p0 $0x1082;
	s9 =	sld [smem:$0x3FB6]  }
0x2f: {  	lr =	sadd.s32 s0, s3;
	s0 =	sld [smem:$0x3FAD]  }
0x30: {  	s3 =	sld [smem:$0x3FB0]  }
0x31: {  	[smem:$0x3FB9] =	sst s10  }
0x32: {  	s10 =	sld [smem:$0x3FB7];
	_ =	sdelay $0x3  }
0x33: {  	p0 =	seq.s32 s10, $0x1;
	s10 =	sld [smem:$0x3FB9];
	_ =	sdelay $0x3  }
0x34: {  	[smem:$0x3FB9] =	sst s10  }
0x35: {  	s10 =	sld [smem:$0x3FB8];
	_ =	sdelay $0x3  }
0x36: {  	p1 =	seq.s32 s10, $0x1;
	s10 =	sld [smem:$0x3FB9];
	_ =	sdelay $0x3  }
0x37: {  	[smem:$0x3FB9] =	sst s10  }
0x38: {  	s10 =	sld [smem:$0x3FBA]  }
0x39: {  	_ = 	snop;
	(pc) =	sbr.ind lr, $3  }
0x3a: {  	_ = 	snop  }
0x3b: {  	_ = 	snop  }
0x3c: {  	p2 =	seq.s32 s10, $0x1;
	s10 =	sld [smem:$0x3FB9]  }
0x3d: {  	_ =	shalt  }
0x3e: {  	_ =	shalt  }
0x3f: {  	_ =	shalt  }
0x40: {  	_ =	shalt  }
0x41: {  	_ =	shalt  }
0x42: {  	_ =	shalt  }
0x43: {  	_ =	shalt  }
0x44: {  	_ =	shalt  }
0x45: {  	_ =	shalt  }
0x46: {  	_ =	shalt  }
0x47: {  	_ =	shalt  }
0x48: {  	_ =	shalt  }
0x49: {  	_ =	shalt  }
0x4a: {  	_ =	shalt  }
0x4b: {  	_ =	shalt  }
0x4c: {  	_ =	shalt  }
0x4d: {  	_ =	shalt  }
0x4e: {  	_ =	shalt  }
0x4f: {  	_ =	shalt  }
0x50: {  	_ =	shalt  }
0x51: {  	_ =	shalt  }
0x52: {  	_ =	shalt  }
0x53: {  	_ =	shalt  }
0x54: {  	_ =	shalt  }
0x55: {  	_ =	shalt  }
0x56: {  	_ =	shalt  }
0x57: {  	_ =	shalt  }
0x58: {  	_ =	shalt  }
0x59: {  	_ =	shalt  }
0x5a: {  	_ =	shalt  }
0x5b: {  	_ =	shalt  }
0x5c: {  	_ =	shalt  }
0x5d: {  	_ =	shalt  }
0x5e: {  	_ =	shalt  }
0x5f: {  	_ =	shalt  }
0x60: {  	_ =	shalt  }
0x61: {  	_ =	shalt  }
0x62: {  	_ =	shalt  }
0x63: {  	_ =	shalt  }
0x64: {  	_ =	shalt  }
0x65: {  	_ =	shalt  }
0x66: {  	_ =	shalt  }
0x67: {  	_ =	shalt  }
0x68: {  	_ =	shalt  }
0x69: {  	_ =	shalt  }
0x6a: {  	_ =	shalt  }
0x6b: {  	_ =	shalt  }
0x6c: {  	_ =	shalt  }
0x6d: {  	_ =	shalt  }
0x6e: {  	_ =	shalt  }
0x6f: {  	_ =	shalt  }
0x70: {  	_ =	shalt  }
0x71: {  	_ =	shalt  }
0x72: {  	_ =	shalt  }
0x73: {  	_ =	shalt  }
0x74: {  	_ =	shalt  }
0x75: {  	_ =	shalt  }
0x76: {  	_ =	shalt  }
0x77: {  	_ =	shalt  }
0x78: {  	_ =	shalt  }
0x79: {  	_ =	shalt  }
0x7a: {  	_ =	shalt  }
0x7b: {  	_ =	shalt  }
0x7c: {  	_ =	shalt  }
0x7d: {  	_ =	shalt  }
0x7e: {  	_ =	shalt  }
0x7f: {  	_ =	shalt  }
0x80: {  	_ =	shalt  }
0x81: {  	_ =	shalt  }
0x82: {  	_ =	shalt  }
0x83: {  	_ =	shalt  }
0x84: {  	_ =	shalt  }
0x85: {  	_ =	shalt  }
0x86: {  	_ =	shalt  }
0x87: {  	_ =	shalt  }
.Lfunc_end0:
.L_simem_size_0:
called_computation.2_lowered:
.L_overlay_start_0:
0x88: {  	s2 =	sld [smem:$0x3FD9]  }
0x89: {  	s3 =	sld [smem:$0x3FFE];
	_ =	sdelay $0x1  }
0x8a: {  	s1 =	srdreg.scid  }
0x8b: {  	s0 =	sand.u32 $0x1, s1  }
0x8c: {  	s16 =	sshll.u32 s0, $0xA;
	s2 =	sadd.s32 s3, s2  }
0x8d: {  	s2 =	sadd.s32 s2, s16  }
0x8e: {  	[smem:$0x3FC5] =	sst s2  }
0x8f: {  	_ = 	snop  }
0x90: {  	(tm) =	ssettm $0x1  }
0x91: {  	s17 =	sld [smem:$0x3FFB];
	_ =	sdelay $0x3  }
0x92: {  	_ =	strace s17  }
0x93: {  	s2 =	sld [smem:$0x3FFC];
	_ =	sdelay $0x3  }
0x94: {  	_ =	strace s2  }
0x95: {  	s2 =	sld [smem:$0x3FFD];
	_ =	sdelay $0x3  }
0x96: {  	_ =	strace s2  }
0x97: {  	_ =	strace $0x8FFFFFFF  }
0x98: {  	s18 =	sld [smem:$0x3FDB];
	_ =	sdelay $0x1  }
0x99: {  	s19 =	simm.s32 $_scs_section_size  }
0x9a: {  	s4 =	simm.s32 $_size__tile_overlayer_lowered;
	s5 =	simm.s32 $_tile_overlayer_lowered  }
0x9b: {  	s22 =	simm.s32 $0x1BFF;
	s21 =	sshll.u32 s5, $0x1;
	s2 =	sadd.s32 s19, s18  }
0x9c: {  	s6 =	simm.s32 $0x0;
	s20 =	sshll.u32 s4, $0x1;
	s4 =	sadd.s32 s21, s2  }
0x9d: {  	[timem:s6], [sflag:s22] =	dma.local [hbm:s4], s20  }
0x9e: {  	_ =	swait.ge [sflag:s22], s20  }
0x9f: {  	s3 =	ssub.s32 $0x0, s20;
	[sflag:s22] =	ssyncset.done $0x0  }
0xa0: {  	[sflag:s22] =	ssyncadd.s32 s3;
	_ =	sdelay $0x1  }
0xa1: {  	s23 =	simm.s32 $0x1B8B  }
0xa2: {  	_ =	swait.ge [sflag:s23], $0x1  }
0xa3: {  	[sflag:s23] =	ssyncset.done $0x0  }
0xa4: {  	s25 =	simm.s32 $0x1B8E;
	s24 =	sld [smem:$0x3FFE];
	[sflag:s23] =	ssyncadd.s32 $0xFFFFFFFF  }
0xa5: {  	s26 =	simm.s32 $execute0_lowered;
	[smem:$0x3FD2] =	sst s25  }
0xa6: {  	s4 =	sshll.u32 s26, $0x1;
	_ =	strace $0x8000004C;
	[dreg:$0x1] =	wrdreg $0xFFFFFFFF  }
0xa7: {  	s28 =	simm.s32 $_size_execute0_lowered;
	s2 =	sadd.s32 s2, s4;
	[dreg:$0x0] =	wrdreg $0x0  }
0xa8: {  	s4 =	sshll.u32 s28, $0x1;
	[dreg:$0x2] =	wrdreg s2  }
0xa9: {  	[dreg:$0x3] =	wrdreg s4  }
0xaa: {  	[dreg:$0x4] =	wrdreg $0xC0  }
0xab: {  	_ =	task [dreg:s6], $0x5FFFF  }
0xac: {  	[dreg:$0x1] =	wrdreg $0xFFFFFFFF  }
0xad: {  	[dreg:$0x0] =	wrdreg $0x60  }
0xae: {  	[dreg:$0x2] =	wrdreg s24  }
0xaf: {  	[dreg:$0x3] =	wrdreg $0x9  }
0xb0: {  	_ =	task.clear_ibuf [dreg:s6], $0x4FFFF;
	_ =	strace $0x9000004C  }
0xb1: {  	s29 =	simm.s32 $0x9;
	_ =	strace $0x8000004E  }
0xb2: {  	_ =	swait.ge [sflag:s29], $0x1  }
0xb3: {  	[sflag:s29] =	ssyncadd.s32 $0xFFFFFFFF  }
0xb4: {  	_ =	strace $0x9000004E  }
0xb5: {  	_ =	sfence  }
0xb6: {  	s30 =	sld [smem:$0x0];
	_ =	sdelay $0x2  }
0xb7: {  	s31 =	sshll.u32 s1, $0xD;
	s1 =	sshrl.u32 s1, $0x2  }
0xb8: {  	s3 =	sand.u32 $0x4000, s31;
	s1 =	sadd.s32 s1, s30  }
0xb9: {  	s0 =	sor.u32 s3, s0;
	s1 =	sshll.u32 s1, $0x11  }
0xba: {  	s0 =	sor.u32 s1, s0  }
0xbb: {  	s0 =	sadd.s32 $0x8F2B, s0  }
0xbc: {  	[sflag:s0] =	ssyncadd.remote.s32 $0x1  }
0xbd: {  	_ =	sfence.sel $0xFFFF  }
0xbe: {  	[dreg:$0x0] =	wrdreg $0xFFFFFFFF;
	(pc) =	sbr.abs _section_cstart, $3  }
0xbf: {  	[dreg:$0x1] =	wrdreg $0xFFFFFFFF  }
0xc0: {  	_ =	task.clear_ibuf [dreg:s6], $0x2FFFF;
	_ =	strace $0x9FFFFFFF  }
0xc1: {  	(tm) =	ssettm $0x7FFFFFFF  }
tec
execute0_lowered:
.L_overlay_start_1:
0x0: {  	(tag) =	ssettag $0x1  }
0x1: {  	s0 =	srdreg.scid  }
0x2: {  	s4 =	rddreg [dreg:$0x0];
	s1 =	stileid.u32  }
0x3: {  	s7 =	simm.s32 $0x1;
	s8 =	simm.s32 $0x6200;
	s3 =	sand.u32 $0x1, s0  }
0x4: {  	s9 =	simm.s32 $0xC400;
	s0 =	rddreg [dreg:$0x1];
	s2 =	sshll.u32 s3, $0x4  }
0x5: {  	s3 =	ssub.s32 $0x2, s3;
	s10 =	sor.u32 s1, s2;
	s2 =	simm.s32 $0x0  }
0x6: {  	s6 =	sshrl.u32 s3, $0x1;
	s5 =	smul.u32 $0xC40, s10;
	[smem:$0x7FF] =	sst s2  }
0x7: {  	s6 =	ssub.s32 s3, s6;
	p0 =	seq.s32 s10, $0x1F;
	s10 =	simm.s32 $0x0  }
0x8: {  	v0 =	vlaneseq.u32;
	_ =	strace $0x8000004D;
	s6 =	smax.u32 s6, $0x1;
	s5 =	sadd.s32 s5, s4  }
0x9: {  	v0 =	vmul.u32 $0x8, v0;
	s3 =	sadd.s32 $0x194000, s5;
	s4 =	sadd.s32 $0x1AC800, s5;
	s5 =	sadd.s32 $0x1000, s5  }
.LBB2_1:
0xa: {  	[tilespmem:s2], [sflag:$0x1] =	stream.linear.gather [hbm4b:s3+s2], $0x6200, $0x38;
	v1 =	vmov s2;
	[tilespmem:$0x12600] =	vst v63  }
0xb: {  	_ =	swait.ge [sflag:s7], $0x6200;
	v1 =	vshll.u32 v1, $0x3  }
0xc: {  	[sflag:s7] =	ssyncset.done $0x0;
	v1 =	vor.u32 v0, v1  }
0xd: {  	[sflag:s7] =	ssyncadd.s32 $0xFFFF9E00;
	v2 =	vor.u32 $0x4, v1  }
0xe: {  	[tilespmem:s8], [sflag:$0x1] =	stream.linear.gather [hbm4b:s4+s2], $0x6200, $0x38;
	[tilespmem:$0x12600] =	vst v63  }
0xf: {  	_ =	swait.ge [sflag:s7], $0x6200  }
0x10: {  	[sflag:s7] =	ssyncset.done $0x0  }
0x11: {  	[sflag:s7] =	ssyncadd.s32 $0xFFFF9E00  }
0x12: {  	v3 =	vld.idx.msk [tilespmem:v2+s8+$0x0], $0xffff  }
0x13: {  	v4 =	vld.idx.msk [tilespmem:v2+s2+$0x0], $0xffff;
	_ =	sdelay $0x1  }
0x14: {  	v5 =	vor.u32 $0x2, v1;
	_ =	sdelay $0x2  }
0x15: {  	v3 =	vadd.f32 v3, v4  }
0x16: {  	v2 =	vor.u32 $0x1, v1  }
0x17: {  	v8 =	vld.idx.msk [tilespmem:v5+s2+$0x0], $0xffff;
	v3 =	vmax.f32 v3, $1.000000000e+00  }
0x18: {  	v9 =	vor.u32 $0x3, v1;
	v6 =	vld.idx.msk [tilespmem:v1+s2+$0x0], $0xffff;
	(erf) = vrcp.f32 v3  }
0x19: {  	v4 =	vld.idx.msk [tilespmem:v1+s8+$0x0], $0xffff  }
0x1a: {  	v10 =	vld.idx.msk [tilespmem:v5+s8+$0x0], $0xffff  }
0x1b: {  	s11 =	simm.s32 $0x10;
	v7 =	vld.idx.msk [tilespmem:v2+s2+$0x0], $0xffff  }
0x1c: {  	v5 =	vmov s11;
	v3 =	vld.idx.msk [tilespmem:v2+s8+$0x0], $0xffff  }
0x1d: {  	v12 =	vshll.u32 v5, $0x3;
	v5 =	vld.idx.msk [tilespmem:v9+s2+$0x0], $0xffff  }
0x1e: {  	v11 =	vadd.f32 v4, v6;
	v4 =	vld.idx.msk [tilespmem:v9+s8+$0x0], $0xffff;
	_ =	sdelay $0x2  }
0x1f: {  	v6 =	vadd.f32 v3, v7;
	v7 =	vpop (erf)  }
0x20: {  	s11 =	simm.s32 $0x20;
	v8 =	vadd.f32 v10, v8;
	v3 =	vor.u32 v0, v12;
	v9 =	vmul.f32 v7, v11  }
.LBB2_2:
0x21: {  	p1 =	sne.s32 s11, $0xC30;
	v10 =	vor.u32 $0x4, v3;
	v4 =	vadd.f32 v4, v5;
	v5 =	vmul.f32 v7, v6  }
0x22: {  	v6 =	vadd.f32 v9, v8  }
0x23: {  	v4 =	vadd.f32 v5, v4  }
0x24: {  	[tilespmem:v1+s9+$0x0] =	vst.idx.msk $0xffff, v6;
	v1 =	vmov v3  }
0x25: {  	[tilespmem:v2+s9+$0x0] =	vst.idx.msk $0xffff, v4  }
0x26: {  	v3 =	vld.idx.msk [tilespmem:v10+s8+$0x0], $0xffff  }
0x27: {  	v4 =	vld.idx.msk [tilespmem:v10+s2+$0x0], $0xffff;
	_ =	sdelay $0x1  }
0x28: {  	v5 =	vor.u32 $0x3, v1  }
0x29: {  	v6 =	vor.u32 $0x2, v1  }
0x2a: {  	v2 =	vor.u32 $0x1, v1;
	_ =	sdelay $0x1  }
0x2b: {  	v3 =	vadd.f32 v3, v4  }
0x2c: {  	v4 =	vld.idx.msk [tilespmem:v5+s8+$0x0], $0xffff  }
0x2d: {  	v3 =	vmax.f32 v3, $1.000000000e+00;
	v8 =	vld.idx.msk [tilespmem:v6+s2+$0x0], $0xffff  }
0x2e: {  	v7 =	vld.idx.msk [tilespmem:v2+s8+$0x0], $0xffff;
	(erf) = vrcp.f32 v3  }
0x2f: {  	v3 =	vld.idx.msk [tilespmem:v1+s8+$0x0], $0xffff  }
0x30: {  	v9 =	vld.idx.msk [tilespmem:v1+s2+$0x0], $0xffff  }
0x31: {  	v10 =	vld.idx.msk [tilespmem:v2+s2+$0x0], $0xffff  }
0x32: {  	v11 =	vld.idx.msk [tilespmem:v6+s8+$0x0], $0xffff  }
0x33: {  	v5 =	vld.idx.msk [tilespmem:v5+s2+$0x0], $0xffff  }
.Ltmp0:
0x34: {  	(pc) =	sbr.rel @p1 .LBB2_2-.Ltmp0, $4  }
0x35: {  	_ = 	snop  }
0x36: {  	v6 =	vmov s11;
	v9 =	vadd.f32 v3, v9  }
0x37: {  	v3 =	vshll.u32 v6, $0x3;
	v6 =	vadd.f32 v7, v10;
	v7 =	vpop (erf)  }
0x38: {  	s11 =	sadd.s32 $0x10, s11;
	v3 =	vor.u32 v0, v3;
	v8 =	vadd.f32 v11, v8;
	v9 =	vmul.f32 v7, v9  }
0x39: {  	_ = 	snop  }
0x3a: {  	v10 =	vor.u32 $0x4, v3;
	v4 =	vadd.f32 v4, v5;
	v52 =	vmul.f32 v7, v6  }
0x3b: {  	v53 =	vadd.f32 v9, v8  }
0x3c: {  	v4 =	vadd.f32 v52, v4  }
0x3d: {  	[tilespmem:v1+s9+$0x0] =	vst.idx.msk $0xffff, v53  }
0x3e: {  	[tilespmem:v2+s9+$0x0] =	vst.idx.msk $0xffff, v4  }
0x3f: {  	v1 =	vld.idx.msk [tilespmem:v10+s8+$0x0], $0xffff  }
0x40: {  	v2 =	vld.idx.msk [tilespmem:v10+s2+$0x0], $0xffff;
	_ =	sdelay $0x1  }
0x41: {  	v55 =	vor.u32 $0x2, v3;
	_ =	sdelay $0x2  }
0x42: {  	v56 =	vor.u32 $0x1, v3;
	v1 =	vadd.f32 v1, v2;
	_ =	sdelay $0x1  }
0x43: {  	v57 =	vld.idx.msk [tilespmem:v55+s2+$0x0], $0xffff;
	v1 =	vmax.f32 v1, $1.000000000e+00  }
0x44: {  	v54 =	vor.u32 $0x3, v3;
	v58 =	vld.idx.msk [tilespmem:v3+s8+$0x0], $0xffff;
	(erf) = vrcp.f32 v1  }
0x45: {  	v59 =	vld.idx.msk [tilespmem:v3+s2+$0x0], $0xffff  }
0x46: {  	v60 =	vld.idx.msk [tilespmem:v56+s2+$0x0], $0xffff  }
0x47: {  	v5 =	vld.idx.msk [tilespmem:v55+s8+$0x0], $0xffff  }
0x48: {  	v1 =	vld.idx.msk [tilespmem:v56+s8+$0x0], $0xffff  }
0x49: {  	v4 =	vld.idx.msk [tilespmem:v54+s2+$0x0], $0xffff  }
0x4a: {  	v2 =	vld.idx.msk [tilespmem:v54+s8+$0x0], $0xffff;
	_ =	sdelay $0x1  }
0x4b: {  	v8 =	vadd.f32 v58, v59  }
0x4c: {  	v1 =	vadd.f32 v1, v60;
	v61 =	vpop (erf)  }
0x4d: {  	v5 =	vadd.f32 v5, v57;
	v62 =	vmul.f32 v61, v8  }
0x4e: {  	v2 =	vadd.f32 v2, v4;
	v1 =	vmul.f32 v61, v1  }
0x4f: {  	v63 =	vadd.f32 v62, v5  }
0x50: {  	v1 =	vadd.f32 v1, v2  }
0x51: {  	[tilespmem:v3+s9+$0x0] =	vst.idx.msk $0xffff, v63  }
0x52: {  	s11 =	simm.s32 @p0 $0x0;
	s12 =	simm.s32 @p0 $0xC400;
	[tilespmem:v56+s9+$0x0] =	vst.idx.msk $0xffff, v1  }
0x53: {  	[hbm4b:s5+s11] =	stream.linear.scatter @p0 [tilespmem:s12], [sflag:$0x1], $0x5700, $0x38;
	[tilespmem:$0x12600] =	vst v63  }
0x54: {  	s11 =	simm.s32 @p0 $0x1  }
0x55: {  	s10 =	sadd.s32 $0x1, s10;
	_ =	swait.ge @p0 [sflag:s11], $0x5700  }
0x56: {  	p1 =	sne.s32 s10, s6;
	[sflag:s11] =	ssyncset.done @p0 $0x0  }
0x57: {  	s12 =	simm.s32 @!p0 $0xC400;
	[sflag:s11] =	ssyncadd.s32 @p0 $0xFFFFA900;
	s11 =	simm.s32 @!p0 $0x0  }
0x58: {  	[hbm4b:s5+s11] =	stream.linear.scatter @!p0 [tilespmem:s12], [sflag:$0x1], $0x6200, $0x38;
	[tilespmem:$0x12600] =	vst v63  }
.Ltmp1:
0x59: {  	_ = 	snop;
	(pc) =	sbr.rel @p1 .LBB2_1-.Ltmp1, $4  }
0x5a: {  	s11 =	simm.s32 @!p0 $0x1  }
0x5b: {  	_ =	swait.ge @!p0 [sflag:s11], $0x6200  }
0x5c: {  	[sflag:s11] =	ssyncset.done @!p0 $0x0  }
0x5d: {  	[sflag:s11] =	ssyncadd.s32 @!p0 $0xFFFF9E00  }
0x5e: {  	_ =	sfence.sel $0x180000  }
0x5f: {  	[bflag:$0x0] =	sbarrier.arrive $0xFFFF  }
0x60: {  	p0 =	sne.s32 s1, $0x0;
	_ =	strace $0x9000004D  }
0x61: {  	s0 =	sadd.s32 @!p0 $0x100000, s0;
	[bflag:$0x2] =	sbarrier.arrive $0xFFFF  }
0x62: {  	[sflag:s0] =	ssyncadd.tile.s32 @!p0 $0x1;
	_ =	shalt  }
.Lfunc_end2:
_tile_overlayer_lowered:
.L_overlay_start_2:
0x63: {  	(tag) =	ssettag $0x2  }
0x64: {  	s0 =	rddreg [dreg:$0x0];
	s2 =	stileid.u32  }
0x65: {  	s1 =	rddreg [dreg:$0x1];
	p0 =	sne.s32 s2, $0x0  }
0x66: {  	s3 =	rddreg [dreg:$0x2];
	[bflag:$0x3] =	sbarrier.arrive $0xFFFF;
	s2 =	simm.s32 @!p0 $0x1C01  }
0x67: {  	[timem:s3], [sflag:s2] =	dma.local @!p0 [hbm:s0], s1  }
0x68: {  	s0 =	simm.s32 @!p0 $0x1  }
0x69: {  	_ =	swait.ge @!p0 [sflag:s0], s1  }
0x6a: {  	s1 =	ssub.s32 @!p0 $0x0, s1;
	[sflag:s0] =	ssyncset.done @!p0 $0x0  }
0x6b: {  	[sflag:s0] =	ssyncadd.s32 @!p0 s1  }
0x6c: {  	[bflag:$0x3] =	sbarrier.arrive $0xFFFF  }
0x6d: {  	_ =	shalt  }

// kernel: sparse-core-data-format-call.cloned.1.call-start
scs
called_computation_lowered:
.L_overlay_start_0:
0x0: {  	s2 =	sld [smem:$0x3FD9]  }
0x1: {  	s3 =	sld [smem:$0x3FFE];
	_ =	sdelay $0x1  }
0x2: {  	s1 =	srdreg.scid  }
0x3: {  	s0 =	sand.u32 $0x1, s1  }
0x4: {  	s18 =	sshll.u32 s0, $0xA;
	s2 =	sadd.s32 s3, s2  }
0x5: {  	s2 =	sadd.s32 s2, s18  }
0x6: {  	[smem:$0x3FC5] =	sst s2  }
0x7: {  	_ = 	snop  }
0x8: {  	s2 =	sld [smem:$0x3FC7];
	(tm) =	ssettm $0x1  }
0x9: {  	s19 =	sld [smem:$0x3FFB];
	_ =	sdelay $0x3  }
0xa: {  	_ =	strace s19  }
0xb: {  	s3 =	sld [smem:$0x3FFC];
	_ =	sdelay $0x3  }
0xc: {  	_ =	strace s3  }
0xd: {  	s3 =	sld [smem:$0x3FFD];
	_ =	sdelay $0x3  }
0xe: {  	_ =	strace s3  }
0xf: {  	_ =	strace $0x8FFFFFFF  }
0x10: {  	s20 =	sld [smem:$0x3FDB];
	_ =	sdelay $0x1  }
0x11: {  	s4 =	simm.s32 $_scs_section_size  }
0x12: {  	s5 =	simm.s32 $_size__tile_overlayer_lowered;
	s6 =	simm.s32 $_tile_overlayer_lowered  }
0x13: {  	s23 =	simm.s32 $0x1BFF;
	s22 =	sshll.u32 s6, $0x1;
	s3 =	sadd.s32 s4, s20  }
0x14: {  	s7 =	simm.s32 $0x0;
	s21 =	sshll.u32 s5, $0x1;
	s5 =	sadd.s32 s22, s3  }
0x15: {  	[timem:s7], [sflag:s23] =	dma.local [hbm:s5], s21  }
0x16: {  	_ =	swait.ge [sflag:s23], s21  }
0x17: {  	s4 =	ssub.s32 $0x0, s21;
	[sflag:s23] =	ssyncset.done $0x0  }
0x18: {  	[sflag:s23] =	ssyncadd.s32 s4;
	_ =	sdelay $0x1  }
0x19: {  	s24 =	simm.s32 $0x1B8B  }
0x1a: {  	_ =	swait.ge [sflag:s24], $0x1  }
0x1b: {  	[sflag:s24] =	ssyncset.done $0x0  }
0x1c: {  	s26 =	simm.s32 $0x1B8E;
	s25 =	sld [smem:$0x3FFE];
	[sflag:s24] =	ssyncadd.s32 $0xFFFFFFFF  }
0x1d: {  	s27 =	simm.s32 $execute0_lowered;
	[smem:$0x3FD2] =	sst s26  }
0x1e: {  	s5 =	sshll.u32 s27, $0x1;
	_ =	strace $0x80000046;
	[dreg:$0x1] =	wrdreg $0xFFFFFFFF  }
0x1f: {  	s28 =	simm.s32 $_size_execute0_lowered;
	s3 =	sadd.s32 s3, s5;
	[dreg:$0x0] =	wrdreg $0x0  }
0x20: {  	s5 =	sshll.u32 s28, $0x1;
	[dreg:$0x2] =	wrdreg s3  }
0x21: {  	[dreg:$0x3] =	wrdreg s5  }
0x22: {  	[dreg:$0x4] =	wrdreg $0xC0  }
0x23: {  	_ =	task [dreg:s7], $0x5FFFF  }
0x24: {  	[dreg:$0x1] =	wrdreg $0xFFFFFFFF  }
0x25: {  	[dreg:$0x0] =	wrdreg $0x60  }
0x26: {  	[dreg:$0x2] =	wrdreg s2  }
0x27: {  	[dreg:$0x3] =	wrdreg s25  }
0x28: {  	[dreg:$0x4] =	wrdreg $0x9  }
0x29: {  	_ =	task.clear_ibuf [dreg:s7], $0x5FFFF;
	_ =	strace $0x90000046  }
0x2a: {  	s29 =	simm.s32 $0x9;
	_ =	strace $0x80000048  }
0x2b: {  	_ =	swait.ge [sflag:s29], $0x1  }
0x2c: {  	[sflag:s29] =	ssyncadd.s32 $0xFFFFFFFF  }
0x2d: {  	_ =	strace $0x90000048  }
0x2e: {  	_ =	sfence  }
0x2f: {  	s30 =	sld [smem:$0x0];
	_ =	sdelay $0x2  }
0x30: {  	s31 =	sshll.u32 s1, $0xD;
	s1 =	sshrl.u32 s1, $0x2  }
0x31: {  	s3 =	sand.u32 $0x4000, s31;
	s1 =	sadd.s32 s1, s30  }
0x32: {  	s0 =	sor.u32 s3, s0;
	s1 =	sshll.u32 s1, $0x11  }
0x33: {  	s0 =	sor.u32 s1, s0  }
0x34: {  	s0 =	sadd.s32 $0x8F2B, s0  }
0x35: {  	[sflag:s0] =	ssyncadd.remote.s32 $0x1  }
0x36: {  	_ =	sfence.sel $0xFFFF  }
0x37: {  	[dreg:$0x0] =	wrdreg $0xFFFFFFFF;
	(pc) =	sbr.abs _section_cstart, $3  }
0x38: {  	[dreg:$0x1] =	wrdreg $0xFFFFFFFF  }
0x39: {  	_ =	task.clear_ibuf [dreg:s7], $0x2FFFF;
	_ =	strace $0x9FFFFFFF  }
0x3a: {  	(tm) =	ssettm $0x7FFFFFFF  }
0x3b: {  	_ =	shalt  }
tec
execute0_lowered:
.L_overlay_start_1:
0x0: {  	(tag) =	ssettag $0x1  }
0x1: {  	s0 =	stileid.u32;
	s7 =	rddreg [dreg:$0x0]  }
0x2: {  	s1 =	srdreg.scid;
	s4 =	rddreg [dreg:$0x1]  }
0x3: {  	s30 =	simm.s32 $0x2;
	s10 =	simm.s32 $0x0;
	s14 =	simm.s32 $0x0  }
0x4: {  	s15 =	simm.s32 $0x0;
	s11 =	simm.s32 $0x0;
	s13 =	simm.s32 $0x0  }
0x5: {  	s2 =	sand.u32 $0x1, s1;
	s3 =	sshll.u32 s0, $0x7;
	s1 =	rddreg [dreg:$0x2]  }
0x6: {  	_ =	strace $0x80000047;
	s5 =	ssub.s32 $0xC300, s3;
	s6 =	ssub.s32 $0x2, s2  }
.Ltmp0:
0x7: {  	s5 =	sshrl.u32 s5, $0xB;
	s8 =	sshrl.u32 s6, $0x1;
	(pc) =	sbr.rel .LBB1_1-.Ltmp0, $4  }
0x8: {  	s4 =	sadd.s32 $0x1000, s4;
	s9 =	sadd.s32 $0x1, s5;
	s6 =	ssub.s32 s6, s8  }
0x9: {  	s31 =	sshll.u32 s2, $0x4;
	s5 =	simm.s32 $0x1;
	s6 =	smul.u32 s9, s6  }
0xa: {  	s12 =	smov.u32 s3;
	s7 =	sadd.s32 s7, s31;
	[sflag:s5] =	ssyncpa.u1 $0x0  }
0xb: {  	s9 =	simm.s32 $0x0;
	[sflag:s30] =	ssyncpa.u1 $0x0;
	s8 =	sadd.s32 $0x1, s6  }
.LBB1_4:
0xc: {  	s21 =	simm.s32 $0x0  }
.LBB1_8:
0xd: {  	_ =	sdelay $0x3  }
0xe: {  	v6 =	vld [tilespmem:s18+$0xFFFFFFC0];
	[tilespmem:v0+s20+$0x30 ss:$0x1] =	vst.idx.msk @p0 $0xffff, v2  }
0xf: {  	v58 =	vld [tilespmem:s18+$0xFFFFFFD0];
	[tilespmem:v0+s20+$0x40 ss:$0x1] =	vst.idx.msk @p0 $0xffff, v3;
	s21 =	sadd.s32 @p0 $0x80, s21  }
0x10: {  	v59 =	vld [tilespmem:s18+$0xFFFFFFE0];
	[tilespmem:v0+s20+$0x50 ss:$0x1] =	vst.idx.msk @p0 $0xffff, v5;
	s19 =	smov.u32 @p0 s21  }
0x11: {  	v60 =	vld [tilespmem:s18+$0xFFFFFFF0];
	[tilespmem:v0+s20+$0x60 ss:$0x1] =	vst.idx.msk @p0 $0xffff, v4;
	s19 =	sand.u32 $0x3F80, s19  }
0x12: {  	v61 =	vld [tilespmem:s18+$0x0];
	[tilespmem:v0+s19+$0x70 ss:$0x1] =	vst.idx.msk $0xffff, v1  }
0x13: {  	v62 =	vld [tilespmem:s18+$0x10];
	[tilespmem:v0+s19+$0x0 ss:$0x1] =	vst.idx.msk $0xffff, v6  }
0x14: {  	v63 =	vld [tilespmem:s18+$0x20];
	[tilespmem:v0+s19+$0x10 ss:$0x1] =	vst.idx.msk $0xffff, v58  }
0x15: {  	[tilespmem:v0+s19+$0x20 ss:$0x1] =	vst.idx.msk $0xffff, v59  }
0x16: {  	[tilespmem:v0+s19+$0x30 ss:$0x1] =	vst.idx.msk $0xffff, v60  }
0x17: {  	[tilespmem:v0+s19+$0x40 ss:$0x1] =	vst.idx.msk $0xffff, v61  }
0x18: {  	[tilespmem:v0+s19+$0x50 ss:$0x1] =	vst.idx.msk $0xffff, v62  }
0x19: {  	[tilespmem:v0+s19+$0x60 ss:$0x1] =	vst.idx.msk $0xffff, v63  }
.LBB1_9:
0x1a: {  	s18 =	sand.u32 $0x1FFFFFF, s11  }
0x1b: {  	s19 =	smulhi.u32 $0x14F8B59, s18;
	_ =	sdelay $0x1  }
0x1c: {  	s19 =	sshrl.u32 s19, $0x8  }
0x1d: {  	s19 =	smul.u32 $0xC350, s19  }
0x1e: {  	s15 =	smul.u32 $0xC3500, s15  }
0x1f: {  	s18 =	ssub.s32 s18, s19  }
0x20: {  	s15 =	sadd.s32 s4, s15;
	s18 =	sshll.u32 s18, $0x4  }
0x21: {  	s15 =	sadd.s32 s18, s15  }
0x22: {  	[hbm4b:s15+s9] =	stream.linear.scatter [tilespmem:s17], [sflag:$0x2], s16, $0x38;
	[tilespmem:$0x10000] =	vst v63  }
.LBB1_10:
0x23: {  	p0 =	slt.u32 s13, $0x2  }
0x24: {  	p1 =	sgt.s32 @!p0 s14, $0xC2D0  }
0x25: {  	s15 =	smov.u32 s14;
	s16 =	sshra.s32 @!p0 s14, $0x1F;
	p1 =	por !p1, p0  }
0x26: {  	s14 =	sand.u32 @!p0 s16, s14;
	s15 =	simm.s32 @p1 $0xC2D0  }
0x27: {  	s14 =	ssub.s32 @!p0 s15, s14  }
0x28: {  	s14 =	sadd.s32 @!p0 $0xFFFF3D30, s14  }
0x29: {  	s15 =	sshll.u32 @!p0 s14, $0x7  }
0x2a: {  	p1 =	sgt.s32 @!p0 s14, $0x7F;
	s14 =	ssub.s32 @!p0 $0x4000, s15  }
0x2b: {  	s16 =	sadd.s32 $0x800, s12;
	p1 =	por !p1, p0;
	s14 =	sand.u32 @!p0 $0x3FFFFF80, s14  }
0x2c: {  	s14 =	simm.s32 @!p1 $0x0;
	p1 =	sgt.s32 s16, $0xC34F  }
0x2d: {  	s16 =	smov.u32 @p1 s3;
	p1 =	sne.s32 s13, s8  }
.Ltmp1:
0x2e: {  	_ = 	snop;
	(pc) =	sbr.rel @!p1 .LBB1_11-.Ltmp1, $4  }
0x2f: {  	s10 =	sadd.s32 $0x4000, s10;
	s15 =	simm.s32 @!p0 $0x2  }
0x30: {  	_ =	swait.ge @!p0 [sflag:s15], s14;
	s17 =	ssub.s32 @!p0 $0x0, s14;
	s14 =	smov.u32 s11  }
0x31: {  	s13 =	sadd.s32 $0x1, s13;
	s11 =	smov.u32 s12;
	[sflag:s15] =	ssyncset.done @!p0 $0x0  }
0x32: {  	s12 =	smov.u32 s16;
	[sflag:s15] =	ssyncadd.s32 @!p0 s17;
	s15 =	smov.u32 s2  }
.LBB1_1:
0x33: {  	p0 =	sge.u32 s13, s6  }
0x34: {  	p1 =	sgt.s32 @!p0 s12, $0xC2D0  }
0x35: {  	s16 =	smov.u32 s12;
	s17 =	sshra.s32 @!p0 s12, $0x1F;
	p1 =	por !p1, p0  }
0x36: {  	s17 =	sand.u32 @!p0 s17, s12;
	s16 =	simm.s32 @p1 $0xC2D0  }
0x37: {  	s16 =	ssub.s32 @!p0 s16, s17  }
0x38: {  	s31 =	sadd.s32 $0xFFFFFFFF, s13;
	s18 =	sxor.u32 @!p0 $0xFFFFFFFF, s13;
	s16 =	sadd.s32 @!p0 $0xFFFF3D30, s16  }
0x39: {  	s19 =	simm.s32 @!p0 $0x80;
	s20 =	simm.s32 @!p0 $0x100;
	s17 =	sshll.u32 @!p0 s16, $0x7  }
0x3a: {  	p1 =	sgt.s32 @!p0 s16, $0x7F;
	s16 =	ssub.s32 @!p0 $0x4000, s17;
	s17 =	sshll.u32 @!p0 s18, $0xE  }
0x3b: {  	p1 =	por !p1, p0;
	s18 =	sshll.u32 @!p0 s12, $0x5;
	s16 =	sand.u32 @!p0 $0x3FFFFF80, s16  }
0x3c: {  	s17 =	sand.u32 @!p0 $0x4000, s17;
	s18 =	sadd.s32 @!p0 s18, s7;
	s16 =	simm.s32 @!p1 $0x0  }
0x3d: {  	[tilespmem:s17], [sflag:$0x1] =	stream.strided.gather @!p0 [hbm4b:s18+s19], s16, s20, s19, $0x38;
	[tilespmem:$0x10000] =	vst v63  }
0x3e: {  	p0 =	sge.u32 s31, s6  }
.Ltmp2:
0x3f: {  	_ = 	snop;
	(pc) =	sbr.rel @p0 .LBB1_10-.Ltmp2, $1  }
0x40: {  	_ =	sdelay $0x3  }
0x41: {  	p0 =	sgt.s32 s11, $0xC2D0;
	s16 =	smov.u32 s11;
	s17 =	sshra.s32 s11, $0x1F  }
0x42: {  	s16 =	simm.s32 @!p0 $0xC2D0;
	s17 =	sand.u32 s17, s11  }
0x43: {  	s16 =	ssub.s32 s16, s17  }
0x44: {  	s16 =	sadd.s32 $0xFFFF3D30, s16  }
0x45: {  	s30 =	sshll.u32 s16, $0x7  }
0x46: {  	s17 =	ssub.s32 $0x4000, s30  }
0x47: {  	p0 =	sgt.s32 s16, $0x7F;
	s16 =	sand.u32 $0x3FFFFF80, s17;
	s17 =	sadd.s32 $0x80, s11  }
0x48: {  	s16 =	simm.s32 @p0 $0x0;
	p0 =	slt.s32 s17, $0xC350  }
0x49: {  	s17 =	simm.s32 @!p0 $0xC350  }
0x4a: {  	s20 =	ssub.s32 s17, s11  }
0x4b: {  	p0 =	slt.s32 s20, $0x1  }
.Ltmp3:
0x4c: {  	_ = 	snop;
	(pc) =	sbr.rel @p0 .LBB1_9-.Ltmp3, $4  }
0x4d: {  	_ = 	snop  }
0x4e: {  	s19 =	sshll.u32 s13, $0xE;
	_ =	swait.ge [sflag:s5], s16  }
0x4f: {  	s31 =	sand.u32 $0x4000, s19;
	s18 =	ssub.s32 $0x0, s16;
	[sflag:s5] =	ssyncset.done $0x0  }
0x50: {  	s17 =	sor.u32 $0x8000, s31;
	[sflag:s5] =	ssyncadd.s32 s18  }
0x51: {  	p1 =	sne.s32 s20, $0x1  }
.Ltmp4:
0x52: {  	v0 =	vmov s17;
	(pc) =	sbr.rel @!p1 .LBB1_4-.Ltmp4, $4  }
0x53: {  	_ = 	snop  }
0x54: {  	s18 =	sand.u32 $0x4000, s10  }
0x55: {  	s18 =	sor.u32 $0x40, s18  }
0x56: {  	s19 =	simm.s32 $0x0;
	s21 =	sadd.s32 $0xFFFFFFFF, s20;
	p0 =	por $0x0, $0x0;
	v1 =	vld [tilespmem:s18+$0x30]  }
0x57: {  	v4 =	vld [tilespmem:s18+$0xFFFFFFC0]  }
0x58: {  	v6 =	vld [tilespmem:s18+$0xFFFFFFD0]  }
0x59: {  	v7 =	vld [tilespmem:s18+$0xFFFFFFE0];
	p1 =	sne.s32 s21, $0x1  }
.Ltmp5:
0x5a: {  	v2 =	vld [tilespmem:s18+$0xFFFFFFF0];
	s20 =	sand.u32 $0x3F80, s19;
	(pc) =	sbr.rel @!p1 .LBB1_6-.Ltmp5, $4  }
0x5b: {  	v3 =	vld [tilespmem:s18+$0x0];
	[tilespmem:v0+s20+$0x70 ss:$0x1] =	vst.idx.msk $0xffff, v1  }
0x5c: {  	v5 =	vld [tilespmem:s18+$0x10];
	[tilespmem:v0+s20+$0x0 ss:$0x1] =	vst.idx.msk $0xffff, v4  }
0x5d: {  	v4 =	vld [tilespmem:s18+$0x20];
	[tilespmem:v0+s20+$0x10 ss:$0x1] =	vst.idx.msk $0xffff, v6;
	s18 =	sadd.s32 $0x80, s18  }
0x5e: {  	s22 =	sadd.s32 $0xFFFFFFFF, s21;
	p0 =	por $0x1, $0x1;
	s21 =	simm.s32 $0x0;
	[tilespmem:v0+s20+$0x20 ss:$0x1] =	vst.idx.msk $0xffff, v7;
	v1 =	vld [tilespmem:s18+$0x30]  }
.LBB1_7:
0x5f: {  	p1 =	sne.s32 s22, $0x1;
	v6 =	vld [tilespmem:s18+$0xFFFFFFC0];
	[tilespmem:v0+s20+$0x30 ss:$0x1] =	vst.idx.msk $0xffff, v2  }
0x60: {  	v7 =	vld [tilespmem:s18+$0xFFFFFFD0];
	[tilespmem:v0+s20+$0x40 ss:$0x1] =	vst.idx.msk $0xffff, v3  }
0x61: {  	s21 =	sadd.s32 $0x80, s21;
	v8 =	vld [tilespmem:s18+$0xFFFFFFE0];
	[tilespmem:v0+s20+$0x50 ss:$0x1] =	vst.idx.msk $0xffff, v5  }
.Ltmp6:
0x62: {  	v2 =	vld [tilespmem:s18+$0xFFFFFFF0];
	[tilespmem:v0+s20+$0x60 ss:$0x1] =	vst.idx.msk $0xffff, v4;
	s20 =	sand.u32 $0x3F80, s21;
	(pc) =	sbr.rel @p1 .LBB1_7-.Ltmp6, $4  }
0x63: {  	v3 =	vld [tilespmem:s18+$0x0];
	[tilespmem:v0+s20+$0x70 ss:$0x1] =	vst.idx.msk $0xffff, v1  }
0x64: {  	[tilespmem:v0+s20+$0x0 ss:$0x1] =	vst.idx.msk $0xffff, v6;
	v5 =	vld [tilespmem:s18+$0x10]  }
0x65: {  	[tilespmem:v0+s20+$0x10 ss:$0x1] =	vst.idx.msk $0xffff, v7;
	v4 =	vld [tilespmem:s18+$0x20];
	s18 =	sadd.s32 $0x80, s18  }
0x66: {  	s22 =	sadd.s32 $0xFFFFFFFF, s22;
	v1 =	vld [tilespmem:s18+$0x30];
	[tilespmem:v0+s20+$0x20 ss:$0x1] =	vst.idx.msk $0xffff, v8  }
.Ltmp7:
0x67: {  	_ = 	snop;
	(pc) =	sbr.rel .LBB1_8-.Ltmp7, $1  }
0x68: {  	_ =	sdelay $0x3  }
.LBB1_6:
.Ltmp8:
0x69: {  	(pc) =	sbr.rel .LBB1_8-.Ltmp8, $2  }
0x6a: {  	_ =	sdelay $0x2  }
0x6b: {  	s21 =	simm.s32 $0x0  }
.LBB1_11:
0x6c: {  	_ =	sfence.sel $0x180000  }
0x6d: {  	s2 =	simm.s32 $0x1;
	[bflag:$0x0] =	sbarrier.arrive $0xFFFF  }
0x6e: {  	s31 =	simm.s32 $0x2;
	[sflag:s2] =	ssyncpa.u1 $0x1  }
0x6f: {  	[sflag:s31] =	ssyncpa.u1 $0x1  }
0x70: {  	p0 =	sne.s32 s0, $0x0;
	_ =	strace $0x90000047  }
0x71: {  	s0 =	sadd.s32 @!p0 $0x100000, s1;
	[bflag:$0x2] =	sbarrier.arrive $0xFFFF  }
0x72: {  	[sflag:s0] =	ssyncadd.tile.s32 @!p0 $0x1;
	_ =	shalt  }
.Lfunc_end1:
_tile_overlayer_lowered:
.L_overlay_start_2:
0x73: {  	(tag) =	ssettag $0x2  }
0x74: {  	s0 =	rddreg [dreg:$0x0];
	s2 =	stileid.u32  }
0x75: {  	s1 =	rddreg [dreg:$0x1];
	p0 =	sne.s32 s2, $0x0  }
0x76: {  	s3 =	rddreg [dreg:$0x2];
	[bflag:$0x3] =	sbarrier.arrive $0xFFFF;
	s2 =	simm.s32 @!p0 $0x1C01  }
0x77: {  	[timem:s3], [sflag:s2] =	dma.local @!p0 [hbm:s0], s1  }
0x78: {  	s0 =	simm.s32 @!p0 $0x1  }
0x79: {  	_ =	swait.ge @!p0 [sflag:s0], s1  }
0x7a: {  	s1 =	ssub.s32 @!p0 $0x0, s1;
	[sflag:s0] =	ssyncset.done @!p0 $0x0  }
0x7b: {  	[sflag:s0] =	ssyncadd.s32 @!p0 s1  }
0x7c: {  	[bflag:$0x3] =	sbarrier.arrive $0xFFFF  }
0x7d: {  	_ =	shalt  }

</sc_bundles>
